<compile_context>
chip_gen: v7x
topology: tpu7x:2x2x1
jax: 0.10.2.dev20260603
libtpu: 0.0.44.dev20260713+nightly
codegen_flags: <defaults>
</compile_context>

<pallas_src>
import functools

import numpy as np
import jax
import jax.numpy as jnp
from jax import lax
from jax.experimental import pallas as pl
from jax.experimental.pallas import tpu as pltpu
from jax.experimental.pallas import tpu_sc as plsc

_FIELD_DIMS = [40000] * 26
_NF = 26
_EMB = 32
_BATCH = 16384
_ROWS = _BATCH * _NF
_NW = 32
_BPW = _ROWS // _NW
_BATW = _BATCH // _NW
_CHUNK = 128
_KB = _BATW // _CHUNK
_NCH = _BPW // _CHUNK
_LANES = 16
_VPC = _CHUNK // _LANES

_FDIM = _FIELD_DIMS[0]
_NB = 8
_NR = _NCH // _NB

_mesh = plsc.VectorSubcoreMesh(core_axis_name="c", subcore_axis_name="s")


@functools.partial(
    pl.kernel,
    mesh=_mesh,
    out_type=jax.ShapeDtypeStruct((_ROWS, _EMB), jnp.float32),
    compiler_params=pltpu.CompilerParams(use_tc_tiling_on_sc=False),
    scratch_types=[
        pltpu.VMEM((_NF * _BATW,), jnp.int32),
        pltpu.VMEM((_NCH, _CHUNK), jnp.int32),
        pltpu.VMEM((_NCH, _CHUNK), jnp.int32),
        pltpu.VMEM((_NB, _CHUNK, _EMB), jnp.float32),
        pltpu.SemaphoreType.DMA,
        [pltpu.SemaphoreType.DMA] * _NB,
        [pltpu.SemaphoreType.DMA] * _NB,
    ],
)
def _emb_gather(xt_hbm, w_hbm, out_hbm, xs_v, gidx_v, oidx_v, bufs,
                xsem, gsems, ssems):
    cid = lax.axis_index("c")
    sid = lax.axis_index("s")
    wid = sid * 2 + cid
    b0 = wid * _BATW

    stages = [
        pltpu.async_copy(
            xt_hbm.at[f, pl.ds(b0, _BATW)],
            xs_v.at[pl.ds(f * _BATW, _BATW)], xsem)
        for f in range(_NF)
    ]

    ramp = lax.iota(jnp.int32, _LANES) * _NF
    for h in stages:
        h.wait()

    def _fix(j, _):
        f = lax.div(j, _KB)
        k = lax.rem(j, _KB)
        off = f * _FDIM
        o0 = (b0 + k * _CHUNK) * _NF + f
        for t in range(_VPC):
            s = pl.ds(t * _LANES, _LANES)
            gidx_v[j, s] = xs_v[pl.ds(f * _BATW + k * _CHUNK + t * _LANES,
                                      _LANES)] + off
            oidx_v[j, s] = ramp + (o0 + t * _LANES * _NF)
        return ()

    lax.fori_loop(0, _NCH, _fix, ())

    def _round(r, _):
        handles = []
        for t in range(_NB):
            @pl.when(r > 0)
            def _drain(t=t):
                pltpu.make_async_copy(
                    bufs.at[t], out_hbm.at[oidx_v.at[0]], ssems[t]
                ).wait()
            j = r * _NB + t
            handles.append(
                pltpu.async_copy(w_hbm.at[gidx_v.at[j]], bufs.at[t], gsems[t]))
        for t in range(_NB):
            handles[t].wait()
            j = r * _NB + t
            pltpu.async_copy(
                bufs.at[t], out_hbm.at[oidx_v.at[j]], ssems[t])
        return ()

    lax.fori_loop(0, _NR, _round, ())

    for t in range(_NB):
        pltpu.make_async_copy(
            bufs.at[t], out_hbm.at[oidx_v.at[0]], ssems[t]).wait()


def kernel(x, W):
    xt = x.astype(jnp.int32).T
    out = _emb_gather(xt, W.astype(jnp.float32))
    return out.reshape(_BATCH, _NF, _EMB)

# --- scband reference (transcript-rebuilt; emitter-appended) ---
"""Pipeline reference for scband-feature-embedding-79250736546641 (READ-ONLY COPY).

The authoritative reference and input builder live on the scoring server;
editing this copy changes nothing except your own understanding.
"""

import jax, jax.numpy as jnp
import numpy as np

FIELD_DIMS = [40000] * 26
EMB_DIM = 32
TOTAL = sum(FIELD_DIMS)
BATCH = 16384


def setup_inputs(seed: int = 0) -> dict:
    key = jax.random.key(seed)
    k1, k2 = jax.random.split(key)
    x = jax.random.randint(k1, (BATCH, len(FIELD_DIMS)), 0, min(FIELD_DIMS), dtype=jnp.int64 if jax.config.jax_enable_x64 else jnp.int32)
    # xavier_normal_ on a (TOTAL, EMB_DIM) parameter: std = sqrt(2/(fan_in+fan_out))
    std = float(np.sqrt(2.0 / (TOTAL + EMB_DIM)))
    W = jax.random.normal(k2, (TOTAL, EMB_DIM), dtype=jnp.float32) * std
    return {"x": x, "W": W}


def reference(x, W):
    offsets = jnp.asarray([0, *np.cumsum(FIELD_DIMS)[:-1]], dtype=x.dtype)
    idx = x + offsets[None, :]
    return jnp.take(W, idx, axis=0)

if __name__ == "__main__":
    import jax
    _d = setup_inputs()
    print(jax.jit(kernel)(*tuple(_d.values())))

</pallas_src>

<mosaic_0001>
#map = affine_map<(d0, d1) -> (0, 0)>
module attributes {stable_mosaic.version = 14 : i64} {
  func.func @_emb_gather(%arg0: i32, %arg1: i32, %arg2: memref<26x16384xi32, #tpu.memory_space<hbm>>, %arg3: memref<1040000x32xf32, #tpu.memory_space<hbm>>, %arg4: memref<425984x32xf32, #tpu.memory_space<hbm>>, %arg5: memref<13312xi32, #tpu.memory_space<vmem>>, %arg6: memref<104x128xi32, #tpu.memory_space<vmem>>, %arg7: memref<104x128xi32, #tpu.memory_space<vmem>>, %arg8: memref<8x128x32xf32, #tpu.memory_space<vmem>>, %arg9: memref<!tpu.dma_semaphore, #tpu.memory_space<semaphore_mem>>, %arg10: memref<!tpu.dma_semaphore, #tpu.memory_space<semaphore_mem>>, %arg11: memref<!tpu.dma_semaphore, #tpu.memory_space<semaphore_mem>>, %arg12: memref<!tpu.dma_semaphore, #tpu.memory_space<semaphore_mem>>, %arg13: memref<!tpu.dma_semaphore, #tpu.memory_space<semaphore_mem>>, %arg14: memref<!tpu.dma_semaphore, #tpu.memory_space<semaphore_mem>>, %arg15: memref<!tpu.dma_semaphore, #tpu.memory_space<semaphore_mem>>, %arg16: memref<!tpu.dma_semaphore, #tpu.memory_space<semaphore_mem>>, %arg17: memref<!tpu.dma_semaphore, #tpu.memory_space<semaphore_mem>>, %arg18: memref<!tpu.dma_semaphore, #tpu.memory_space<semaphore_mem>>, %arg19: memref<!tpu.dma_semaphore, #tpu.memory_space<semaphore_mem>>, %arg20: memref<!tpu.dma_semaphore, #tpu.memory_space<semaphore_mem>>, %arg21: memref<!tpu.dma_semaphore, #tpu.memory_space<semaphore_mem>>, %arg22: memref<!tpu.dma_semaphore, #tpu.memory_space<semaphore_mem>>, %arg23: memref<!tpu.dma_semaphore, #tpu.memory_space<semaphore_mem>>, %arg24: memref<!tpu.dma_semaphore, #tpu.memory_space<semaphore_mem>>, %arg25: memref<!tpu.dma_semaphore, #tpu.memory_space<semaphore_mem>>) attributes {dimension_semantics = [#tpu.dimension_semantics<core_parallel>, #tpu.dimension_semantics<subcore_parallel>], iteration_bounds = array<i64: 2, 16>, scalar_prefetch = 0 : i64, scratch_operands = 21 : i64, tpu.core_type = #tpu.core_type<sc_vector_subcore>, window_params = [{transform_indices = #map}, {transform_indices = #map}, {transform_indices = #map}]} {
    %mul3A = arith.constant 2 : i32
    %mul3A_0 = arith.muli %arg1, %mul3A : i32
    %add3A = arith.addi %mul3A_0, %arg0 : i32
    %mul3A_1 = arith.constant 512 : i32
    %mul3A_2 = arith.muli %add3A, %mul3A_1 : i32
    %dma_start3A = arith.constant 0 : i32
    %dma_start3A_3 = arith.constant 0 : i32
    %dma_start3A_4 = tpu.memref_slice %arg5[%dma_start3A_3] : memref<13312xi32, #tpu.memory_space<vmem>> -> memref<512xi32, #tpu.memory_space<vmem>>
    %dma_start3A_5 = tpu.memref_slice %arg2[%dma_start3A, %mul3A_2] : memref<26x16384xi32, #tpu.memory_space<hbm>> -> memref<1x512xi32, #tpu.memory_space<hbm>>
    %dma_start3A_6 = tpu.memref_squeeze %dma_start3A_5 : memref<1x512xi32, #tpu.memory_space<hbm>> -> memref<512xi32, #tpu.memory_space<hbm>>
    %dma_start3A_7 = arith.constant 0 : i32
    %dma_start3A_8 = tpu.memref_slice %arg5[%dma_start3A_7] : memref<13312xi32, #tpu.memory_space<vmem>> -> memref<512xi32, #tpu.memory_space<vmem>>
    %dma_start3A_9 = tpu.memref_slice %arg2[%dma_start3A, %mul3A_2] : memref<26x16384xi32, #tpu.memory_space<hbm>> -> memref<1x512xi32, #tpu.memory_space<hbm>>
    %dma_start3A_10 = tpu.memref_squeeze %dma_start3A_9 : memref<1x512xi32, #tpu.memory_space<hbm>> -> memref<512xi32, #tpu.memory_space<hbm>>
    tpu.enqueue_dma source(%dma_start3A_10 : memref<512xi32, #tpu.memory_space<hbm>>) target(%dma_start3A_8 : memref<512xi32, #tpu.memory_space<vmem>>) target_semaphore(%arg9 : memref<!tpu.dma_semaphore, #tpu.memory_space<semaphore_mem>>)
    %dma_start3A_11 = arith.constant 1 : i32
    %dma_start3A_12 = arith.constant 512 : i32
    %dma_start3A_13 = tpu.memref_slice %arg5[%dma_start3A_12] : memref<13312xi32, #tpu.memory_space<vmem>> -> memref<512xi32, #tpu.memory_space<vmem>>
    %dma_start3A_14 = tpu.memref_slice %arg2[%dma_start3A_11, %mul3A_2] : memref<26x16384xi32, #tpu.memory_space<hbm>> -> memref<1x512xi32, #tpu.memory_space<hbm>>
    %dma_start3A_15 = tpu.memref_squeeze %dma_start3A_14 : memref<1x512xi32, #tpu.memory_space<hbm>> -> memref<512xi32, #tpu.memory_space<hbm>>
    %dma_start3A_16 = arith.constant 512 : i32
    %dma_start3A_17 = tpu.memref_slice %arg5[%dma_start3A_16] : memref<13312xi32, #tpu.memory_space<vmem>> -> memref<512xi32, #tpu.memory_space<vmem>>
    %dma_start3A_18 = tpu.memref_slice %arg2[%dma_start3A_11, %mul3A_2] : memref<26x16384xi32, #tpu.memory_space<hbm>> -> memref<1x512xi32, #tpu.memory_space<hbm>>
    %dma_start3A_19 = tpu.memref_squeeze %dma_start3A_18 : memref<1x512xi32, #tpu.memory_space<hbm>> -> memref<512xi32, #tpu.memory_space<hbm>>
    tpu.enqueue_dma source(%dma_start3A_19 : memref<512xi32, #tpu.memory_space<hbm>>) target(%dma_start3A_17 : memref<512xi32, #tpu.memory_space<vmem>>) target_semaphore(%arg9 : memref<!tpu.dma_semaphore, #tpu.memory_space<semaphore_mem>>)
    %dma_start3A_20 = arith.constant 2 : i32
    %dma_start3A_21 = arith.constant 1024 : i32
    %dma_start3A_22 = tpu.memref_slice %arg5[%dma_start3A_21] : memref<13312xi32, #tpu.memory_space<vmem>> -> memref<512xi32, #tpu.memory_space<vmem>>
    %dma_start3A_23 = tpu.memref_slice %arg2[%dma_start3A_20, %mul3A_2] : memref<26x16384xi32, #tpu.memory_space<hbm>> -> memref<1x512xi32, #tpu.memory_space<hbm>>
    %dma_start3A_24 = tpu.memref_squeeze %dma_start3A_23 : memref<1x512xi32, #tpu.memory_space<hbm>> -> memref<512xi32, #tpu.memory_space<hbm>>
    %dma_start3A_25 = arith.constant 1024 : i32
    %dma_start3A_26 = tpu.memref_slice %arg5[%dma_start3A_25] : memref<13312xi32, #tpu.memory_space<vmem>> -> memref<512xi32, #tpu.memory_space<vmem>>
    %dma_start3A_27 = tpu.memref_slice %arg2[%dma_start3A_20, %mul3A_2] : memref<26x16384xi32, #tpu.memory_space<hbm>> -> memref<1x512xi32, #tpu.memory_space<hbm>>
    %dma_start3A_28 = tpu.memref_squeeze %dma_start3A_27 : memref<1x512xi32, #tpu.memory_space<hbm>> -> memref<512xi32, #tpu.memory_space<hbm>>
    tpu.enqueue_dma source(%dma_start3A_28 : memref<512xi32, #tpu.memory_space<hbm>>) target(%dma_start3A_26 : memref<512xi32, #tpu.memory_space<vmem>>) target_semaphore(%arg9 : memref<!tpu.dma_semaphore, #tpu.memory_space<semaphore_mem>>)
    %dma_start3A_29 = arith.constant 3 : i32
    %dma_start3A_30 = arith.constant 1536 : i32
    %dma_start3A_31 = tpu.memref_slice %arg5[%dma_start3A_30] : memref<13312xi32, #tpu.memory_space<vmem>> -> memref<512xi32, #tpu.memory_space<vmem>>
    %dma_start3A_32 = tpu.memref_slice %arg2[%dma_start3A_29, %mul3A_2] : memref<26x16384xi32, #tpu.memory_space<hbm>> -> memref<1x512xi32, #tpu.memory_space<hbm>>
    %dma_start3A_33 = tpu.memref_squeeze %dma_start3A_32 : memref<1x512xi32, #tpu.memory_space<hbm>> -> memref<512xi32, #tpu.memory_space<hbm>>
    %dma_start3A_34 = arith.constant 1536 : i32
    %dma_start3A_35 = tpu.memref_slice %arg5[%dma_start3A_34] : memref<13312xi32, #tpu.memory_space<vmem>> -> memref<512xi32, #tpu.memory_space<vmem>>
    %dma_start3A_36 = tpu.memref_slice %arg2[%dma_start3A_29, %mul3A_2] : memref<26x16384xi32, #tpu.memory_space<hbm>> -> memref<1x512xi32, #tpu.memory_space<hbm>>
    %dma_start3A_37 = tpu.memref_squeeze %dma_start3A_36 : memref<1x512xi32, #tpu.memory_space<hbm>> -> memref<512xi32, #tpu.memory_space<hbm>>
    tpu.enqueue_dma source(%dma_start3A_37 : memref<512xi32, #tpu.memory_space<hbm>>) target(%dma_start3A_35 : memref<512xi32, #tpu.memory_space<vmem>>) target_semaphore(%arg9 : memref<!tpu.dma_semaphore, #tpu.memory_space<semaphore_mem>>)
    %dma_start3A_38 = arith.constant 4 : i32
    %dma_start3A_39 = arith.constant 2048 : i32
    %dma_start3A_40 = tpu.memref_slice %arg5[%dma_start3A_39] : memref<13312xi32, #tpu.memory_space<vmem>> -> memref<512xi32, #tpu.memory_space<vmem>>
    %dma_start3A_41 = tpu.memref_slice %arg2[%dma_start3A_38, %mul3A_2] : memref<26x16384xi32, #tpu.memory_space<hbm>> -> memref<1x512xi32, #tpu.memory_space<hbm>>
    %dma_start3A_42 = tpu.memref_squeeze %dma_start3A_41 : memref<1x512xi32, #tpu.memory_space<hbm>> -> memref<512xi32, #tpu.memory_space<hbm>>
    %dma_start3A_43 = arith.constant 2048 : i32
    %dma_start3A_44 = tpu.memref_slice %arg5[%dma_start3A_43] : memref<13312xi32, #tpu.memory_space<vmem>> -> memref<512xi32, #tpu.memory_space<vmem>>
    %dma_start3A_45 = tpu.memref_slice %arg2[%dma_start3A_38, %mul3A_2] : memref<26x16384xi32, #tpu.memory_space<hbm>> -> memref<1x512xi32, #tpu.memory_space<hbm>>
    %dma_start3A_46 = tpu.memref_squeeze %dma_start3A_45 : memref<1x512xi32, #tpu.memory_space<hbm>> -> memref<512xi32, #tpu.memory_space<hbm>>
    tpu.enqueue_dma source(%dma_start3A_46 : memref<512xi32, #tpu.memory_space<hbm>>) target(%dma_start3A_44 : memref<512xi32, #tpu.memory_space<vmem>>) target_semaphore(%arg9 : memref<!tpu.dma_semaphore, #tpu.memory_space<semaphore_mem>>)
    %dma_start3A_47 = arith.constant 5 : i32
    %dma_start3A_48 = arith.constant 2560 : i32
    %dma_start3A_49 = tpu.memref_slice %arg5[%dma_start3A_48] : memref<13312xi32, #tpu.memory_space<vmem>> -> memref<512xi32, #tpu.memory_space<vmem>>
    %dma_start3A_50 = tpu.memref_slice %arg2[%dma_start3A_47, %mul3A_2] : memref<26x16384xi32, #tpu.memory_space<hbm>> -> memref<1x512xi32, #tpu.memory_space<hbm>>
    %dma_start3A_51 = tpu.memref_squeeze %dma_start3A_50 : memref<1x512xi32, #tpu.memory_space<hbm>> -> memref<512xi32, #tpu.memory_space<hbm>>
    %dma_start3A_52 = arith.constant 2560 : i32
    %dma_start3A_53 = tpu.memref_slice %arg5[%dma_start3A_52] : memref<13312xi32, #tpu.memory_space<vmem>> -> memref<512xi32, #tpu.memory_space<vmem>>
    %dma_start3A_54 = tpu.memref_slice %arg2[%dma_start3A_47, %mul3A_2] : memref<26x16384xi32, #tpu.memory_space<hbm>> -> memref<1x512xi32, #tpu.memory_space<hbm>>
    %dma_start3A_55 = tpu.memref_squeeze %dma_start3A_54 : memref<1x512xi32, #tpu.memory_space<hbm>> -> memref<512xi32, #tpu.memory_space<hbm>>
    tpu.enqueue_dma source(%dma_start3A_55 : memref<512xi32, #tpu.memory_space<hbm>>) target(%dma_start3A_53 : memref<512xi32, #tpu.memory_space<vmem>>) target_semaphore(%arg9 : memref<!tpu.dma_semaphore, #tpu.memory_space<semaphore_mem>>)
    %dma_start3A_56 = arith.constant 6 : i32
    %dma_start3A_57 = arith.constant 3072 : i32
    %dma_start3A_58 = tpu.memref_slice %arg5[%dma_start3A_57] : memref<13312xi32, #tpu.memory_space<vmem>> -> memref<512xi32, #tpu.memory_space<vmem>>
    %dma_start3A_59 = tpu.memref_slice %arg2[%dma_start3A_56, %mul3A_2] : memref<26x16384xi32, #tpu.memory_space<hbm>> -> memref<1x512xi32, #tpu.memory_space<hbm>>
    %dma_start3A_60 = tpu.memref_squeeze %dma_start3A_59 : memref<1x512xi32, #tpu.memory_space<hbm>> -> memref<512xi32, #tpu.memory_space<hbm>>
    %dma_start3A_61 = arith.constant 3072 : i32
    %dma_start3A_62 = tpu.memref_slice %arg5[%dma_start3A_61] : memref<13312xi32, #tpu.memory_space<vmem>> -> memref<512xi32, #tpu.memory_space<vmem>>
    %dma_start3A_63 = tpu.memref_slice %arg2[%dma_start3A_56, %mul3A_2] : memref<26x16384xi32, #tpu.memory_space<hbm>> -> memref<1x512xi32, #tpu.memory_space<hbm>>
    %dma_start3A_64 = tpu.memref_squeeze %dma_start3A_63 : memref<1x512xi32, #tpu.memory_space<hbm>> -> memref<512xi32, #tpu.memory_space<hbm>>
    tpu.enqueue_dma source(%dma_start3A_64 : memref<512xi32, #tpu.memory_space<hbm>>) target(%dma_start3A_62 : memref<512xi32, #tpu.memory_space<vmem>>) target_semaphore(%arg9 : memref<!tpu.dma_semaphore, #tpu.memory_space<semaphore_mem>>)
    %dma_start3A_65 = arith.constant 7 : i32
    %dma_start3A_66 = arith.constant 3584 : i32
    %dma_start3A_67 = tpu.memref_slice %arg5[%dma_start3A_66] : memref<13312xi32, #tpu.memory_space<vmem>> -> memref<512xi32, #tpu.memory_space<vmem>>
    %dma_start3A_68 = tpu.memref_slice %arg2[%dma_start3A_65, %mul3A_2] : memref<26x16384xi32, #tpu.memory_space<hbm>> -> memref<1x512xi32, #tpu.memory_space<hbm>>
    %dma_start3A_69 = tpu.memref_squeeze %dma_start3A_68 : memref<1x512xi32, #tpu.memory_space<hbm>> -> memref<512xi32, #tpu.memory_space<hbm>>
    %dma_start3A_70 = arith.constant 3584 : i32
    %dma_start3A_71 = tpu.memref_slice %arg5[%dma_start3A_70] : memref<13312xi32, #tpu.memory_space<vmem>> -> memref<512xi32, #tpu.memory_space<vmem>>
    %dma_start3A_72 = tpu.memref_slice %arg2[%dma_start3A_65, %mul3A_2] : memref<26x16384xi32, #tpu.memory_space<hbm>> -> memref<1x512xi32, #tpu.memory_space<hbm>>
    %dma_start3A_73 = tpu.memref_squeeze %dma_start3A_72 : memref<1x512xi32, #tpu.memory_space<hbm>> -> memref<512xi32, #tpu.memory_space<hbm>>
    tpu.enqueue_dma source(%dma_start3A_73 : memref<512xi32, #tpu.memory_space<hbm>>) target(%dma_start3A_71 : memref<512xi32, #tpu.memory_space<vmem>>) target_semaphore(%arg9 : memref<!tpu.dma_semaphore, #tpu.memory_space<semaphore_mem>>)
    %dma_start3A_74 = arith.constant 8 : i32
    %dma_start3A_75 = arith.constant 4096 : i32
    %dma_start3A_76 = tpu.memref_slice %arg5[%dma_start3A_75] : memref<13312xi32, #tpu.memory_space<vmem>> -> memref<512xi32, #tpu.memory_space<vmem>>
    %dma_start3A_77 = tpu.memref_slice %arg2[%dma_start3A_74, %mul3A_2] : memref<26x16384xi32, #tpu.memory_space<hbm>> -> memref<1x512xi32, #tpu.memory_space<hbm>>
    %dma_start3A_78 = tpu.memref_squeeze %dma_start3A_77 : memref<1x512xi32, #tpu.memory_space<hbm>> -> memref<512xi32, #tpu.memory_space<hbm>>
    %dma_start3A_79 = arith.constant 4096 : i32
    %dma_start3A_80 = tpu.memref_slice %arg5[%dma_start3A_79] : memref<13312xi32, #tpu.memory_space<vmem>> -> memref<512xi32, #tpu.memory_space<vmem>>
    %dma_start3A_81 = tpu.memref_slice %arg2[%dma_start3A_74, %mul3A_2] : memref<26x16384xi32, #tpu.memory_space<hbm>> -> memref<1x512xi32, #tpu.memory_space<hbm>>
    %dma_start3A_82 = tpu.memref_squeeze %dma_start3A_81 : memref<1x512xi32, #tpu.memory_space<hbm>> -> memref<512xi32, #tpu.memory_space<hbm>>
    tpu.enqueue_dma source(%dma_start3A_82 : memref<512xi32, #tpu.memory_space<hbm>>) target(%dma_start3A_80 : memref<512xi32, #tpu.memory_space<vmem>>) target_semaphore(%arg9 : memref<!tpu.dma_semaphore, #tpu.memory_space<semaphore_mem>>)
    %dma_start3A_83 = arith.constant 9 : i32
    %dma_start3A_84 = arith.constant 4608 : i32
    %dma_start3A_85 = tpu.memref_slice %arg5[%dma_start3A_84] : memref<13312xi32, #tpu.memory_space<vmem>> -> memref<512xi32, #tpu.memory_space<vmem>>
    %dma_start3A_86 = tpu.memref_slice %arg2[%dma_start3A_83, %mul3A_2] : memref<26x16384xi32, #tpu.memory_space<hbm>> -> memref<1x512xi32, #tpu.memory_space<hbm>>
    %dma_start3A_87 = tpu.memref_squeeze %dma_start3A_86 : memref<1x512xi32, #tpu.memory_space<hbm>> -> memref<512xi32, #tpu.memory_space<hbm>>
    %dma_start3A_88 = arith.constant 4608 : i32
    %dma_start3A_89 = tpu.memref_slice %arg5[%dma_start3A_88] : memref<13312xi32, #tpu.memory_space<vmem>> -> memref<512xi32, #tpu.memory_space<vmem>>
    %dma_start3A_90 = tpu.memref_slice %arg2[%dma_start3A_83, %mul3A_2] : memref<26x16384xi32, #tpu.memory_space<hbm>> -> memref<1x512xi32, #tpu.memory_space<hbm>>
    %dma_start3A_91 = tpu.memref_squeeze %dma_start3A_90 : memref<1x512xi32, #tpu.memory_space<hbm>> -> memref<512xi32, #tpu.memory_space<hbm>>
    tpu.enqueue_dma source(%dma_start3A_91 : memref<512xi32, #tpu.memory_space<hbm>>) target(%dma_start3A_89 : memref<512xi32, #tpu.memory_space<vmem>>) target_semaphore(%arg9 : memref<!tpu.dma_semaphore, #tpu.memory_space<semaphore_mem>>)
    %dma_start3A_92 = arith.constant 10 : i32
    %dma_start3A_93 = arith.constant 5120 : i32
    %dma_start3A_94 = tpu.memref_slice %arg5[%dma_start3A_93] : memref<13312xi32, #tpu.memory_space<vmem>> -> memref<512xi32, #tpu.memory_space<vmem>>
    %dma_start3A_95 = tpu.memref_slice %arg2[%dma_start3A_92, %mul3A_2] : memref<26x16384xi32, #tpu.memory_space<hbm>> -> memref<1x512xi32, #tpu.memory_space<hbm>>
    %dma_start3A_96 = tpu.memref_squeeze %dma_start3A_95 : memref<1x512xi32, #tpu.memory_space<hbm>> -> memref<512xi32, #tpu.memory_space<hbm>>
    %dma_start3A_97 = arith.constant 5120 : i32
    %dma_start3A_98 = tpu.memref_slice %arg5[%dma_start3A_97] : memref<13312xi32, #tpu.memory_space<vmem>> -> memref<512xi32, #tpu.memory_space<vmem>>
    %dma_start3A_99 = tpu.memref_slice %arg2[%dma_start3A_92, %mul3A_2] : memref<26x16384xi32, #tpu.memory_space<hbm>> -> memref<1x512xi32, #tpu.memory_space<hbm>>
    %dma_start3A_100 = tpu.memref_squeeze %dma_start3A_99 : memref<1x512xi32, #tpu.memory_space<hbm>> -> memref<512xi32, #tpu.memory_space<hbm>>
    tpu.enqueue_dma source(%dma_start3A_100 : memref<512xi32, #tpu.memory_space<hbm>>) target(%dma_start3A_98 : memref<512xi32, #tpu.memory_space<vmem>>) target_semaphore(%arg9 : memref<!tpu.dma_semaphore, #tpu.memory_space<semaphore_mem>>)
    %dma_start3A_101 = arith.constant 11 : i32
    %dma_start3A_102 = arith.constant 5632 : i32
    %dma_start3A_103 = tpu.memref_slice %arg5[%dma_start3A_102] : memref<13312xi32, #tpu.memory_space<vmem>> -> memref<512xi32, #tpu.memory_space<vmem>>
    %dma_start3A_104 = tpu.memref_slice %arg2[%dma_start3A_101, %mul3A_2] : memref<26x16384xi32, #tpu.memory_space<hbm>> -> memref<1x512xi32, #tpu.memory_space<hbm>>
    %dma_start3A_105 = tpu.memref_squeeze %dma_start3A_104 : memref<1x512xi32, #tpu.memory_space<hbm>> -> memref<512xi32, #tpu.memory_space<hbm>>
    %dma_start3A_106 = arith.constant 5632 : i32
    %dma_start3A_107 = tpu.memref_slice %arg5[%dma_start3A_106] : memref<13312xi32, #tpu.memory_space<vmem>> -> memref<512xi32, #tpu.memory_space<vmem>>
    %dma_start3A_108 = tpu.memref_slice %arg2[%dma_start3A_101, %mul3A_2] : memref<26x16384xi32, #tpu.memory_space<hbm>> -> memref<1x512xi32, #tpu.memory_space<hbm>>
    %dma_start3A_109 = tpu.memref_squeeze %dma_start3A_108 : memref<1x512xi32, #tpu.memory_space<hbm>> -> memref<512xi32, #tpu.memory_space<hbm>>
    tpu.enqueue_dma source(%dma_start3A_109 : memref<512xi32, #tpu.memory_space<hbm>>) target(%dma_start3A_107 : memref<512xi32, #tpu.memory_space<vmem>>) target_semaphore(%arg9 : memref<!tpu.dma_semaphore, #tpu.memory_space<semaphore_mem>>)
    %dma_start3A_110 = arith.constant 12 : i32
    %dma_start3A_111 = arith.constant 6144 : i32
    %dma_start3A_112 = tpu.memref_slice %arg5[%dma_start3A_111] : memref<13312xi32, #tpu.memory_space<vmem>> -> memref<512xi32, #tpu.memory_space<vmem>>
    %dma_start3A_113 = tpu.memref_slice %arg2[%dma_start3A_110, %mul3A_2] : memref<26x16384xi32, #tpu.memory_space<hbm>> -> memref<1x512xi32, #tpu.memory_space<hbm>>
    %dma_start3A_114 = tpu.memref_squeeze %dma_start3A_113 : memref<1x512xi32, #tpu.memory_space<hbm>> -> memref<512xi32, #tpu.memory_space<hbm>>
    %dma_start3A_115 = arith.constant 6144 : i32
    %dma_start3A_116 = tpu.memref_slice %arg5[%dma_start3A_115] : memref<13312xi32, #tpu.memory_space<vmem>> -> memref<512xi32, #tpu.memory_space<vmem>>
    %dma_start3A_117 = tpu.memref_slice %arg2[%dma_start3A_110, %mul3A_2] : memref<26x16384xi32, #tpu.memory_space<hbm>> -> memref<1x512xi32, #tpu.memory_space<hbm>>
    %dma_start3A_118 = tpu.memref_squeeze %dma_start3A_117 : memref<1x512xi32, #tpu.memory_space<hbm>> -> memref<512xi32, #tpu.memory_space<hbm>>
    tpu.enqueue_dma source(%dma_start3A_118 : memref<512xi32, #tpu.memory_space<hbm>>) target(%dma_start3A_116 : memref<512xi32, #tpu.memory_space<vmem>>) target_semaphore(%arg9 : memref<!tpu.dma_semaphore, #tpu.memory_space<semaphore_mem>>)
    %dma_start3A_119 = arith.constant 13 : i32
    %dma_start3A_120 = arith.constant 6656 : i32
    %dma_start3A_121 = tpu.memref_slice %arg5[%dma_start3A_120] : memref<13312xi32, #tpu.memory_space<vmem>> -> memref<512xi32, #tpu.memory_space<vmem>>
    %dma_start3A_122 = tpu.memref_slice %arg2[%dma_start3A_119, %mul3A_2] : memref<26x16384xi32, #tpu.memory_space<hbm>> -> memref<1x512xi32, #tpu.memory_space<hbm>>
    %dma_start3A_123 = tpu.memref_squeeze %dma_start3A_122 : memref<1x512xi32, #tpu.memory_space<hbm>> -> memref<512xi32, #tpu.memory_space<hbm>>
    %dma_start3A_124 = arith.constant 6656 : i32
    %dma_start3A_125 = tpu.memref_slice %arg5[%dma_start3A_124] : memref<13312xi32, #tpu.memory_space<vmem>> -> memref<512xi32, #tpu.memory_space<vmem>>
    %dma_start3A_126 = tpu.memref_slice %arg2[%dma_start3A_119, %mul3A_2] : memref<26x16384xi32, #tpu.memory_space<hbm>> -> memref<1x512xi32, #tpu.memory_space<hbm>>
    %dma_start3A_127 = tpu.memref_squeeze %dma_start3A_126 : memref<1x512xi32, #tpu.memory_space<hbm>> -> memref<512xi32, #tpu.memory_space<hbm>>
    tpu.enqueue_dma source(%dma_start3A_127 : memref<512xi32, #tpu.memory_space<hbm>>) target(%dma_start3A_125 : memref<512xi32, #tpu.memory_space<vmem>>) target_semaphore(%arg9 : memref<!tpu.dma_semaphore, #tpu.memory_space<semaphore_mem>>)
    %dma_start3A_128 = arith.constant 14 : i32
    %dma_start3A_129 = arith.constant 7168 : i32
    %dma_start3A_130 = tpu.memref_slice %arg5[%dma_start3A_129] : memref<13312xi32, #tpu.memory_space<vmem>> -> memref<512xi32, #tpu.memory_space<vmem>>
    %dma_start3A_131 = tpu.memref_slice %arg2[%dma_start3A_128, %mul3A_2] : memref<26x16384xi32, #tpu.memory_space<hbm>> -> memref<1x512xi32, #tpu.memory_space<hbm>>
    %dma_start3A_132 = tpu.memref_squeeze %dma_start3A_131 : memref<1x512xi32, #tpu.memory_space<hbm>> -> memref<512xi32, #tpu.memory_space<hbm>>
    %dma_start3A_133 = arith.constant 7168 : i32
    %dma_start3A_134 = tpu.memref_slice %arg5[%dma_start3A_133] : memref<13312xi32, #tpu.memory_space<vmem>> -> memref<512xi32, #tpu.memory_space<vmem>>
    %dma_start3A_135 = tpu.memref_slice %arg2[%dma_start3A_128, %mul3A_2] : memref<26x16384xi32, #tpu.memory_space<hbm>> -> memref<1x512xi32, #tpu.memory_space<hbm>>
    %dma_start3A_136 = tpu.memref_squeeze %dma_start3A_135 : memref<1x512xi32, #tpu.memory_space<hbm>> -> memref<512xi32, #tpu.memory_space<hbm>>
    tpu.enqueue_dma source(%dma_start3A_136 : memref<512xi32, #tpu.memory_space<hbm>>) target(%dma_start3A_134 : memref<512xi32, #tpu.memory_space<vmem>>) target_semaphore(%arg9 : memref<!tpu.dma_semaphore, #tpu.memory_space<semaphore_mem>>)
    %dma_start3A_137 = arith.constant 15 : i32
    %dma_start3A_138 = arith.constant 7680 : i32
    %dma_start3A_139 = tpu.memref_slice %arg5[%dma_start3A_138] : memref<13312xi32, #tpu.memory_space<vmem>> -> memref<512xi32, #tpu.memory_space<vmem>>
    %dma_start3A_140 = tpu.memref_slice %arg2[%dma_start3A_137, %mul3A_2] : memref<26x16384xi32, #tpu.memory_space<hbm>> -> memref<1x512xi32, #tpu.memory_space<hbm>>
    %dma_start3A_141 = tpu.memref_squeeze %dma_start3A_140 : memref<1x512xi32, #tpu.memory_space<hbm>> -> memref<512xi32, #tpu.memory_space<hbm>>
    %dma_start3A_142 = arith.constant 7680 : i32
    %dma_start3A_143 = tpu.memref_slice %arg5[%dma_start3A_142] : memref<13312xi32, #tpu.memory_space<vmem>> -> memref<512xi32, #tpu.memory_space<vmem>>
    %dma_start3A_144 = tpu.memref_slice %arg2[%dma_start3A_137, %mul3A_2] : memref<26x16384xi32, #tpu.memory_space<hbm>> -> memref<1x512xi32, #tpu.memory_space<hbm>>
    %dma_start3A_145 = tpu.memref_squeeze %dma_start3A_144 : memref<1x512xi32, #tpu.memory_space<hbm>> -> memref<512xi32, #tpu.memory_space<hbm>>
    tpu.enqueue_dma source(%dma_start3A_145 : memref<512xi32, #tpu.memory_space<hbm>>) target(%dma_start3A_143 : memref<512xi32, #tpu.memory_space<vmem>>) target_semaphore(%arg9 : memref<!tpu.dma_semaphore, #tpu.memory_space<semaphore_mem>>)
    %dma_start3A_146 = arith.constant 16 : i32
    %dma_start3A_147 = arith.constant 8192 : i32
    %dma_start3A_148 = tpu.memref_slice %arg5[%dma_start3A_147] : memref<13312xi32, #tpu.memory_space<vmem>> -> memref<512xi32, #tpu.memory_space<vmem>>
    %dma_start3A_149 = tpu.memref_slice %arg2[%dma_start3A_146, %mul3A_2] : memref<26x16384xi32, #tpu.memory_space<hbm>> -> memref<1x512xi32, #tpu.memory_space<hbm>>
    %dma_start3A_150 = tpu.memref_squeeze %dma_start3A_149 : memref<1x512xi32, #tpu.memory_space<hbm>> -> memref<512xi32, #tpu.memory_space<hbm>>
    %dma_start3A_151 = arith.constant 8192 : i32
    %dma_start3A_152 = tpu.memref_slice %arg5[%dma_start3A_151] : memref<13312xi32, #tpu.memory_space<vmem>> -> memref<512xi32, #tpu.memory_space<vmem>>
    %dma_start3A_153 = tpu.memref_slice %arg2[%dma_start3A_146, %mul3A_2] : memref<26x16384xi32, #tpu.memory_space<hbm>> -> memref<1x512xi32, #tpu.memory_space<hbm>>
    %dma_start3A_154 = tpu.memref_squeeze %dma_start3A_153 : memref<1x512xi32, #tpu.memory_space<hbm>> -> memref<512xi32, #tpu.memory_space<hbm>>
    tpu.enqueue_dma source(%dma_start3A_154 : memref<512xi32, #tpu.memory_space<hbm>>) target(%dma_start3A_152 : memref<512xi32, #tpu.memory_space<vmem>>) target_semaphore(%arg9 : memref<!tpu.dma_semaphore, #tpu.memory_space<semaphore_mem>>)
    %dma_start3A_155 = arith.constant 17 : i32
    %dma_start3A_156 = arith.constant 8704 : i32
    %dma_start3A_157 = tpu.memref_slice %arg5[%dma_start3A_156] : memref<13312xi32, #tpu.memory_space<vmem>> -> memref<512xi32, #tpu.memory_space<vmem>>
    %dma_start3A_158 = tpu.memref_slice %arg2[%dma_start3A_155, %mul3A_2] : memref<26x16384xi32, #tpu.memory_space<hbm>> -> memref<1x512xi32, #tpu.memory_space<hbm>>
    %dma_start3A_159 = tpu.memref_squeeze %dma_start3A_158 : memref<1x512xi32, #tpu.memory_space<hbm>> -> memref<512xi32, #tpu.memory_space<hbm>>
    %dma_start3A_160 = arith.constant 8704 : i32
    %dma_start3A_161 = tpu.memref_slice %arg5[%dma_start3A_160] : memref<13312xi32, #tpu.memory_space<vmem>> -> memref<512xi32, #tpu.memory_space<vmem>>
    %dma_start3A_162 = tpu.memref_slice %arg2[%dma_start3A_155, %mul3A_2] : memref<26x16384xi32, #tpu.memory_space<hbm>> -> memref<1x512xi32, #tpu.memory_space<hbm>>
    %dma_start3A_163 = tpu.memref_squeeze %dma_start3A_162 : memref<1x512xi32, #tpu.memory_space<hbm>> -> memref<512xi32, #tpu.memory_space<hbm>>
    tpu.enqueue_dma source(%dma_start3A_163 : memref<512xi32, #tpu.memory_space<hbm>>) target(%dma_start3A_161 : memref<512xi32, #tpu.memory_space<vmem>>) target_semaphore(%arg9 : memref<!tpu.dma_semaphore, #tpu.memory_space<semaphore_mem>>)
    %dma_start3A_164 = arith.constant 18 : i32
    %dma_start3A_165 = arith.constant 9216 : i32
    %dma_start3A_166 = tpu.memref_slice %arg5[%dma_start3A_165] : memref<13312xi32, #tpu.memory_space<vmem>> -> memref<512xi32, #tpu.memory_space<vmem>>
    %dma_start3A_167 = tpu.memref_slice %arg2[%dma_start3A_164, %mul3A_2] : memref<26x16384xi32, #tpu.memory_space<hbm>> -> memref<1x512xi32, #tpu.memory_space<hbm>>
    %dma_start3A_168 = tpu.memref_squeeze %dma_start3A_167 : memref<1x512xi32, #tpu.memory_space<hbm>> -> memref<512xi32, #tpu.memory_space<hbm>>
    %dma_start3A_169 = arith.constant 9216 : i32
    %dma_start3A_170 = tpu.memref_slice %arg5[%dma_start3A_169] : memref<13312xi32, #tpu.memory_space<vmem>> -> memref<512xi32, #tpu.memory_space<vmem>>
    %dma_start3A_171 = tpu.memref_slice %arg2[%dma_start3A_164, %mul3A_2] : memref<26x16384xi32, #tpu.memory_space<hbm>> -> memref<1x512xi32, #tpu.memory_space<hbm>>
    %dma_start3A_172 = tpu.memref_squeeze %dma_start3A_171 : memref<1x512xi32, #tpu.memory_space<hbm>> -> memref<512xi32, #tpu.memory_space<hbm>>
    tpu.enqueue_dma source(%dma_start3A_172 : memref<512xi32, #tpu.memory_space<hbm>>) target(%dma_start3A_170 : memref<512xi32, #tpu.memory_space<vmem>>) target_semaphore(%arg9 : memref<!tpu.dma_semaphore, #tpu.memory_space<semaphore_mem>>)
    %dma_start3A_173 = arith.constant 19 : i32
    %dma_start3A_174 = arith.constant 9728 : i32
    %dma_start3A_175 = tpu.memref_slice %arg5[%dma_start3A_174] : memref<13312xi32, #tpu.memory_space<vmem>> -> memref<512xi32, #tpu.memory_space<vmem>>
    %dma_start3A_176 = tpu.memref_slice %arg2[%dma_start3A_173, %mul3A_2] : memref<26x16384xi32, #tpu.memory_space<hbm>> -> memref<1x512xi32, #tpu.memory_space<hbm>>
    %dma_start3A_177 = tpu.memref_squeeze %dma_start3A_176 : memref<1x512xi32, #tpu.memory_space<hbm>> -> memref<512xi32, #tpu.memory_space<hbm>>
    %dma_start3A_178 = arith.constant 9728 : i32
    %dma_start3A_179 = tpu.memref_slice %arg5[%dma_start3A_178] : memref<13312xi32, #tpu.memory_space<vmem>> -> memref<512xi32, #tpu.memory_space<vmem>>
    %dma_start3A_180 = tpu.memref_slice %arg2[%dma_start3A_173, %mul3A_2] : memref<26x16384xi32, #tpu.memory_space<hbm>> -> memref<1x512xi32, #tpu.memory_space<hbm>>
    %dma_start3A_181 = tpu.memref_squeeze %dma_start3A_180 : memref<1x512xi32, #tpu.memory_space<hbm>> -> memref<512xi32, #tpu.memory_space<hbm>>
    tpu.enqueue_dma source(%dma_start3A_181 : memref<512xi32, #tpu.memory_space<hbm>>) target(%dma_start3A_179 : memref<512xi32, #tpu.memory_space<vmem>>) target_semaphore(%arg9 : memref<!tpu.dma_semaphore, #tpu.memory_space<semaphore_mem>>)
    %dma_start3A_182 = arith.constant 20 : i32
    %dma_start3A_183 = arith.constant 10240 : i32
    %dma_start3A_184 = tpu.memref_slice %arg5[%dma_start3A_183] : memref<13312xi32, #tpu.memory_space<vmem>> -> memref<512xi32, #tpu.memory_space<vmem>>
    %dma_start3A_185 = tpu.memref_slice %arg2[%dma_start3A_182, %mul3A_2] : memref<26x16384xi32, #tpu.memory_space<hbm>> -> memref<1x512xi32, #tpu.memory_space<hbm>>
    %dma_start3A_186 = tpu.memref_squeeze %dma_start3A_185 : memref<1x512xi32, #tpu.memory_space<hbm>> -> memref<512xi32, #tpu.memory_space<hbm>>
    %dma_start3A_187 = arith.constant 10240 : i32
    %dma_start3A_188 = tpu.memref_slice %arg5[%dma_start3A_187] : memref<13312xi32, #tpu.memory_space<vmem>> -> memref<512xi32, #tpu.memory_space<vmem>>
    %dma_start3A_189 = tpu.memref_slice %arg2[%dma_start3A_182, %mul3A_2] : memref<26x16384xi32, #tpu.memory_space<hbm>> -> memref<1x512xi32, #tpu.memory_space<hbm>>
    %dma_start3A_190 = tpu.memref_squeeze %dma_start3A_189 : memref<1x512xi32, #tpu.memory_space<hbm>> -> memref<512xi32, #tpu.memory_space<hbm>>
    tpu.enqueue_dma source(%dma_start3A_190 : memref<512xi32, #tpu.memory_space<hbm>>) target(%dma_start3A_188 : memref<512xi32, #tpu.memory_space<vmem>>) target_semaphore(%arg9 : memref<!tpu.dma_semaphore, #tpu.memory_space<semaphore_mem>>)
    %dma_start3A_191 = arith.constant 21 : i32
    %dma_start3A_192 = arith.constant 10752 : i32
    %dma_start3A_193 = tpu.memref_slice %arg5[%dma_start3A_192] : memref<13312xi32, #tpu.memory_space<vmem>> -> memref<512xi32, #tpu.memory_space<vmem>>
    %dma_start3A_194 = tpu.memref_slice %arg2[%dma_start3A_191, %mul3A_2] : memref<26x16384xi32, #tpu.memory_space<hbm>> -> memref<1x512xi32, #tpu.memory_space<hbm>>
    %dma_start3A_195 = tpu.memref_squeeze %dma_start3A_194 : memref<1x512xi32, #tpu.memory_space<hbm>> -> memref<512xi32, #tpu.memory_space<hbm>>
    %dma_start3A_196 = arith.constant 10752 : i32
    %dma_start3A_197 = tpu.memref_slice %arg5[%dma_start3A_196] : memref<13312xi32, #tpu.memory_space<vmem>> -> memref<512xi32, #tpu.memory_space<vmem>>
    %dma_start3A_198 = tpu.memref_slice %arg2[%dma_start3A_191, %mul3A_2] : memref<26x16384xi32, #tpu.memory_space<hbm>> -> memref<1x512xi32, #tpu.memory_space<hbm>>
    %dma_start3A_199 = tpu.memref_squeeze %dma_start3A_198 : memref<1x512xi32, #tpu.memory_space<hbm>> -> memref<512xi32, #tpu.memory_space<hbm>>
    tpu.enqueue_dma source(%dma_start3A_199 : memref<512xi32, #tpu.memory_space<hbm>>) target(%dma_start3A_197 : memref<512xi32, #tpu.memory_space<vmem>>) target_semaphore(%arg9 : memref<!tpu.dma_semaphore, #tpu.memory_space<semaphore_mem>>)
    %dma_start3A_200 = arith.constant 22 : i32
    %dma_start3A_201 = arith.constant 11264 : i32
    %dma_start3A_202 = tpu.memref_slice %arg5[%dma_start3A_201] : memref<13312xi32, #tpu.memory_space<vmem>> -> memref<512xi32, #tpu.memory_space<vmem>>
    %dma_start3A_203 = tpu.memref_slice %arg2[%dma_start3A_200, %mul3A_2] : memref<26x16384xi32, #tpu.memory_space<hbm>> -> memref<1x512xi32, #tpu.memory_space<hbm>>
    %dma_start3A_204 = tpu.memref_squeeze %dma_start3A_203 : memref<1x512xi32, #tpu.memory_space<hbm>> -> memref<512xi32, #tpu.memory_space<hbm>>
    %dma_start3A_205 = arith.constant 11264 : i32
    %dma_start3A_206 = tpu.memref_slice %arg5[%dma_start3A_205] : memref<13312xi32, #tpu.memory_space<vmem>> -> memref<512xi32, #tpu.memory_space<vmem>>
    %dma_start3A_207 = tpu.memref_slice %arg2[%dma_start3A_200, %mul3A_2] : memref<26x16384xi32, #tpu.memory_space<hbm>> -> memref<1x512xi32, #tpu.memory_space<hbm>>
    %dma_start3A_208 = tpu.memref_squeeze %dma_start3A_207 : memref<1x512xi32, #tpu.memory_space<hbm>> -> memref<512xi32, #tpu.memory_space<hbm>>
    tpu.enqueue_dma source(%dma_start3A_208 : memref<512xi32, #tpu.memory_space<hbm>>) target(%dma_start3A_206 : memref<512xi32, #tpu.memory_space<vmem>>) target_semaphore(%arg9 : memref<!tpu.dma_semaphore, #tpu.memory_space<semaphore_mem>>)
    %dma_start3A_209 = arith.constant 23 : i32
    %dma_start3A_210 = arith.constant 11776 : i32
    %dma_start3A_211 = tpu.memref_slice %arg5[%dma_start3A_210] : memref<13312xi32, #tpu.memory_space<vmem>> -> memref<512xi32, #tpu.memory_space<vmem>>
    %dma_start3A_212 = tpu.memref_slice %arg2[%dma_start3A_209, %mul3A_2] : memref<26x16384xi32, #tpu.memory_space<hbm>> -> memref<1x512xi32, #tpu.memory_space<hbm>>
    %dma_start3A_213 = tpu.memref_squeeze %dma_start3A_212 : memref<1x512xi32, #tpu.memory_space<hbm>> -> memref<512xi32, #tpu.memory_space<hbm>>
    %dma_start3A_214 = arith.constant 11776 : i32
    %dma_start3A_215 = tpu.memref_slice %arg5[%dma_start3A_214] : memref<13312xi32, #tpu.memory_space<vmem>> -> memref<512xi32, #tpu.memory_space<vmem>>
    %dma_start3A_216 = tpu.memref_slice %arg2[%dma_start3A_209, %mul3A_2] : memref<26x16384xi32, #tpu.memory_space<hbm>> -> memref<1x512xi32, #tpu.memory_space<hbm>>
    %dma_start3A_217 = tpu.memref_squeeze %dma_start3A_216 : memref<1x512xi32, #tpu.memory_space<hbm>> -> memref<512xi32, #tpu.memory_space<hbm>>
    tpu.enqueue_dma source(%dma_start3A_217 : memref<512xi32, #tpu.memory_space<hbm>>) target(%dma_start3A_215 : memref<512xi32, #tpu.memory_space<vmem>>) target_semaphore(%arg9 : memref<!tpu.dma_semaphore, #tpu.memory_space<semaphore_mem>>)
    %dma_start3A_218 = arith.constant 24 : i32
    %dma_start3A_219 = arith.constant 12288 : i32
    %dma_start3A_220 = tpu.memref_slice %arg5[%dma_start3A_219] : memref<13312xi32, #tpu.memory_space<vmem>> -> memref<512xi32, #tpu.memory_space<vmem>>
    %dma_start3A_221 = tpu.memref_slice %arg2[%dma_start3A_218, %mul3A_2] : memref<26x16384xi32, #tpu.memory_space<hbm>> -> memref<1x512xi32, #tpu.memory_space<hbm>>
    %dma_start3A_222 = tpu.memref_squeeze %dma_start3A_221 : memref<1x512xi32, #tpu.memory_space<hbm>> -> memref<512xi32, #tpu.memory_space<hbm>>
    %dma_start3A_223 = arith.constant 12288 : i32
    %dma_start3A_224 = tpu.memref_slice %arg5[%dma_start3A_223] : memref<13312xi32, #tpu.memory_space<vmem>> -> memref<512xi32, #tpu.memory_space<vmem>>
    %dma_start3A_225 = tpu.memref_slice %arg2[%dma_start3A_218, %mul3A_2] : memref<26x16384xi32, #tpu.memory_space<hbm>> -> memref<1x512xi32, #tpu.memory_space<hbm>>
    %dma_start3A_226 = tpu.memref_squeeze %dma_start3A_225 : memref<1x512xi32, #tpu.memory_space<hbm>> -> memref<512xi32, #tpu.memory_space<hbm>>
    tpu.enqueue_dma source(%dma_start3A_226 : memref<512xi32, #tpu.memory_space<hbm>>) target(%dma_start3A_224 : memref<512xi32, #tpu.memory_space<vmem>>) target_semaphore(%arg9 : memref<!tpu.dma_semaphore, #tpu.memory_space<semaphore_mem>>)
    %dma_start3A_227 = arith.constant 25 : i32
    %dma_start3A_228 = arith.constant 12800 : i32
    %dma_start3A_229 = tpu.memref_slice %arg5[%dma_start3A_228] : memref<13312xi32, #tpu.memory_space<vmem>> -> memref<512xi32, #tpu.memory_space<vmem>>
    %dma_start3A_230 = tpu.memref_slice %arg2[%dma_start3A_227, %mul3A_2] : memref<26x16384xi32, #tpu.memory_space<hbm>> -> memref<1x512xi32, #tpu.memory_space<hbm>>
    %dma_start3A_231 = tpu.memref_squeeze %dma_start3A_230 : memref<1x512xi32, #tpu.memory_space<hbm>> -> memref<512xi32, #tpu.memory_space<hbm>>
    %dma_start3A_232 = arith.constant 12800 : i32
    %dma_start3A_233 = tpu.memref_slice %arg5[%dma_start3A_232] : memref<13312xi32, #tpu.memory_space<vmem>> -> memref<512xi32, #tpu.memory_space<vmem>>
    %dma_start3A_234 = tpu.memref_slice %arg2[%dma_start3A_227, %mul3A_2] : memref<26x16384xi32, #tpu.memory_space<hbm>> -> memref<1x512xi32, #tpu.memory_space<hbm>>
    %dma_start3A_235 = tpu.memref_squeeze %dma_start3A_234 : memref<1x512xi32, #tpu.memory_space<hbm>> -> memref<512xi32, #tpu.memory_space<hbm>>
    tpu.enqueue_dma source(%dma_start3A_235 : memref<512xi32, #tpu.memory_space<hbm>>) target(%dma_start3A_233 : memref<512xi32, #tpu.memory_space<vmem>>) target_semaphore(%arg9 : memref<!tpu.dma_semaphore, #tpu.memory_space<semaphore_mem>>)
    %iota3A = tpu.iota {dimensions = array<i32: 0>} : vector<16xi32>
    %mul3A_236 = arith.constant 26 : i32
    %mul3A_237 = vector.broadcast %mul3A_236 : i32 to vector<16xi32>
    %mul3A_238 = arith.muli %iota3A, %mul3A_237 : vector<16xi32>
    %dma_wait3A = arith.constant 0 : i32
    %dma_wait3A_239 = arith.constant 0 : i32
    %dma_wait3A_240 = tpu.memref_slice %arg5[%dma_wait3A_239] : memref<13312xi32, #tpu.memory_space<vmem>> -> memref<512xi32, #tpu.memory_space<vmem>>
    %dma_wait3A_241 = tpu.memref_slice %arg2[%dma_wait3A, %mul3A_2] : memref<26x16384xi32, #tpu.memory_space<hbm>> -> memref<1x512xi32, #tpu.memory_space<hbm>>
    %dma_wait3A_242 = tpu.memref_squeeze %dma_wait3A_241 : memref<1x512xi32, #tpu.memory_space<hbm>> -> memref<512xi32, #tpu.memory_space<hbm>>
    %dma_wait3A_243 = arith.constant 0 : i32
    %dma_wait3A_244 = tpu.memref_slice %arg5[%dma_wait3A_243] : memref<13312xi32, #tpu.memory_space<vmem>> -> memref<512xi32, #tpu.memory_space<vmem>>
    %dma_wait3A_245 = tpu.memref_slice %arg2[%dma_wait3A, %mul3A_2] : memref<26x16384xi32, #tpu.memory_space<hbm>> -> memref<1x512xi32, #tpu.memory_space<hbm>>
    %dma_wait3A_246 = tpu.memref_squeeze %dma_wait3A_245 : memref<1x512xi32, #tpu.memory_space<hbm>> -> memref<512xi32, #tpu.memory_space<hbm>>
    tpu.wait_dma2 semaphore(%arg9 : memref<!tpu.dma_semaphore, #tpu.memory_space<semaphore_mem>>) src(%dma_wait3A_246 : memref<512xi32, #tpu.memory_space<hbm>>) dst(%dma_wait3A_244 : memref<512xi32, #tpu.memory_space<vmem>>)
    %dma_wait3A_247 = arith.constant 1 : i32
    %dma_wait3A_248 = arith.constant 512 : i32
    %dma_wait3A_249 = tpu.memref_slice %arg5[%dma_wait3A_248] : memref<13312xi32, #tpu.memory_space<vmem>> -> memref<512xi32, #tpu.memory_space<vmem>>
    %dma_wait3A_250 = tpu.memref_slice %arg2[%dma_wait3A_247, %mul3A_2] : memref<26x16384xi32, #tpu.memory_space<hbm>> -> memref<1x512xi32, #tpu.memory_space<hbm>>
    %dma_wait3A_251 = tpu.memref_squeeze %dma_wait3A_250 : memref<1x512xi32, #tpu.memory_space<hbm>> -> memref<512xi32, #tpu.memory_space<hbm>>
    %dma_wait3A_252 = arith.constant 512 : i32
    %dma_wait3A_253 = tpu.memref_slice %arg5[%dma_wait3A_252] : memref<13312xi32, #tpu.memory_space<vmem>> -> memref<512xi32, #tpu.memory_space<vmem>>
    %dma_wait3A_254 = tpu.memref_slice %arg2[%dma_wait3A_247, %mul3A_2] : memref<26x16384xi32, #tpu.memory_space<hbm>> -> memref<1x512xi32, #tpu.memory_space<hbm>>
    %dma_wait3A_255 = tpu.memref_squeeze %dma_wait3A_254 : memref<1x512xi32, #tpu.memory_space<hbm>> -> memref<512xi32, #tpu.memory_space<hbm>>
    tpu.wait_dma2 semaphore(%arg9 : memref<!tpu.dma_semaphore, #tpu.memory_space<semaphore_mem>>) src(%dma_wait3A_255 : memref<512xi32, #tpu.memory_space<hbm>>) dst(%dma_wait3A_253 : memref<512xi32, #tpu.memory_space<vmem>>)
    %dma_wait3A_256 = arith.constant 2 : i32
    %dma_wait3A_257 = arith.constant 1024 : i32
    %dma_wait3A_258 = tpu.memref_slice %arg5[%dma_wait3A_257] : memref<13312xi32, #tpu.memory_space<vmem>> -> memref<512xi32, #tpu.memory_space<vmem>>
    %dma_wait3A_259 = tpu.memref_slice %arg2[%dma_wait3A_256, %mul3A_2] : memref<26x16384xi32, #tpu.memory_space<hbm>> -> memref<1x512xi32, #tpu.memory_space<hbm>>
    %dma_wait3A_260 = tpu.memref_squeeze %dma_wait3A_259 : memref<1x512xi32, #tpu.memory_space<hbm>> -> memref<512xi32, #tpu.memory_space<hbm>>
    %dma_wait3A_261 = arith.constant 1024 : i32
    %dma_wait3A_262 = tpu.memref_slice %arg5[%dma_wait3A_261] : memref<13312xi32, #tpu.memory_space<vmem>> -> memref<512xi32, #tpu.memory_space<vmem>>
    %dma_wait3A_263 = tpu.memref_slice %arg2[%dma_wait3A_256, %mul3A_2] : memref<26x16384xi32, #tpu.memory_space<hbm>> -> memref<1x512xi32, #tpu.memory_space<hbm>>
    %dma_wait3A_264 = tpu.memref_squeeze %dma_wait3A_263 : memref<1x512xi32, #tpu.memory_space<hbm>> -> memref<512xi32, #tpu.memory_space<hbm>>
    tpu.wait_dma2 semaphore(%arg9 : memref<!tpu.dma_semaphore, #tpu.memory_space<semaphore_mem>>) src(%dma_wait3A_264 : memref<512xi32, #tpu.memory_space<hbm>>) dst(%dma_wait3A_262 : memref<512xi32, #tpu.memory_space<vmem>>)
    %dma_wait3A_265 = arith.constant 3 : i32
    %dma_wait3A_266 = arith.constant 1536 : i32
    %dma_wait3A_267 = tpu.memref_slice %arg5[%dma_wait3A_266] : memref<13312xi32, #tpu.memory_space<vmem>> -> memref<512xi32, #tpu.memory_space<vmem>>
    %dma_wait3A_268 = tpu.memref_slice %arg2[%dma_wait3A_265, %mul3A_2] : memref<26x16384xi32, #tpu.memory_space<hbm>> -> memref<1x512xi32, #tpu.memory_space<hbm>>
    %dma_wait3A_269 = tpu.memref_squeeze %dma_wait3A_268 : memref<1x512xi32, #tpu.memory_space<hbm>> -> memref<512xi32, #tpu.memory_space<hbm>>
    %dma_wait3A_270 = arith.constant 1536 : i32
    %dma_wait3A_271 = tpu.memref_slice %arg5[%dma_wait3A_270] : memref<13312xi32, #tpu.memory_space<vmem>> -> memref<512xi32, #tpu.memory_space<vmem>>
    %dma_wait3A_272 = tpu.memref_slice %arg2[%dma_wait3A_265, %mul3A_2] : memref<26x16384xi32, #tpu.memory_space<hbm>> -> memref<1x512xi32, #tpu.memory_space<hbm>>
    %dma_wait3A_273 = tpu.memref_squeeze %dma_wait3A_272 : memref<1x512xi32, #tpu.memory_space<hbm>> -> memref<512xi32, #tpu.memory_space<hbm>>
    tpu.wait_dma2 semaphore(%arg9 : memref<!tpu.dma_semaphore, #tpu.memory_space<semaphore_mem>>) src(%dma_wait3A_273 : memref<512xi32, #tpu.memory_space<hbm>>) dst(%dma_wait3A_271 : memref<512xi32, #tpu.memory_space<vmem>>)
    %dma_wait3A_274 = arith.constant 4 : i32
    %dma_wait3A_275 = arith.constant 2048 : i32
    %dma_wait3A_276 = tpu.memref_slice %arg5[%dma_wait3A_275] : memref<13312xi32, #tpu.memory_space<vmem>> -> memref<512xi32, #tpu.memory_space<vmem>>
    %dma_wait3A_277 = tpu.memref_slice %arg2[%dma_wait3A_274, %mul3A_2] : memref<26x16384xi32, #tpu.memory_space<hbm>> -> memref<1x512xi32, #tpu.memory_space<hbm>>
    %dma_wait3A_278 = tpu.memref_squeeze %dma_wait3A_277 : memref<1x512xi32, #tpu.memory_space<hbm>> -> memref<512xi32, #tpu.memory_space<hbm>>
    %dma_wait3A_279 = arith.constant 2048 : i32
    %dma_wait3A_280 = tpu.memref_slice %arg5[%dma_wait3A_279] : memref<13312xi32, #tpu.memory_space<vmem>> -> memref<512xi32, #tpu.memory_space<vmem>>
    %dma_wait3A_281 = tpu.memref_slice %arg2[%dma_wait3A_274, %mul3A_2] : memref<26x16384xi32, #tpu.memory_space<hbm>> -> memref<1x512xi32, #tpu.memory_space<hbm>>
    %dma_wait3A_282 = tpu.memref_squeeze %dma_wait3A_281 : memref<1x512xi32, #tpu.memory_space<hbm>> -> memref<512xi32, #tpu.memory_space<hbm>>
    tpu.wait_dma2 semaphore(%arg9 : memref<!tpu.dma_semaphore, #tpu.memory_space<semaphore_mem>>) src(%dma_wait3A_282 : memref<512xi32, #tpu.memory_space<hbm>>) dst(%dma_wait3A_280 : memref<512xi32, #tpu.memory_space<vmem>>)
    %dma_wait3A_283 = arith.constant 5 : i32
    %dma_wait3A_284 = arith.constant 2560 : i32
    %dma_wait3A_285 = tpu.memref_slice %arg5[%dma_wait3A_284] : memref<13312xi32, #tpu.memory_space<vmem>> -> memref<512xi32, #tpu.memory_space<vmem>>
    %dma_wait3A_286 = tpu.memref_slice %arg2[%dma_wait3A_283, %mul3A_2] : memref<26x16384xi32, #tpu.memory_space<hbm>> -> memref<1x512xi32, #tpu.memory_space<hbm>>
    %dma_wait3A_287 = tpu.memref_squeeze %dma_wait3A_286 : memref<1x512xi32, #tpu.memory_space<hbm>> -> memref<512xi32, #tpu.memory_space<hbm>>
    %dma_wait3A_288 = arith.constant 2560 : i32
    %dma_wait3A_289 = tpu.memref_slice %arg5[%dma_wait3A_288] : memref<13312xi32, #tpu.memory_space<vmem>> -> memref<512xi32, #tpu.memory_space<vmem>>
    %dma_wait3A_290 = tpu.memref_slice %arg2[%dma_wait3A_283, %mul3A_2] : memref<26x16384xi32, #tpu.memory_space<hbm>> -> memref<1x512xi32, #tpu.memory_space<hbm>>
    %dma_wait3A_291 = tpu.memref_squeeze %dma_wait3A_290 : memref<1x512xi32, #tpu.memory_space<hbm>> -> memref<512xi32, #tpu.memory_space<hbm>>
    tpu.wait_dma2 semaphore(%arg9 : memref<!tpu.dma_semaphore, #tpu.memory_space<semaphore_mem>>) src(%dma_wait3A_291 : memref<512xi32, #tpu.memory_space<hbm>>) dst(%dma_wait3A_289 : memref<512xi32, #tpu.memory_space<vmem>>)
    %dma_wait3A_292 = arith.constant 6 : i32
    %dma_wait3A_293 = arith.constant 3072 : i32
    %dma_wait3A_294 = tpu.memref_slice %arg5[%dma_wait3A_293] : memref<13312xi32, #tpu.memory_space<vmem>> -> memref<512xi32, #tpu.memory_space<vmem>>
    %dma_wait3A_295 = tpu.memref_slice %arg2[%dma_wait3A_292, %mul3A_2] : memref<26x16384xi32, #tpu.memory_space<hbm>> -> memref<1x512xi32, #tpu.memory_space<hbm>>
    %dma_wait3A_296 = tpu.memref_squeeze %dma_wait3A_295 : memref<1x512xi32, #tpu.memory_space<hbm>> -> memref<512xi32, #tpu.memory_space<hbm>>
    %dma_wait3A_297 = arith.constant 3072 : i32
    %dma_wait3A_298 = tpu.memref_slice %arg5[%dma_wait3A_297] : memref<13312xi32, #tpu.memory_space<vmem>> -> memref<512xi32, #tpu.memory_space<vmem>>
    %dma_wait3A_299 = tpu.memref_slice %arg2[%dma_wait3A_292, %mul3A_2] : memref<26x16384xi32, #tpu.memory_space<hbm>> -> memref<1x512xi32, #tpu.memory_space<hbm>>
    %dma_wait3A_300 = tpu.memref_squeeze %dma_wait3A_299 : memref<1x512xi32, #tpu.memory_space<hbm>> -> memref<512xi32, #tpu.memory_space<hbm>>
    tpu.wait_dma2 semaphore(%arg9 : memref<!tpu.dma_semaphore, #tpu.memory_space<semaphore_mem>>) src(%dma_wait3A_300 : memref<512xi32, #tpu.memory_space<hbm>>) dst(%dma_wait3A_298 : memref<512xi32, #tpu.memory_space<vmem>>)
    %dma_wait3A_301 = arith.constant 7 : i32
    %dma_wait3A_302 = arith.constant 3584 : i32
    %dma_wait3A_303 = tpu.memref_slice %arg5[%dma_wait3A_302] : memref<13312xi32, #tpu.memory_space<vmem>> -> memref<512xi32, #tpu.memory_space<vmem>>
    %dma_wait3A_304 = tpu.memref_slice %arg2[%dma_wait3A_301, %mul3A_2] : memref<26x16384xi32, #tpu.memory_space<hbm>> -> memref<1x512xi32, #tpu.memory_space<hbm>>
    %dma_wait3A_305 = tpu.memref_squeeze %dma_wait3A_304 : memref<1x512xi32, #tpu.memory_space<hbm>> -> memref<512xi32, #tpu.memory_space<hbm>>
    %dma_wait3A_306 = arith.constant 3584 : i32
    %dma_wait3A_307 = tpu.memref_slice %arg5[%dma_wait3A_306] : memref<13312xi32, #tpu.memory_space<vmem>> -> memref<512xi32, #tpu.memory_space<vmem>>
    %dma_wait3A_308 = tpu.memref_slice %arg2[%dma_wait3A_301, %mul3A_2] : memref<26x16384xi32, #tpu.memory_space<hbm>> -> memref<1x512xi32, #tpu.memory_space<hbm>>
    %dma_wait3A_309 = tpu.memref_squeeze %dma_wait3A_308 : memref<1x512xi32, #tpu.memory_space<hbm>> -> memref<512xi32, #tpu.memory_space<hbm>>
    tpu.wait_dma2 semaphore(%arg9 : memref<!tpu.dma_semaphore, #tpu.memory_space<semaphore_mem>>) src(%dma_wait3A_309 : memref<512xi32, #tpu.memory_space<hbm>>) dst(%dma_wait3A_307 : memref<512xi32, #tpu.memory_space<vmem>>)
    %dma_wait3A_310 = arith.constant 8 : i32
    %dma_wait3A_311 = arith.constant 4096 : i32
    %dma_wait3A_312 = tpu.memref_slice %arg5[%dma_wait3A_311] : memref<13312xi32, #tpu.memory_space<vmem>> -> memref<512xi32, #tpu.memory_space<vmem>>
    %dma_wait3A_313 = tpu.memref_slice %arg2[%dma_wait3A_310, %mul3A_2] : memref<26x16384xi32, #tpu.memory_space<hbm>> -> memref<1x512xi32, #tpu.memory_space<hbm>>
    %dma_wait3A_314 = tpu.memref_squeeze %dma_wait3A_313 : memref<1x512xi32, #tpu.memory_space<hbm>> -> memref<512xi32, #tpu.memory_space<hbm>>
    %dma_wait3A_315 = arith.constant 4096 : i32
    %dma_wait3A_316 = tpu.memref_slice %arg5[%dma_wait3A_315] : memref<13312xi32, #tpu.memory_space<vmem>> -> memref<512xi32, #tpu.memory_space<vmem>>
    %dma_wait3A_317 = tpu.memref_slice %arg2[%dma_wait3A_310, %mul3A_2] : memref<26x16384xi32, #tpu.memory_space<hbm>> -> memref<1x512xi32, #tpu.memory_space<hbm>>
    %dma_wait3A_318 = tpu.memref_squeeze %dma_wait3A_317 : memref<1x512xi32, #tpu.memory_space<hbm>> -> memref<512xi32, #tpu.memory_space<hbm>>
    tpu.wait_dma2 semaphore(%arg9 : memref<!tpu.dma_semaphore, #tpu.memory_space<semaphore_mem>>) src(%dma_wait3A_318 : memref<512xi32, #tpu.memory_space<hbm>>) dst(%dma_wait3A_316 : memref<512xi32, #tpu.memory_space<vmem>>)
    %dma_wait3A_319 = arith.constant 9 : i32
    %dma_wait3A_320 = arith.constant 4608 : i32
    %dma_wait3A_321 = tpu.memref_slice %arg5[%dma_wait3A_320] : memref<13312xi32, #tpu.memory_space<vmem>> -> memref<512xi32, #tpu.memory_space<vmem>>
    %dma_wait3A_322 = tpu.memref_slice %arg2[%dma_wait3A_319, %mul3A_2] : memref<26x16384xi32, #tpu.memory_space<hbm>> -> memref<1x512xi32, #tpu.memory_space<hbm>>
    %dma_wait3A_323 = tpu.memref_squeeze %dma_wait3A_322 : memref<1x512xi32, #tpu.memory_space<hbm>> -> memref<512xi32, #tpu.memory_space<hbm>>
    %dma_wait3A_324 = arith.constant 4608 : i32
    %dma_wait3A_325 = tpu.memref_slice %arg5[%dma_wait3A_324] : memref<13312xi32, #tpu.memory_space<vmem>> -> memref<512xi32, #tpu.memory_space<vmem>>
    %dma_wait3A_326 = tpu.memref_slice %arg2[%dma_wait3A_319, %mul3A_2] : memref<26x16384xi32, #tpu.memory_space<hbm>> -> memref<1x512xi32, #tpu.memory_space<hbm>>
    %dma_wait3A_327 = tpu.memref_squeeze %dma_wait3A_326 : memref<1x512xi32, #tpu.memory_space<hbm>> -> memref<512xi32, #tpu.memory_space<hbm>>
    tpu.wait_dma2 semaphore(%arg9 : memref<!tpu.dma_semaphore, #tpu.memory_space<semaphore_mem>>) src(%dma_wait3A_327 : memref<512xi32, #tpu.memory_space<hbm>>) dst(%dma_wait3A_325 : memref<512xi32, #tpu.memory_space<vmem>>)
    %dma_wait3A_328 = arith.constant 10 : i32
    %dma_wait3A_329 = arith.constant 5120 : i32
    %dma_wait3A_330 = tpu.memref_slice %arg5[%dma_wait3A_329] : memref<13312xi32, #tpu.memory_space<vmem>> -> memref<512xi32, #tpu.memory_space<vmem>>
    %dma_wait3A_331 = tpu.memref_slice %arg2[%dma_wait3A_328, %mul3A_2] : memref<26x16384xi32, #tpu.memory_space<hbm>> -> memref<1x512xi32, #tpu.memory_space<hbm>>
    %dma_wait3A_332 = tpu.memref_squeeze %dma_wait3A_331 : memref<1x512xi32, #tpu.memory_space<hbm>> -> memref<512xi32, #tpu.memory_space<hbm>>
    %dma_wait3A_333 = arith.constant 5120 : i32
    %dma_wait3A_334 = tpu.memref_slice %arg5[%dma_wait3A_333] : memref<13312xi32, #tpu.memory_space<vmem>> -> memref<512xi32, #tpu.memory_space<vmem>>
    %dma_wait3A_335 = tpu.memref_slice %arg2[%dma_wait3A_328, %mul3A_2] : memref<26x16384xi32, #tpu.memory_space<hbm>> -> memref<1x512xi32, #tpu.memory_space<hbm>>
    %dma_wait3A_336 = tpu.memref_squeeze %dma_wait3A_335 : memref<1x512xi32, #tpu.memory_space<hbm>> -> memref<512xi32, #tpu.memory_space<hbm>>
    tpu.wait_dma2 semaphore(%arg9 : memref<!tpu.dma_semaphore, #tpu.memory_space<semaphore_mem>>) src(%dma_wait3A_336 : memref<512xi32, #tpu.memory_space<hbm>>) dst(%dma_wait3A_334 : memref<512xi32, #tpu.memory_space<vmem>>)
    %dma_wait3A_337 = arith.constant 11 : i32
    %dma_wait3A_338 = arith.constant 5632 : i32
    %dma_wait3A_339 = tpu.memref_slice %arg5[%dma_wait3A_338] : memref<13312xi32, #tpu.memory_space<vmem>> -> memref<512xi32, #tpu.memory_space<vmem>>
    %dma_wait3A_340 = tpu.memref_slice %arg2[%dma_wait3A_337, %mul3A_2] : memref<26x16384xi32, #tpu.memory_space<hbm>> -> memref<1x512xi32, #tpu.memory_space<hbm>>
    %dma_wait3A_341 = tpu.memref_squeeze %dma_wait3A_340 : memref<1x512xi32, #tpu.memory_space<hbm>> -> memref<512xi32, #tpu.memory_space<hbm>>
    %dma_wait3A_342 = arith.constant 5632 : i32
    %dma_wait3A_343 = tpu.memref_slice %arg5[%dma_wait3A_342] : memref<13312xi32, #tpu.memory_space<vmem>> -> memref<512xi32, #tpu.memory_space<vmem>>
    %dma_wait3A_344 = tpu.memref_slice %arg2[%dma_wait3A_337, %mul3A_2] : memref<26x16384xi32, #tpu.memory_space<hbm>> -> memref<1x512xi32, #tpu.memory_space<hbm>>
    %dma_wait3A_345 = tpu.memref_squeeze %dma_wait3A_344 : memref<1x512xi32, #tpu.memory_space<hbm>> -> memref<512xi32, #tpu.memory_space<hbm>>
    tpu.wait_dma2 semaphore(%arg9 : memref<!tpu.dma_semaphore, #tpu.memory_space<semaphore_mem>>) src(%dma_wait3A_345 : memref<512xi32, #tpu.memory_space<hbm>>) dst(%dma_wait3A_343 : memref<512xi32, #tpu.memory_space<vmem>>)
    %dma_wait3A_346 = arith.constant 12 : i32
    %dma_wait3A_347 = arith.constant 6144 : i32
    %dma_wait3A_348 = tpu.memref_slice %arg5[%dma_wait3A_347] : memref<13312xi32, #tpu.memory_space<vmem>> -> memref<512xi32, #tpu.memory_space<vmem>>
    %dma_wait3A_349 = tpu.memref_slice %arg2[%dma_wait3A_346, %mul3A_2] : memref<26x16384xi32, #tpu.memory_space<hbm>> -> memref<1x512xi32, #tpu.memory_space<hbm>>
    %dma_wait3A_350 = tpu.memref_squeeze %dma_wait3A_349 : memref<1x512xi32, #tpu.memory_space<hbm>> -> memref<512xi32, #tpu.memory_space<hbm>>
    %dma_wait3A_351 = arith.constant 6144 : i32
    %dma_wait3A_352 = tpu.memref_slice %arg5[%dma_wait3A_351] : memref<13312xi32, #tpu.memory_space<vmem>> -> memref<512xi32, #tpu.memory_space<vmem>>
    %dma_wait3A_353 = tpu.memref_slice %arg2[%dma_wait3A_346, %mul3A_2] : memref<26x16384xi32, #tpu.memory_space<hbm>> -> memref<1x512xi32, #tpu.memory_space<hbm>>
    %dma_wait3A_354 = tpu.memref_squeeze %dma_wait3A_353 : memref<1x512xi32, #tpu.memory_space<hbm>> -> memref<512xi32, #tpu.memory_space<hbm>>
    tpu.wait_dma2 semaphore(%arg9 : memref<!tpu.dma_semaphore, #tpu.memory_space<semaphore_mem>>) src(%dma_wait3A_354 : memref<512xi32, #tpu.memory_space<hbm>>) dst(%dma_wait3A_352 : memref<512xi32, #tpu.memory_space<vmem>>)
    %dma_wait3A_355 = arith.constant 13 : i32
    %dma_wait3A_356 = arith.constant 6656 : i32
    %dma_wait3A_357 = tpu.memref_slice %arg5[%dma_wait3A_356] : memref<13312xi32, #tpu.memory_space<vmem>> -> memref<512xi32, #tpu.memory_space<vmem>>
    %dma_wait3A_358 = tpu.memref_slice %arg2[%dma_wait3A_355, %mul3A_2] : memref<26x16384xi32, #tpu.memory_space<hbm>> -> memref<1x512xi32, #tpu.memory_space<hbm>>
    %dma_wait3A_359 = tpu.memref_squeeze %dma_wait3A_358 : memref<1x512xi32, #tpu.memory_space<hbm>> -> memref<512xi32, #tpu.memory_space<hbm>>
    %dma_wait3A_360 = arith.constant 6656 : i32
    %dma_wait3A_361 = tpu.memref_slice %arg5[%dma_wait3A_360] : memref<13312xi32, #tpu.memory_space<vmem>> -> memref<512xi32, #tpu.memory_space<vmem>>
    %dma_wait3A_362 = tpu.memref_slice %arg2[%dma_wait3A_355, %mul3A_2] : memref<26x16384xi32, #tpu.memory_space<hbm>> -> memref<1x512xi32, #tpu.memory_space<hbm>>
    %dma_wait3A_363 = tpu.memref_squeeze %dma_wait3A_362 : memref<1x512xi32, #tpu.memory_space<hbm>> -> memref<512xi32, #tpu.memory_space<hbm>>
    tpu.wait_dma2 semaphore(%arg9 : memref<!tpu.dma_semaphore, #tpu.memory_space<semaphore_mem>>) src(%dma_wait3A_363 : memref<512xi32, #tpu.memory_space<hbm>>) dst(%dma_wait3A_361 : memref<512xi32, #tpu.memory_space<vmem>>)
    %dma_wait3A_364 = arith.constant 14 : i32
    %dma_wait3A_365 = arith.constant 7168 : i32
    %dma_wait3A_366 = tpu.memref_slice %arg5[%dma_wait3A_365] : memref<13312xi32, #tpu.memory_space<vmem>> -> memref<512xi32, #tpu.memory_space<vmem>>
    %dma_wait3A_367 = tpu.memref_slice %arg2[%dma_wait3A_364, %mul3A_2] : memref<26x16384xi32, #tpu.memory_space<hbm>> -> memref<1x512xi32, #tpu.memory_space<hbm>>
    %dma_wait3A_368 = tpu.memref_squeeze %dma_wait3A_367 : memref<1x512xi32, #tpu.memory_space<hbm>> -> memref<512xi32, #tpu.memory_space<hbm>>
    %dma_wait3A_369 = arith.constant 7168 : i32
    %dma_wait3A_370 = tpu.memref_slice %arg5[%dma_wait3A_369] : memref<13312xi32, #tpu.memory_space<vmem>> -> memref<512xi32, #tpu.memory_space<vmem>>
    %dma_wait3A_371 = tpu.memref_slice %arg2[%dma_wait3A_364, %mul3A_2] : memref<26x16384xi32, #tpu.memory_space<hbm>> -> memref<1x512xi32, #tpu.memory_space<hbm>>
    %dma_wait3A_372 = tpu.memref_squeeze %dma_wait3A_371 : memref<1x512xi32, #tpu.memory_space<hbm>> -> memref<512xi32, #tpu.memory_space<hbm>>
    tpu.wait_dma2 semaphore(%arg9 : memref<!tpu.dma_semaphore, #tpu.memory_space<semaphore_mem>>) src(%dma_wait3A_372 : memref<512xi32, #tpu.memory_space<hbm>>) dst(%dma_wait3A_370 : memref<512xi32, #tpu.memory_space<vmem>>)
    %dma_wait3A_373 = arith.constant 15 : i32
    %dma_wait3A_374 = arith.constant 7680 : i32
    %dma_wait3A_375 = tpu.memref_slice %arg5[%dma_wait3A_374] : memref<13312xi32, #tpu.memory_space<vmem>> -> memref<512xi32, #tpu.memory_space<vmem>>
    %dma_wait3A_376 = tpu.memref_slice %arg2[%dma_wait3A_373, %mul3A_2] : memref<26x16384xi32, #tpu.memory_space<hbm>> -> memref<1x512xi32, #tpu.memory_space<hbm>>
    %dma_wait3A_377 = tpu.memref_squeeze %dma_wait3A_376 : memref<1x512xi32, #tpu.memory_space<hbm>> -> memref<512xi32, #tpu.memory_space<hbm>>
    %dma_wait3A_378 = arith.constant 7680 : i32
    %dma_wait3A_379 = tpu.memref_slice %arg5[%dma_wait3A_378] : memref<13312xi32, #tpu.memory_space<vmem>> -> memref<512xi32, #tpu.memory_space<vmem>>
    %dma_wait3A_380 = tpu.memref_slice %arg2[%dma_wait3A_373, %mul3A_2] : memref<26x16384xi32, #tpu.memory_space<hbm>> -> memref<1x512xi32, #tpu.memory_space<hbm>>
    %dma_wait3A_381 = tpu.memref_squeeze %dma_wait3A_380 : memref<1x512xi32, #tpu.memory_space<hbm>> -> memref<512xi32, #tpu.memory_space<hbm>>
    tpu.wait_dma2 semaphore(%arg9 : memref<!tpu.dma_semaphore, #tpu.memory_space<semaphore_mem>>) src(%dma_wait3A_381 : memref<512xi32, #tpu.memory_space<hbm>>) dst(%dma_wait3A_379 : memref<512xi32, #tpu.memory_space<vmem>>)
    %dma_wait3A_382 = arith.constant 16 : i32
    %dma_wait3A_383 = arith.constant 8192 : i32
    %dma_wait3A_384 = tpu.memref_slice %arg5[%dma_wait3A_383] : memref<13312xi32, #tpu.memory_space<vmem>> -> memref<512xi32, #tpu.memory_space<vmem>>
    %dma_wait3A_385 = tpu.memref_slice %arg2[%dma_wait3A_382, %mul3A_2] : memref<26x16384xi32, #tpu.memory_space<hbm>> -> memref<1x512xi32, #tpu.memory_space<hbm>>
    %dma_wait3A_386 = tpu.memref_squeeze %dma_wait3A_385 : memref<1x512xi32, #tpu.memory_space<hbm>> -> memref<512xi32, #tpu.memory_space<hbm>>
    %dma_wait3A_387 = arith.constant 8192 : i32
    %dma_wait3A_388 = tpu.memref_slice %arg5[%dma_wait3A_387] : memref<13312xi32, #tpu.memory_space<vmem>> -> memref<512xi32, #tpu.memory_space<vmem>>
    %dma_wait3A_389 = tpu.memref_slice %arg2[%dma_wait3A_382, %mul3A_2] : memref<26x16384xi32, #tpu.memory_space<hbm>> -> memref<1x512xi32, #tpu.memory_space<hbm>>
    %dma_wait3A_390 = tpu.memref_squeeze %dma_wait3A_389 : memref<1x512xi32, #tpu.memory_space<hbm>> -> memref<512xi32, #tpu.memory_space<hbm>>
    tpu.wait_dma2 semaphore(%arg9 : memref<!tpu.dma_semaphore, #tpu.memory_space<semaphore_mem>>) src(%dma_wait3A_390 : memref<512xi32, #tpu.memory_space<hbm>>) dst(%dma_wait3A_388 : memref<512xi32, #tpu.memory_space<vmem>>)
    %dma_wait3A_391 = arith.constant 17 : i32
    %dma_wait3A_392 = arith.constant 8704 : i32
    %dma_wait3A_393 = tpu.memref_slice %arg5[%dma_wait3A_392] : memref<13312xi32, #tpu.memory_space<vmem>> -> memref<512xi32, #tpu.memory_space<vmem>>
    %dma_wait3A_394 = tpu.memref_slice %arg2[%dma_wait3A_391, %mul3A_2] : memref<26x16384xi32, #tpu.memory_space<hbm>> -> memref<1x512xi32, #tpu.memory_space<hbm>>
    %dma_wait3A_395 = tpu.memref_squeeze %dma_wait3A_394 : memref<1x512xi32, #tpu.memory_space<hbm>> -> memref<512xi32, #tpu.memory_space<hbm>>
    %dma_wait3A_396 = arith.constant 8704 : i32
    %dma_wait3A_397 = tpu.memref_slice %arg5[%dma_wait3A_396] : memref<13312xi32, #tpu.memory_space<vmem>> -> memref<512xi32, #tpu.memory_space<vmem>>
    %dma_wait3A_398 = tpu.memref_slice %arg2[%dma_wait3A_391, %mul3A_2] : memref<26x16384xi32, #tpu.memory_space<hbm>> -> memref<1x512xi32, #tpu.memory_space<hbm>>
    %dma_wait3A_399 = tpu.memref_squeeze %dma_wait3A_398 : memref<1x512xi32, #tpu.memory_space<hbm>> -> memref<512xi32, #tpu.memory_space<hbm>>
    tpu.wait_dma2 semaphore(%arg9 : memref<!tpu.dma_semaphore, #tpu.memory_space<semaphore_mem>>) src(%dma_wait3A_399 : memref<512xi32, #tpu.memory_space<hbm>>) dst(%dma_wait3A_397 : memref<512xi32, #tpu.memory_space<vmem>>)
    %dma_wait3A_400 = arith.constant 18 : i32
    %dma_wait3A_401 = arith.constant 9216 : i32
    %dma_wait3A_402 = tpu.memref_slice %arg5[%dma_wait3A_401] : memref<13312xi32, #tpu.memory_space<vmem>> -> memref<512xi32, #tpu.memory_space<vmem>>
    %dma_wait3A_403 = tpu.memref_slice %arg2[%dma_wait3A_400, %mul3A_2] : memref<26x16384xi32, #tpu.memory_space<hbm>> -> memref<1x512xi32, #tpu.memory_space<hbm>>
    %dma_wait3A_404 = tpu.memref_squeeze %dma_wait3A_403 : memref<1x512xi32, #tpu.memory_space<hbm>> -> memref<512xi32, #tpu.memory_space<hbm>>
    %dma_wait3A_405 = arith.constant 9216 : i32
    %dma_wait3A_406 = tpu.memref_slice %arg5[%dma_wait3A_405] : memref<13312xi32, #tpu.memory_space<vmem>> -> memref<512xi32, #tpu.memory_space<vmem>>
    %dma_wait3A_407 = tpu.memref_slice %arg2[%dma_wait3A_400, %mul3A_2] : memref<26x16384xi32, #tpu.memory_space<hbm>> -> memref<1x512xi32, #tpu.memory_space<hbm>>
    %dma_wait3A_408 = tpu.memref_squeeze %dma_wait3A_407 : memref<1x512xi32, #tpu.memory_space<hbm>> -> memref<512xi32, #tpu.memory_space<hbm>>
    tpu.wait_dma2 semaphore(%arg9 : memref<!tpu.dma_semaphore, #tpu.memory_space<semaphore_mem>>) src(%dma_wait3A_408 : memref<512xi32, #tpu.memory_space<hbm>>) dst(%dma_wait3A_406 : memref<512xi32, #tpu.memory_space<vmem>>)
    %dma_wait3A_409 = arith.constant 19 : i32
    %dma_wait3A_410 = arith.constant 9728 : i32
    %dma_wait3A_411 = tpu.memref_slice %arg5[%dma_wait3A_410] : memref<13312xi32, #tpu.memory_space<vmem>> -> memref<512xi32, #tpu.memory_space<vmem>>
    %dma_wait3A_412 = tpu.memref_slice %arg2[%dma_wait3A_409, %mul3A_2] : memref<26x16384xi32, #tpu.memory_space<hbm>> -> memref<1x512xi32, #tpu.memory_space<hbm>>
    %dma_wait3A_413 = tpu.memref_squeeze %dma_wait3A_412 : memref<1x512xi32, #tpu.memory_space<hbm>> -> memref<512xi32, #tpu.memory_space<hbm>>
    %dma_wait3A_414 = arith.constant 9728 : i32
    %dma_wait3A_415 = tpu.memref_slice %arg5[%dma_wait3A_414] : memref<13312xi32, #tpu.memory_space<vmem>> -> memref<512xi32, #tpu.memory_space<vmem>>
    %dma_wait3A_416 = tpu.memref_slice %arg2[%dma_wait3A_409, %mul3A_2] : memref<26x16384xi32, #tpu.memory_space<hbm>> -> memref<1x512xi32, #tpu.memory_space<hbm>>
    %dma_wait3A_417 = tpu.memref_squeeze %dma_wait3A_416 : memref<1x512xi32, #tpu.memory_space<hbm>> -> memref<512xi32, #tpu.memory_space<hbm>>
    tpu.wait_dma2 semaphore(%arg9 : memref<!tpu.dma_semaphore, #tpu.memory_space<semaphore_mem>>) src(%dma_wait3A_417 : memref<512xi32, #tpu.memory_space<hbm>>) dst(%dma_wait3A_415 : memref<512xi32, #tpu.memory_space<vmem>>)
    %dma_wait3A_418 = arith.constant 20 : i32
    %dma_wait3A_419 = arith.constant 10240 : i32
    %dma_wait3A_420 = tpu.memref_slice %arg5[%dma_wait3A_419] : memref<13312xi32, #tpu.memory_space<vmem>> -> memref<512xi32, #tpu.memory_space<vmem>>
    %dma_wait3A_421 = tpu.memref_slice %arg2[%dma_wait3A_418, %mul3A_2] : memref<26x16384xi32, #tpu.memory_space<hbm>> -> memref<1x512xi32, #tpu.memory_space<hbm>>
    %dma_wait3A_422 = tpu.memref_squeeze %dma_wait3A_421 : memref<1x512xi32, #tpu.memory_space<hbm>> -> memref<512xi32, #tpu.memory_space<hbm>>
    %dma_wait3A_423 = arith.constant 10240 : i32
    %dma_wait3A_424 = tpu.memref_slice %arg5[%dma_wait3A_423] : memref<13312xi32, #tpu.memory_space<vmem>> -> memref<512xi32, #tpu.memory_space<vmem>>
    %dma_wait3A_425 = tpu.memref_slice %arg2[%dma_wait3A_418, %mul3A_2] : memref<26x16384xi32, #tpu.memory_space<hbm>> -> memref<1x512xi32, #tpu.memory_space<hbm>>
    %dma_wait3A_426 = tpu.memref_squeeze %dma_wait3A_425 : memref<1x512xi32, #tpu.memory_space<hbm>> -> memref<512xi32, #tpu.memory_space<hbm>>
    tpu.wait_dma2 semaphore(%arg9 : memref<!tpu.dma_semaphore, #tpu.memory_space<semaphore_mem>>) src(%dma_wait3A_426 : memref<512xi32, #tpu.memory_space<hbm>>) dst(%dma_wait3A_424 : memref<512xi32, #tpu.memory_space<vmem>>)
    %dma_wait3A_427 = arith.constant 21 : i32
    %dma_wait3A_428 = arith.constant 10752 : i32
    %dma_wait3A_429 = tpu.memref_slice %arg5[%dma_wait3A_428] : memref<13312xi32, #tpu.memory_space<vmem>> -> memref<512xi32, #tpu.memory_space<vmem>>
    %dma_wait3A_430 = tpu.memref_slice %arg2[%dma_wait3A_427, %mul3A_2] : memref<26x16384xi32, #tpu.memory_space<hbm>> -> memref<1x512xi32, #tpu.memory_space<hbm>>
    %dma_wait3A_431 = tpu.memref_squeeze %dma_wait3A_430 : memref<1x512xi32, #tpu.memory_space<hbm>> -> memref<512xi32, #tpu.memory_space<hbm>>
    %dma_wait3A_432 = arith.constant 10752 : i32
    %dma_wait3A_433 = tpu.memref_slice %arg5[%dma_wait3A_432] : memref<13312xi32, #tpu.memory_space<vmem>> -> memref<512xi32, #tpu.memory_space<vmem>>
    %dma_wait3A_434 = tpu.memref_slice %arg2[%dma_wait3A_427, %mul3A_2] : memref<26x16384xi32, #tpu.memory_space<hbm>> -> memref<1x512xi32, #tpu.memory_space<hbm>>
    %dma_wait3A_435 = tpu.memref_squeeze %dma_wait3A_434 : memref<1x512xi32, #tpu.memory_space<hbm>> -> memref<512xi32, #tpu.memory_space<hbm>>
    tpu.wait_dma2 semaphore(%arg9 : memref<!tpu.dma_semaphore, #tpu.memory_space<semaphore_mem>>) src(%dma_wait3A_435 : memref<512xi32, #tpu.memory_space<hbm>>) dst(%dma_wait3A_433 : memref<512xi32, #tpu.memory_space<vmem>>)
    %dma_wait3A_436 = arith.constant 22 : i32
    %dma_wait3A_437 = arith.constant 11264 : i32
    %dma_wait3A_438 = tpu.memref_slice %arg5[%dma_wait3A_437] : memref<13312xi32, #tpu.memory_space<vmem>> -> memref<512xi32, #tpu.memory_space<vmem>>
    %dma_wait3A_439 = tpu.memref_slice %arg2[%dma_wait3A_436, %mul3A_2] : memref<26x16384xi32, #tpu.memory_space<hbm>> -> memref<1x512xi32, #tpu.memory_space<hbm>>
    %dma_wait3A_440 = tpu.memref_squeeze %dma_wait3A_439 : memref<1x512xi32, #tpu.memory_space<hbm>> -> memref<512xi32, #tpu.memory_space<hbm>>
    %dma_wait3A_441 = arith.constant 11264 : i32
    %dma_wait3A_442 = tpu.memref_slice %arg5[%dma_wait3A_441] : memref<13312xi32, #tpu.memory_space<vmem>> -> memref<512xi32, #tpu.memory_space<vmem>>
    %dma_wait3A_443 = tpu.memref_slice %arg2[%dma_wait3A_436, %mul3A_2] : memref<26x16384xi32, #tpu.memory_space<hbm>> -> memref<1x512xi32, #tpu.memory_space<hbm>>
    %dma_wait3A_444 = tpu.memref_squeeze %dma_wait3A_443 : memref<1x512xi32, #tpu.memory_space<hbm>> -> memref<512xi32, #tpu.memory_space<hbm>>
    tpu.wait_dma2 semaphore(%arg9 : memref<!tpu.dma_semaphore, #tpu.memory_space<semaphore_mem>>) src(%dma_wait3A_444 : memref<512xi32, #tpu.memory_space<hbm>>) dst(%dma_wait3A_442 : memref<512xi32, #tpu.memory_space<vmem>>)
    %dma_wait3A_445 = arith.constant 23 : i32
    %dma_wait3A_446 = arith.constant 11776 : i32
    %dma_wait3A_447 = tpu.memref_slice %arg5[%dma_wait3A_446] : memref<13312xi32, #tpu.memory_space<vmem>> -> memref<512xi32, #tpu.memory_space<vmem>>
    %dma_wait3A_448 = tpu.memref_slice %arg2[%dma_wait3A_445, %mul3A_2] : memref<26x16384xi32, #tpu.memory_space<hbm>> -> memref<1x512xi32, #tpu.memory_space<hbm>>
    %dma_wait3A_449 = tpu.memref_squeeze %dma_wait3A_448 : memref<1x512xi32, #tpu.memory_space<hbm>> -> memref<512xi32, #tpu.memory_space<hbm>>
    %dma_wait3A_450 = arith.constant 11776 : i32
    %dma_wait3A_451 = tpu.memref_slice %arg5[%dma_wait3A_450] : memref<13312xi32, #tpu.memory_space<vmem>> -> memref<512xi32, #tpu.memory_space<vmem>>
    %dma_wait3A_452 = tpu.memref_slice %arg2[%dma_wait3A_445, %mul3A_2] : memref<26x16384xi32, #tpu.memory_space<hbm>> -> memref<1x512xi32, #tpu.memory_space<hbm>>
    %dma_wait3A_453 = tpu.memref_squeeze %dma_wait3A_452 : memref<1x512xi32, #tpu.memory_space<hbm>> -> memref<512xi32, #tpu.memory_space<hbm>>
    tpu.wait_dma2 semaphore(%arg9 : memref<!tpu.dma_semaphore, #tpu.memory_space<semaphore_mem>>) src(%dma_wait3A_453 : memref<512xi32, #tpu.memory_space<hbm>>) dst(%dma_wait3A_451 : memref<512xi32, #tpu.memory_space<vmem>>)
    %dma_wait3A_454 = arith.constant 24 : i32
    %dma_wait3A_455 = arith.constant 12288 : i32
    %dma_wait3A_456 = tpu.memref_slice %arg5[%dma_wait3A_455] : memref<13312xi32, #tpu.memory_space<vmem>> -> memref<512xi32, #tpu.memory_space<vmem>>
    %dma_wait3A_457 = tpu.memref_slice %arg2[%dma_wait3A_454, %mul3A_2] : memref<26x16384xi32, #tpu.memory_space<hbm>> -> memref<1x512xi32, #tpu.memory_space<hbm>>
    %dma_wait3A_458 = tpu.memref_squeeze %dma_wait3A_457 : memref<1x512xi32, #tpu.memory_space<hbm>> -> memref<512xi32, #tpu.memory_space<hbm>>
    %dma_wait3A_459 = arith.constant 12288 : i32
    %dma_wait3A_460 = tpu.memref_slice %arg5[%dma_wait3A_459] : memref<13312xi32, #tpu.memory_space<vmem>> -> memref<512xi32, #tpu.memory_space<vmem>>
    %dma_wait3A_461 = tpu.memref_slice %arg2[%dma_wait3A_454, %mul3A_2] : memref<26x16384xi32, #tpu.memory_space<hbm>> -> memref<1x512xi32, #tpu.memory_space<hbm>>
    %dma_wait3A_462 = tpu.memref_squeeze %dma_wait3A_461 : memref<1x512xi32, #tpu.memory_space<hbm>> -> memref<512xi32, #tpu.memory_space<hbm>>
    tpu.wait_dma2 semaphore(%arg9 : memref<!tpu.dma_semaphore, #tpu.memory_space<semaphore_mem>>) src(%dma_wait3A_462 : memref<512xi32, #tpu.memory_space<hbm>>) dst(%dma_wait3A_460 : memref<512xi32, #tpu.memory_space<vmem>>)
    %dma_wait3A_463 = arith.constant 25 : i32
    %dma_wait3A_464 = arith.constant 12800 : i32
    %dma_wait3A_465 = tpu.memref_slice %arg5[%dma_wait3A_464] : memref<13312xi32, #tpu.memory_space<vmem>> -> memref<512xi32, #tpu.memory_space<vmem>>
    %dma_wait3A_466 = tpu.memref_slice %arg2[%dma_wait3A_463, %mul3A_2] : memref<26x16384xi32, #tpu.memory_space<hbm>> -> memref<1x512xi32, #tpu.memory_space<hbm>>
    %dma_wait3A_467 = tpu.memref_squeeze %dma_wait3A_466 : memref<1x512xi32, #tpu.memory_space<hbm>> -> memref<512xi32, #tpu.memory_space<hbm>>
    %dma_wait3A_468 = arith.constant 12800 : i32
    %dma_wait3A_469 = tpu.memref_slice %arg5[%dma_wait3A_468] : memref<13312xi32, #tpu.memory_space<vmem>> -> memref<512xi32, #tpu.memory_space<vmem>>
    %dma_wait3A_470 = tpu.memref_slice %arg2[%dma_wait3A_463, %mul3A_2] : memref<26x16384xi32, #tpu.memory_space<hbm>> -> memref<1x512xi32, #tpu.memory_space<hbm>>
    %dma_wait3A_471 = tpu.memref_squeeze %dma_wait3A_470 : memref<1x512xi32, #tpu.memory_space<hbm>> -> memref<512xi32, #tpu.memory_space<hbm>>
    tpu.wait_dma2 semaphore(%arg9 : memref<!tpu.dma_semaphore, #tpu.memory_space<semaphore_mem>>) src(%dma_wait3A_471 : memref<512xi32, #tpu.memory_space<hbm>>) dst(%dma_wait3A_469 : memref<512xi32, #tpu.memory_space<vmem>>)
    %scan3A = arith.constant 0 : i32
    %scan3A_472 = arith.constant 104 : i32
    %scan3A_473 = arith.addi %scan3A, %scan3A_472 : i32
    %scan3A_474 = arith.constant 1 : i32
    scf.for %scan3A_577 = %scan3A to %scan3A_473 step %scan3A_474  : i32 {
      %div3A = arith.constant 4 : i32
      %div3A_578 = arith.divsi %scan3A_577, %div3A : i32
      %rem3A = arith.constant 4 : i32
      %rem3A_579 = arith.remsi %scan3A_577, %rem3A : i32
      %mul3A_580 = arith.constant 40000 : i32
      %mul3A_581 = arith.muli %div3A_578, %mul3A_580 : i32
      %mul3A_582 = arith.constant 128 : i32
      %mul3A_583 = arith.muli %rem3A_579, %mul3A_582 : i32
      %add3A_584 = arith.addi %mul3A_2, %mul3A_583 : i32
      %mul3A_585 = arith.constant 26 : i32
      %mul3A_586 = arith.muli %add3A_584, %mul3A_585 : i32
      %add3A_587 = arith.addi %mul3A_586, %div3A_578 : i32
      %mul3A_588 = arith.constant 512 : i32
      %mul3A_589 = arith.muli %div3A_578, %mul3A_588 : i32
      %mul3A_590 = arith.constant 128 : i32
      %mul3A_591 = arith.muli %rem3A_579, %mul3A_590 : i32
      %add3A_592 = arith.addi %mul3A_589, %mul3A_591 : i32
      %add3A_593 = arith.constant 0 : i32
      %add3A_594 = arith.addi %add3A_592, %add3A_593 : i32
      %get3A = arith.index_cast %add3A_594 : i32 to index
      %get3A_595 = tpu.vector_load %arg5[%get3A] {strides = array<i32>} : memref<13312xi32, #tpu.memory_space<vmem>>, vector<16xi32>,
      %get3A_596 = vector.shape_cast %get3A_595 : vector<16xi32> to vector<16xi32>
      %add3A_597 = vector.broadcast %mul3A_581 : i32 to vector<16xi32>
      %add3A_598 = arith.addi %get3A_596, %add3A_597 : vector<16xi32>
      %swap3A = arith.index_cast %scan3A_577 : i32 to index
      %swap3A_599 = arith.constant 0 : index
      %swap3A_600 = tpu.vector_load %arg6[%swap3A, %swap3A_599] {strides = array<i32>} : memref<104x128xi32, #tpu.memory_space<vmem>>, vector<1x16xi32>,
      %swap3A_601 = vector.shape_cast %swap3A_600 : vector<1x16xi32> to vector<16xi32>
      %swap3A_602 = vector.shape_cast %add3A_598 : vector<16xi32> to vector<1x16xi32>
      tpu.vector_store %arg6[%swap3A, %swap3A_599], %swap3A_602 {strides = array<i32>} : memref<104x128xi32, #tpu.memory_space<vmem>>, vector<1x16xi32>,
      %add3A_603 = arith.constant 0 : i32
      %add3A_604 = arith.addi %add3A_587, %add3A_603 : i32
      %add3A_605 = vector.broadcast %add3A_604 : i32 to vector<16xi32>
      %add3A_606 = arith.addi %mul3A_238, %add3A_605 : vector<16xi32>
      %swap3A_607 = arith.index_cast %scan3A_577 : i32 to index
      %swap3A_608 = arith.constant 0 : index
      %swap3A_609 = tpu.vector_load %arg7[%swap3A_607, %swap3A_608] {strides = array<i32>} : memref<104x128xi32, #tpu.memory_space<vmem>>, vector<1x16xi32>,
      %swap3A_610 = vector.shape_cast %swap3A_609 : vector<1x16xi32> to vector<16xi32>
      %swap3A_611 = vector.shape_cast %add3A_606 : vector<16xi32> to vector<1x16xi32>
      tpu.vector_store %arg7[%swap3A_607, %swap3A_608], %swap3A_611 {strides = array<i32>} : memref<104x128xi32, #tpu.memory_space<vmem>>, vector<1x16xi32>,
      %mul3A_612 = arith.constant 512 : i32
      %mul3A_613 = arith.muli %div3A_578, %mul3A_612 : i32
      %mul3A_614 = arith.constant 128 : i32
      %mul3A_615 = arith.muli %rem3A_579, %mul3A_614 : i32
      %add3A_616 = arith.addi %mul3A_613, %mul3A_615 : i32
      %add3A_617 = arith.constant 16 : i32
      %add3A_618 = arith.addi %add3A_616, %add3A_617 : i32
      %get3A_619 = arith.index_cast %add3A_618 : i32 to index
      %get3A_620 = tpu.vector_load %arg5[%get3A_619] {strides = array<i32>} : memref<13312xi32, #tpu.memory_space<vmem>>, vector<16xi32>,
      %get3A_621 = vector.shape_cast %get3A_620 : vector<16xi32> to vector<16xi32>
      %add3A_622 = vector.broadcast %mul3A_581 : i32 to vector<16xi32>
      %add3A_623 = arith.addi %get3A_621, %add3A_622 : vector<16xi32>
      %swap3A_624 = arith.index_cast %scan3A_577 : i32 to index
      %swap3A_625 = arith.constant 16 : index
      %swap3A_626 = tpu.vector_load %arg6[%swap3A_624, %swap3A_625] {strides = array<i32>} : memref<104x128xi32, #tpu.memory_space<vmem>>, vector<1x16xi32>,
      %swap3A_627 = vector.shape_cast %swap3A_626 : vector<1x16xi32> to vector<16xi32>
      %swap3A_628 = vector.shape_cast %add3A_623 : vector<16xi32> to vector<1x16xi32>
      tpu.vector_store %arg6[%swap3A_624, %swap3A_625], %swap3A_628 {strides = array<i32>} : memref<104x128xi32, #tpu.memory_space<vmem>>, vector<1x16xi32>,
      %add3A_629 = arith.constant 416 : i32
      %add3A_630 = arith.addi %add3A_587, %add3A_629 : i32
      %add3A_631 = vector.broadcast %add3A_630 : i32 to vector<16xi32>
      %add3A_632 = arith.addi %mul3A_238, %add3A_631 : vector<16xi32>
      %swap3A_633 = arith.index_cast %scan3A_577 : i32 to index
      %swap3A_634 = arith.constant 16 : index
      %swap3A_635 = tpu.vector_load %arg7[%swap3A_633, %swap3A_634] {strides = array<i32>} : memref<104x128xi32, #tpu.memory_space<vmem>>, vector<1x16xi32>,
      %swap3A_636 = vector.shape_cast %swap3A_635 : vector<1x16xi32> to vector<16xi32>
      %swap3A_637 = vector.shape_cast %add3A_632 : vector<16xi32> to vector<1x16xi32>
      tpu.vector_store %arg7[%swap3A_633, %swap3A_634], %swap3A_637 {strides = array<i32>} : memref<104x128xi32, #tpu.memory_space<vmem>>, vector<1x16xi32>,
      %mul3A_638 = arith.constant 512 : i32
      %mul3A_639 = arith.muli %div3A_578, %mul3A_638 : i32
      %mul3A_640 = arith.constant 128 : i32
      %mul3A_641 = arith.muli %rem3A_579, %mul3A_640 : i32
      %add3A_642 = arith.addi %mul3A_639, %mul3A_641 : i32
      %add3A_643 = arith.constant 32 : i32
      %add3A_644 = arith.addi %add3A_642, %add3A_643 : i32
      %get3A_645 = arith.index_cast %add3A_644 : i32 to index
      %get3A_646 = tpu.vector_load %arg5[%get3A_645] {strides = array<i32>} : memref<13312xi32, #tpu.memory_space<vmem>>, vector<16xi32>,
      %get3A_647 = vector.shape_cast %get3A_646 : vector<16xi32> to vector<16xi32>
      %add3A_648 = vector.broadcast %mul3A_581 : i32 to vector<16xi32>
      %add3A_649 = arith.addi %get3A_647, %add3A_648 : vector<16xi32>
      %swap3A_650 = arith.index_cast %scan3A_577 : i32 to index
      %swap3A_651 = arith.constant 32 : index
      %swap3A_652 = tpu.vector_load %arg6[%swap3A_650, %swap3A_651] {strides = array<i32>} : memref<104x128xi32, #tpu.memory_space<vmem>>, vector<1x16xi32>,
      %swap3A_653 = vector.shape_cast %swap3A_652 : vector<1x16xi32> to vector<16xi32>
      %swap3A_654 = vector.shape_cast %add3A_649 : vector<16xi32> to vector<1x16xi32>
      tpu.vector_store %arg6[%swap3A_650, %swap3A_651], %swap3A_654 {strides = array<i32>} : memref<104x128xi32, #tpu.memory_space<vmem>>, vector<1x16xi32>,
      %add3A_655 = arith.constant 832 : i32
      %add3A_656 = arith.addi %add3A_587, %add3A_655 : i32
      %add3A_657 = vector.broadcast %add3A_656 : i32 to vector<16xi32>
      %add3A_658 = arith.addi %mul3A_238, %add3A_657 : vector<16xi32>
      %swap3A_659 = arith.index_cast %scan3A_577 : i32 to index
      %swap3A_660 = arith.constant 32 : index
      %swap3A_661 = tpu.vector_load %arg7[%swap3A_659, %swap3A_660] {strides = array<i32>} : memref<104x128xi32, #tpu.memory_space<vmem>>, vector<1x16xi32>,
      %swap3A_662 = vector.shape_cast %swap3A_661 : vector<1x16xi32> to vector<16xi32>
      %swap3A_663 = vector.shape_cast %add3A_658 : vector<16xi32> to vector<1x16xi32>
      tpu.vector_store %arg7[%swap3A_659, %swap3A_660], %swap3A_663 {strides = array<i32>} : memref<104x128xi32, #tpu.memory_space<vmem>>, vector<1x16xi32>,
      %mul3A_664 = arith.constant 512 : i32
      %mul3A_665 = arith.muli %div3A_578, %mul3A_664 : i32
      %mul3A_666 = arith.constant 128 : i32
      %mul3A_667 = arith.muli %rem3A_579, %mul3A_666 : i32
      %add3A_668 = arith.addi %mul3A_665, %mul3A_667 : i32
      %add3A_669 = arith.constant 48 : i32
      %add3A_670 = arith.addi %add3A_668, %add3A_669 : i32
      %get3A_671 = arith.index_cast %add3A_670 : i32 to index
      %get3A_672 = tpu.vector_load %arg5[%get3A_671] {strides = array<i32>} : memref<13312xi32, #tpu.memory_space<vmem>>, vector<16xi32>,
      %get3A_673 = vector.shape_cast %get3A_672 : vector<16xi32> to vector<16xi32>
      %add3A_674 = vector.broadcast %mul3A_581 : i32 to vector<16xi32>
      %add3A_675 = arith.addi %get3A_673, %add3A_674 : vector<16xi32>
      %swap3A_676 = arith.index_cast %scan3A_577 : i32 to index
      %swap3A_677 = arith.constant 48 : index
      %swap3A_678 = tpu.vector_load %arg6[%swap3A_676, %swap3A_677] {strides = array<i32>} : memref<104x128xi32, #tpu.memory_space<vmem>>, vector<1x16xi32>,
      %swap3A_679 = vector.shape_cast %swap3A_678 : vector<1x16xi32> to vector<16xi32>
      %swap3A_680 = vector.shape_cast %add3A_675 : vector<16xi32> to vector<1x16xi32>
      tpu.vector_store %arg6[%swap3A_676, %swap3A_677], %swap3A_680 {strides = array<i32>} : memref<104x128xi32, #tpu.memory_space<vmem>>, vector<1x16xi32>,
      %add3A_681 = arith.constant 1248 : i32
      %add3A_682 = arith.addi %add3A_587, %add3A_681 : i32
      %add3A_683 = vector.broadcast %add3A_682 : i32 to vector<16xi32>
      %add3A_684 = arith.addi %mul3A_238, %add3A_683 : vector<16xi32>
      %swap3A_685 = arith.index_cast %scan3A_577 : i32 to index
      %swap3A_686 = arith.constant 48 : index
      %swap3A_687 = tpu.vector_load %arg7[%swap3A_685, %swap3A_686] {strides = array<i32>} : memref<104x128xi32, #tpu.memory_space<vmem>>, vector<1x16xi32>,
      %swap3A_688 = vector.shape_cast %swap3A_687 : vector<1x16xi32> to vector<16xi32>
      %swap3A_689 = vector.shape_cast %add3A_684 : vector<16xi32> to vector<1x16xi32>
      tpu.vector_store %arg7[%swap3A_685, %swap3A_686], %swap3A_689 {strides = array<i32>} : memref<104x128xi32, #tpu.memory_space<vmem>>, vector<1x16xi32>,
      %mul3A_690 = arith.constant 512 : i32
      %mul3A_691 = arith.muli %div3A_578, %mul3A_690 : i32
      %mul3A_692 = arith.constant 128 : i32
      %mul3A_693 = arith.muli %rem3A_579, %mul3A_692 : i32
      %add3A_694 = arith.addi %mul3A_691, %mul3A_693 : i32
      %add3A_695 = arith.constant 64 : i32
      %add3A_696 = arith.addi %add3A_694, %add3A_695 : i32
      %get3A_697 = arith.index_cast %add3A_696 : i32 to index
      %get3A_698 = tpu.vector_load %arg5[%get3A_697] {strides = array<i32>} : memref<13312xi32, #tpu.memory_space<vmem>>, vector<16xi32>,
      %get3A_699 = vector.shape_cast %get3A_698 : vector<16xi32> to vector<16xi32>
      %add3A_700 = vector.broadcast %mul3A_581 : i32 to vector<16xi32>
      %add3A_701 = arith.addi %get3A_699, %add3A_700 : vector<16xi32>
      %swap3A_702 = arith.index_cast %scan3A_577 : i32 to index
      %swap3A_703 = arith.constant 64 : index
      %swap3A_704 = tpu.vector_load %arg6[%swap3A_702, %swap3A_703] {strides = array<i32>} : memref<104x128xi32, #tpu.memory_space<vmem>>, vector<1x16xi32>,
      %swap3A_705 = vector.shape_cast %swap3A_704 : vector<1x16xi32> to vector<16xi32>
      %swap3A_706 = vector.shape_cast %add3A_701 : vector<16xi32> to vector<1x16xi32>
      tpu.vector_store %arg6[%swap3A_702, %swap3A_703], %swap3A_706 {strides = array<i32>} : memref<104x128xi32, #tpu.memory_space<vmem>>, vector<1x16xi32>,
      %add3A_707 = arith.constant 1664 : i32
      %add3A_708 = arith.addi %add3A_587, %add3A_707 : i32
      %add3A_709 = vector.broadcast %add3A_708 : i32 to vector<16xi32>
      %add3A_710 = arith.addi %mul3A_238, %add3A_709 : vector<16xi32>
      %swap3A_711 = arith.index_cast %scan3A_577 : i32 to index
      %swap3A_712 = arith.constant 64 : index
      %swap3A_713 = tpu.vector_load %arg7[%swap3A_711, %swap3A_712] {strides = array<i32>} : memref<104x128xi32, #tpu.memory_space<vmem>>, vector<1x16xi32>,
      %swap3A_714 = vector.shape_cast %swap3A_713 : vector<1x16xi32> to vector<16xi32>
      %swap3A_715 = vector.shape_cast %add3A_710 : vector<16xi32> to vector<1x16xi32>
      tpu.vector_store %arg7[%swap3A_711, %swap3A_712], %swap3A_715 {strides = array<i32>} : memref<104x128xi32, #tpu.memory_space<vmem>>, vector<1x16xi32>,
      %mul3A_716 = arith.constant 512 : i32
      %mul3A_717 = arith.muli %div3A_578, %mul3A_716 : i32
      %mul3A_718 = arith.constant 128 : i32
      %mul3A_719 = arith.muli %rem3A_579, %mul3A_718 : i32
      %add3A_720 = arith.addi %mul3A_717, %mul3A_719 : i32
      %add3A_721 = arith.constant 80 : i32
      %add3A_722 = arith.addi %add3A_720, %add3A_721 : i32
      %get3A_723 = arith.index_cast %add3A_722 : i32 to index
      %get3A_724 = tpu.vector_load %arg5[%get3A_723] {strides = array<i32>} : memref<13312xi32, #tpu.memory_space<vmem>>, vector<16xi32>,
      %get3A_725 = vector.shape_cast %get3A_724 : vector<16xi32> to vector<16xi32>
      %add3A_726 = vector.broadcast %mul3A_581 : i32 to vector<16xi32>
      %add3A_727 = arith.addi %get3A_725, %add3A_726 : vector<16xi32>
      %swap3A_728 = arith.index_cast %scan3A_577 : i32 to index
      %swap3A_729 = arith.constant 80 : index
      %swap3A_730 = tpu.vector_load %arg6[%swap3A_728, %swap3A_729] {strides = array<i32>} : memref<104x128xi32, #tpu.memory_space<vmem>>, vector<1x16xi32>,
      %swap3A_731 = vector.shape_cast %swap3A_730 : vector<1x16xi32> to vector<16xi32>
      %swap3A_732 = vector.shape_cast %add3A_727 : vector<16xi32> to vector<1x16xi32>
      tpu.vector_store %arg6[%swap3A_728, %swap3A_729], %swap3A_732 {strides = array<i32>} : memref<104x128xi32, #tpu.memory_space<vmem>>, vector<1x16xi32>,
      %add3A_733 = arith.constant 2080 : i32
      %add3A_734 = arith.addi %add3A_587, %add3A_733 : i32
      %add3A_735 = vector.broadcast %add3A_734 : i32 to vector<16xi32>
      %add3A_736 = arith.addi %mul3A_238, %add3A_735 : vector<16xi32>
      %swap3A_737 = arith.index_cast %scan3A_577 : i32 to index
      %swap3A_738 = arith.constant 80 : index
      %swap3A_739 = tpu.vector_load %arg7[%swap3A_737, %swap3A_738] {strides = array<i32>} : memref<104x128xi32, #tpu.memory_space<vmem>>, vector<1x16xi32>,
      %swap3A_740 = vector.shape_cast %swap3A_739 : vector<1x16xi32> to vector<16xi32>
      %swap3A_741 = vector.shape_cast %add3A_736 : vector<16xi32> to vector<1x16xi32>
      tpu.vector_store %arg7[%swap3A_737, %swap3A_738], %swap3A_741 {strides = array<i32>} : memref<104x128xi32, #tpu.memory_space<vmem>>, vector<1x16xi32>,
      %mul3A_742 = arith.constant 512 : i32
      %mul3A_743 = arith.muli %div3A_578, %mul3A_742 : i32
      %mul3A_744 = arith.constant 128 : i32
      %mul3A_745 = arith.muli %rem3A_579, %mul3A_744 : i32
      %add3A_746 = arith.addi %mul3A_743, %mul3A_745 : i32
      %add3A_747 = arith.constant 96 : i32
      %add3A_748 = arith.addi %add3A_746, %add3A_747 : i32
      %get3A_749 = arith.index_cast %add3A_748 : i32 to index
      %get3A_750 = tpu.vector_load %arg5[%get3A_749] {strides = array<i32>} : memref<13312xi32, #tpu.memory_space<vmem>>, vector<16xi32>,
      %get3A_751 = vector.shape_cast %get3A_750 : vector<16xi32> to vector<16xi32>
      %add3A_752 = vector.broadcast %mul3A_581 : i32 to vector<16xi32>
      %add3A_753 = arith.addi %get3A_751, %add3A_752 : vector<16xi32>
      %swap3A_754 = arith.index_cast %scan3A_577 : i32 to index
      %swap3A_755 = arith.constant 96 : index
      %swap3A_756 = tpu.vector_load %arg6[%swap3A_754, %swap3A_755] {strides = array<i32>} : memref<104x128xi32, #tpu.memory_space<vmem>>, vector<1x16xi32>,
      %swap3A_757 = vector.shape_cast %swap3A_756 : vector<1x16xi32> to vector<16xi32>
      %swap3A_758 = vector.shape_cast %add3A_753 : vector<16xi32> to vector<1x16xi32>
      tpu.vector_store %arg6[%swap3A_754, %swap3A_755], %swap3A_758 {strides = array<i32>} : memref<104x128xi32, #tpu.memory_space<vmem>>, vector<1x16xi32>,
      %add3A_759 = arith.constant 2496 : i32
      %add3A_760 = arith.addi %add3A_587, %add3A_759 : i32
      %add3A_761 = vector.broadcast %add3A_760 : i32 to vector<16xi32>
      %add3A_762 = arith.addi %mul3A_238, %add3A_761 : vector<16xi32>
      %swap3A_763 = arith.index_cast %scan3A_577 : i32 to index
      %swap3A_764 = arith.constant 96 : index
      %swap3A_765 = tpu.vector_load %arg7[%swap3A_763, %swap3A_764] {strides = array<i32>} : memref<104x128xi32, #tpu.memory_space<vmem>>, vector<1x16xi32>,
      %swap3A_766 = vector.shape_cast %swap3A_765 : vector<1x16xi32> to vector<16xi32>
      %swap3A_767 = vector.shape_cast %add3A_762 : vector<16xi32> to vector<1x16xi32>
      tpu.vector_store %arg7[%swap3A_763, %swap3A_764], %swap3A_767 {strides = array<i32>} : memref<104x128xi32, #tpu.memory_space<vmem>>, vector<1x16xi32>,
      %mul3A_768 = arith.constant 512 : i32
      %mul3A_769 = arith.muli %div3A_578, %mul3A_768 : i32
      %mul3A_770 = arith.constant 128 : i32
      %mul3A_771 = arith.muli %rem3A_579, %mul3A_770 : i32
      %add3A_772 = arith.addi %mul3A_769, %mul3A_771 : i32
      %add3A_773 = arith.constant 112 : i32
      %add3A_774 = arith.addi %add3A_772, %add3A_773 : i32
      %get3A_775 = arith.index_cast %add3A_774 : i32 to index
      %get3A_776 = tpu.vector_load %arg5[%get3A_775] {strides = array<i32>} : memref<13312xi32, #tpu.memory_space<vmem>>, vector<16xi32>,
      %get3A_777 = vector.shape_cast %get3A_776 : vector<16xi32> to vector<16xi32>
      %add3A_778 = vector.broadcast %mul3A_581 : i32 to vector<16xi32>
      %add3A_779 = arith.addi %get3A_777, %add3A_778 : vector<16xi32>
      %swap3A_780 = arith.index_cast %scan3A_577 : i32 to index
      %swap3A_781 = arith.constant 112 : index
      %swap3A_782 = tpu.vector_load %arg6[%swap3A_780, %swap3A_781] {strides = array<i32>} : memref<104x128xi32, #tpu.memory_space<vmem>>, vector<1x16xi32>,
      %swap3A_783 = vector.shape_cast %swap3A_782 : vector<1x16xi32> to vector<16xi32>
      %swap3A_784 = vector.shape_cast %add3A_779 : vector<16xi32> to vector<1x16xi32>
      tpu.vector_store %arg6[%swap3A_780, %swap3A_781], %swap3A_784 {strides = array<i32>} : memref<104x128xi32, #tpu.memory_space<vmem>>, vector<1x16xi32>,
      %add3A_785 = arith.constant 2912 : i32
      %add3A_786 = arith.addi %add3A_587, %add3A_785 : i32
      %add3A_787 = vector.broadcast %add3A_786 : i32 to vector<16xi32>
      %add3A_788 = arith.addi %mul3A_238, %add3A_787 : vector<16xi32>
      %swap3A_789 = arith.index_cast %scan3A_577 : i32 to index
      %swap3A_790 = arith.constant 112 : index
      %swap3A_791 = tpu.vector_load %arg7[%swap3A_789, %swap3A_790] {strides = array<i32>} : memref<104x128xi32, #tpu.memory_space<vmem>>, vector<1x16xi32>,
      %swap3A_792 = vector.shape_cast %swap3A_791 : vector<1x16xi32> to vector<16xi32>
      %swap3A_793 = vector.shape_cast %add3A_788 : vector<16xi32> to vector<1x16xi32>
      tpu.vector_store %arg7[%swap3A_789, %swap3A_790], %swap3A_793 {strides = array<i32>} : memref<104x128xi32, #tpu.memory_space<vmem>>, vector<1x16xi32>,
    }
    %scan3A_475 = arith.constant 104 : i32
    %scan3A_476 = arith.constant 0 : i32
    %scan3A_477 = arith.constant 13 : i32
    %scan3A_478 = arith.addi %scan3A_476, %scan3A_477 : i32
    %scan3A_479 = arith.constant 1 : i32
    scf.for %scan3A_577 = %scan3A_476 to %scan3A_478 step %scan3A_479  : i32 {
      %gt3A = arith.constant 0 : i32
      %gt3A_578 = arith.cmpi sgt, %scan3A_577, %gt3A : i32
      %convert_element_type3A = arith.extui %gt3A_578 : i1 to i32
      %cond3A = arith.constant 0 : i32
      %cond3A_579 = arith.cmpi ne, %convert_element_type3A, %cond3A : i32
      scf.if %cond3A_579 {
        %dma_wait3A_943 = arith.constant 0 : i32
        %dma_wait3A_944 = arith.constant 0 : i32
        %dma_wait3A_945 = arith.constant 0 : i32
        %dma_wait3A_946 = arith.constant 0 : i32
        %dma_wait3A_947 = tpu.memref_slice %arg8[%dma_wait3A_943, %dma_wait3A_945, %dma_wait3A_946] : memref<8x128x32xf32, #tpu.memory_space<vmem>> -> memref<1x128x32xf32, #tpu.memory_space<vmem>>
        %dma_wait3A_948 = tpu.memref_squeeze %dma_wait3A_947 : memref<1x128x32xf32, #tpu.memory_space<vmem>> -> memref<128x32xf32, #tpu.memory_space<vmem>>
        %dma_wait3A_949 = arith.constant 0 : i32
        %dma_wait3A_950 = tpu.memref_slice %arg7[%dma_wait3A_944, %dma_wait3A_949] : memref<104x128xi32, #tpu.memory_space<vmem>> -> memref<1x128xi32, #tpu.memory_space<vmem>>
        %dma_wait3A_951 = tpu.memref_squeeze %dma_wait3A_950 : memref<1x128xi32, #tpu.memory_space<vmem>> -> memref<128xi32, #tpu.memory_space<vmem>>
        %dma_wait3A_952 = arith.constant 0 : i32
        %dma_wait3A_953 = arith.constant 0 : i32
        %dma_wait3A_954 = tpu.memref_slice %arg4[%dma_wait3A_952, %dma_wait3A_953] : memref<425984x32xf32, #tpu.memory_space<hbm>> -> memref<425984x32xf32, #tpu.memory_space<hbm>>
        tpu.wait_indirect_dma semaphore(%arg18 : memref<!tpu.dma_semaphore, #tpu.memory_space<semaphore_mem>>) src(%dma_wait3A_948 : memref<128x32xf32, #tpu.memory_space<vmem>>) dst(%dma_wait3A_954 : memref<425984x32xf32, #tpu.memory_space<hbm>>)
      } else {
      }
      %mul3A_580 = arith.constant 8 : i32
      %mul3A_581 = arith.muli %scan3A_577, %mul3A_580 : i32
      %add3A_582 = arith.constant 0 : i32
      %add3A_583 = arith.addi %mul3A_581, %add3A_582 : i32
      %dma_start3A_584 = arith.constant 0 : i32
      %dma_start3A_585 = arith.constant 0 : i32
      %dma_start3A_586 = arith.constant 0 : i32
      %dma_start3A_587 = tpu.memref_slice %arg8[%dma_start3A_584, %dma_start3A_585, %dma_start3A_586] : memref<8x128x32xf32, #tpu.memory_space<vmem>> -> memref<1x128x32xf32, #tpu.memory_space<vmem>>
      %dma_start3A_588 = tpu.memref_squeeze %dma_start3A_587 : memref<1x128x32xf32, #tpu.memory_space<vmem>> -> memref<128x32xf32, #tpu.memory_space<vmem>>
      %dma_start3A_589 = arith.constant 0 : i32
      %dma_start3A_590 = tpu.memref_slice %arg6[%add3A_583, %dma_start3A_589] : memref<104x128xi32, #tpu.memory_space<vmem>> -> memref<1x128xi32, #tpu.memory_space<vmem>>
      %dma_start3A_591 = tpu.memref_squeeze %dma_start3A_590 : memref<1x128xi32, #tpu.memory_space<vmem>> -> memref<128xi32, #tpu.memory_space<vmem>>
      %dma_start3A_592 = arith.constant 0 : i32
      %dma_start3A_593 = arith.constant 0 : i32
      %dma_start3A_594 = tpu.memref_slice %arg3[%dma_start3A_592, %dma_start3A_593] : memref<1040000x32xf32, #tpu.memory_space<hbm>> -> memref<1040000x32xf32, #tpu.memory_space<hbm>>
      tpu.enqueue_indirect_dma source(%dma_start3A_594 : memref<1040000x32xf32, #tpu.memory_space<hbm>>) target(%dma_start3A_588 : memref<128x32xf32, #tpu.memory_space<vmem>>) offsets(%dma_start3A_591 : memref<128xi32, #tpu.memory_space<vmem>>) semaphore(%arg10 : memref<!tpu.dma_semaphore, #tpu.memory_space<semaphore_mem>>)
      %gt3A_595 = arith.constant 0 : i32
      %gt3A_596 = arith.cmpi sgt, %scan3A_577, %gt3A_595 : i32
      %convert_element_type3A_597 = arith.extui %gt3A_596 : i1 to i32
      %cond3A_598 = arith.constant 0 : i32
      %cond3A_599 = arith.cmpi ne, %convert_element_type3A_597, %cond3A_598 : i32
      scf.if %cond3A_599 {
        %dma_wait3A_943 = arith.constant 1 : i32
        %dma_wait3A_944 = arith.constant 0 : i32
        %dma_wait3A_945 = arith.constant 0 : i32
        %dma_wait3A_946 = arith.constant 0 : i32
        %dma_wait3A_947 = tpu.memref_slice %arg8[%dma_wait3A_943, %dma_wait3A_945, %dma_wait3A_946] : memref<8x128x32xf32, #tpu.memory_space<vmem>> -> memref<1x128x32xf32, #tpu.memory_space<vmem>>
        %dma_wait3A_948 = tpu.memref_squeeze %dma_wait3A_947 : memref<1x128x32xf32, #tpu.memory_space<vmem>> -> memref<128x32xf32, #tpu.memory_space<vmem>>
        %dma_wait3A_949 = arith.constant 0 : i32
        %dma_wait3A_950 = tpu.memref_slice %arg7[%dma_wait3A_944, %dma_wait3A_949] : memref<104x128xi32, #tpu.memory_space<vmem>> -> memref<1x128xi32, #tpu.memory_space<vmem>>
        %dma_wait3A_951 = tpu.memref_squeeze %dma_wait3A_950 : memref<1x128xi32, #tpu.memory_space<vmem>> -> memref<128xi32, #tpu.memory_space<vmem>>
        %dma_wait3A_952 = arith.constant 0 : i32
        %dma_wait3A_953 = arith.constant 0 : i32
        %dma_wait3A_954 = tpu.memref_slice %arg4[%dma_wait3A_952, %dma_wait3A_953] : memref<425984x32xf32, #tpu.memory_space<hbm>> -> memref<425984x32xf32, #tpu.memory_space<hbm>>
        tpu.wait_indirect_dma semaphore(%arg19 : memref<!tpu.dma_semaphore, #tpu.memory_space<semaphore_mem>>) src(%dma_wait3A_948 : memref<128x32xf32, #tpu.memory_space<vmem>>) dst(%dma_wait3A_954 : memref<425984x32xf32, #tpu.memory_space<hbm>>)
      } else {
      }
      %mul3A_600 = arith.constant 8 : i32
      %mul3A_601 = arith.muli %scan3A_577, %mul3A_600 : i32
      %add3A_602 = arith.constant 1 : i32
      %add3A_603 = arith.addi %mul3A_601, %add3A_602 : i32
      %dma_start3A_604 = arith.constant 1 : i32
      %dma_start3A_605 = arith.constant 0 : i32
      %dma_start3A_606 = arith.constant 0 : i32
      %dma_start3A_607 = tpu.memref_slice %arg8[%dma_start3A_604, %dma_start3A_605, %dma_start3A_606] : memref<8x128x32xf32, #tpu.memory_space<vmem>> -> memref<1x128x32xf32, #tpu.memory_space<vmem>>
      %dma_start3A_608 = tpu.memref_squeeze %dma_start3A_607 : memref<1x128x32xf32, #tpu.memory_space<vmem>> -> memref<128x32xf32, #tpu.memory_space<vmem>>
      %dma_start3A_609 = arith.constant 0 : i32
      %dma_start3A_610 = tpu.memref_slice %arg6[%add3A_603, %dma_start3A_609] : memref<104x128xi32, #tpu.memory_space<vmem>> -> memref<1x128xi32, #tpu.memory_space<vmem>>
      %dma_start3A_611 = tpu.memref_squeeze %dma_start3A_610 : memref<1x128xi32, #tpu.memory_space<vmem>> -> memref<128xi32, #tpu.memory_space<vmem>>
      %dma_start3A_612 = arith.constant 0 : i32
      %dma_start3A_613 = arith.constant 0 : i32
      %dma_start3A_614 = tpu.memref_slice %arg3[%dma_start3A_612, %dma_start3A_613] : memref<1040000x32xf32, #tpu.memory_space<hbm>> -> memref<1040000x32xf32, #tpu.memory_space<hbm>>
      tpu.enqueue_indirect_dma source(%dma_start3A_614 : memref<1040000x32xf32, #tpu.memory_space<hbm>>) target(%dma_start3A_608 : memref<128x32xf32, #tpu.memory_space<vmem>>) offsets(%dma_start3A_611 : memref<128xi32, #tpu.memory_space<vmem>>) semaphore(%arg11 : memref<!tpu.dma_semaphore, #tpu.memory_space<semaphore_mem>>)
      %gt3A_615 = arith.constant 0 : i32
      %gt3A_616 = arith.cmpi sgt, %scan3A_577, %gt3A_615 : i32
      %convert_element_type3A_617 = arith.extui %gt3A_616 : i1 to i32
      %cond3A_618 = arith.constant 0 : i32
      %cond3A_619 = arith.cmpi ne, %convert_element_type3A_617, %cond3A_618 : i32
      scf.if %cond3A_619 {
        %dma_wait3A_943 = arith.constant 2 : i32
        %dma_wait3A_944 = arith.constant 0 : i32
        %dma_wait3A_945 = arith.constant 0 : i32
        %dma_wait3A_946 = arith.constant 0 : i32
        %dma_wait3A_947 = tpu.memref_slice %arg8[%dma_wait3A_943, %dma_wait3A_945, %dma_wait3A_946] : memref<8x128x32xf32, #tpu.memory_space<vmem>> -> memref<1x128x32xf32, #tpu.memory_space<vmem>>
        %dma_wait3A_948 = tpu.memref_squeeze %dma_wait3A_947 : memref<1x128x32xf32, #tpu.memory_space<vmem>> -> memref<128x32xf32, #tpu.memory_space<vmem>>
        %dma_wait3A_949 = arith.constant 0 : i32
        %dma_wait3A_950 = tpu.memref_slice %arg7[%dma_wait3A_944, %dma_wait3A_949] : memref<104x128xi32, #tpu.memory_space<vmem>> -> memref<1x128xi32, #tpu.memory_space<vmem>>
        %dma_wait3A_951 = tpu.memref_squeeze %dma_wait3A_950 : memref<1x128xi32, #tpu.memory_space<vmem>> -> memref<128xi32, #tpu.memory_space<vmem>>
        %dma_wait3A_952 = arith.constant 0 : i32
        %dma_wait3A_953 = arith.constant 0 : i32
        %dma_wait3A_954 = tpu.memref_slice %arg4[%dma_wait3A_952, %dma_wait3A_953] : memref<425984x32xf32, #tpu.memory_space<hbm>> -> memref<425984x32xf32, #tpu.memory_space<hbm>>
        tpu.wait_indirect_dma semaphore(%arg20 : memref<!tpu.dma_semaphore, #tpu.memory_space<semaphore_mem>>) src(%dma_wait3A_948 : memref<128x32xf32, #tpu.memory_space<vmem>>) dst(%dma_wait3A_954 : memref<425984x32xf32, #tpu.memory_space<hbm>>)
      } else {
      }
      %mul3A_620 = arith.constant 8 : i32
      %mul3A_621 = arith.muli %scan3A_577, %mul3A_620 : i32
      %add3A_622 = arith.constant 2 : i32
      %add3A_623 = arith.addi %mul3A_621, %add3A_622 : i32
      %dma_start3A_624 = arith.constant 2 : i32
      %dma_start3A_625 = arith.constant 0 : i32
      %dma_start3A_626 = arith.constant 0 : i32
      %dma_start3A_627 = tpu.memref_slice %arg8[%dma_start3A_624, %dma_start3A_625, %dma_start3A_626] : memref<8x128x32xf32, #tpu.memory_space<vmem>> -> memref<1x128x32xf32, #tpu.memory_space<vmem>>
      %dma_start3A_628 = tpu.memref_squeeze %dma_start3A_627 : memref<1x128x32xf32, #tpu.memory_space<vmem>> -> memref<128x32xf32, #tpu.memory_space<vmem>>
      %dma_start3A_629 = arith.constant 0 : i32
      %dma_start3A_630 = tpu.memref_slice %arg6[%add3A_623, %dma_start3A_629] : memref<104x128xi32, #tpu.memory_space<vmem>> -> memref<1x128xi32, #tpu.memory_space<vmem>>
      %dma_start3A_631 = tpu.memref_squeeze %dma_start3A_630 : memref<1x128xi32, #tpu.memory_space<vmem>> -> memref<128xi32, #tpu.memory_space<vmem>>
      %dma_start3A_632 = arith.constant 0 : i32
      %dma_start3A_633 = arith.constant 0 : i32
      %dma_start3A_634 = tpu.memref_slice %arg3[%dma_start3A_632, %dma_start3A_633] : memref<1040000x32xf32, #tpu.memory_space<hbm>> -> memref<1040000x32xf32, #tpu.memory_space<hbm>>
      tpu.enqueue_indirect_dma source(%dma_start3A_634 : memref<1040000x32xf32, #tpu.memory_space<hbm>>) target(%dma_start3A_628 : memref<128x32xf32, #tpu.memory_space<vmem>>) offsets(%dma_start3A_631 : memref<128xi32, #tpu.memory_space<vmem>>) semaphore(%arg12 : memref<!tpu.dma_semaphore, #tpu.memory_space<semaphore_mem>>)
      %gt3A_635 = arith.constant 0 : i32
      %gt3A_636 = arith.cmpi sgt, %scan3A_577, %gt3A_635 : i32
      %convert_element_type3A_637 = arith.extui %gt3A_636 : i1 to i32
      %cond3A_638 = arith.constant 0 : i32
      %cond3A_639 = arith.cmpi ne, %convert_element_type3A_637, %cond3A_638 : i32
      scf.if %cond3A_639 {
        %dma_wait3A_943 = arith.constant 3 : i32
        %dma_wait3A_944 = arith.constant 0 : i32
        %dma_wait3A_945 = arith.constant 0 : i32
        %dma_wait3A_946 = arith.constant 0 : i32
        %dma_wait3A_947 = tpu.memref_slice %arg8[%dma_wait3A_943, %dma_wait3A_945, %dma_wait3A_946] : memref<8x128x32xf32, #tpu.memory_space<vmem>> -> memref<1x128x32xf32, #tpu.memory_space<vmem>>
        %dma_wait3A_948 = tpu.memref_squeeze %dma_wait3A_947 : memref<1x128x32xf32, #tpu.memory_space<vmem>> -> memref<128x32xf32, #tpu.memory_space<vmem>>
        %dma_wait3A_949 = arith.constant 0 : i32
        %dma_wait3A_950 = tpu.memref_slice %arg7[%dma_wait3A_944, %dma_wait3A_949] : memref<104x128xi32, #tpu.memory_space<vmem>> -> memref<1x128xi32, #tpu.memory_space<vmem>>
        %dma_wait3A_951 = tpu.memref_squeeze %dma_wait3A_950 : memref<1x128xi32, #tpu.memory_space<vmem>> -> memref<128xi32, #tpu.memory_space<vmem>>
        %dma_wait3A_952 = arith.constant 0 : i32
        %dma_wait3A_953 = arith.constant 0 : i32
        %dma_wait3A_954 = tpu.memref_slice %arg4[%dma_wait3A_952, %dma_wait3A_953] : memref<425984x32xf32, #tpu.memory_space<hbm>> -> memref<425984x32xf32, #tpu.memory_space<hbm>>
        tpu.wait_indirect_dma semaphore(%arg21 : memref<!tpu.dma_semaphore, #tpu.memory_space<semaphore_mem>>) src(%dma_wait3A_948 : memref<128x32xf32, #tpu.memory_space<vmem>>) dst(%dma_wait3A_954 : memref<425984x32xf32, #tpu.memory_space<hbm>>)
      } else {
      }
      %mul3A_640 = arith.constant 8 : i32
      %mul3A_641 = arith.muli %scan3A_577, %mul3A_640 : i32
      %add3A_642 = arith.constant 3 : i32
      %add3A_643 = arith.addi %mul3A_641, %add3A_642 : i32
      %dma_start3A_644 = arith.constant 3 : i32
      %dma_start3A_645 = arith.constant 0 : i32
      %dma_start3A_646 = arith.constant 0 : i32
      %dma_start3A_647 = tpu.memref_slice %arg8[%dma_start3A_644, %dma_start3A_645, %dma_start3A_646] : memref<8x128x32xf32, #tpu.memory_space<vmem>> -> memref<1x128x32xf32, #tpu.memory_space<vmem>>
      %dma_start3A_648 = tpu.memref_squeeze %dma_start3A_647 : memref<1x128x32xf32, #tpu.memory_space<vmem>> -> memref<128x32xf32, #tpu.memory_space<vmem>>
      %dma_start3A_649 = arith.constant 0 : i32
      %dma_start3A_650 = tpu.memref_slice %arg6[%add3A_643, %dma_start3A_649] : memref<104x128xi32, #tpu.memory_space<vmem>> -> memref<1x128xi32, #tpu.memory_space<vmem>>
      %dma_start3A_651 = tpu.memref_squeeze %dma_start3A_650 : memref<1x128xi32, #tpu.memory_space<vmem>> -> memref<128xi32, #tpu.memory_space<vmem>>
      %dma_start3A_652 = arith.constant 0 : i32
      %dma_start3A_653 = arith.constant 0 : i32
      %dma_start3A_654 = tpu.memref_slice %arg3[%dma_start3A_652, %dma_start3A_653] : memref<1040000x32xf32, #tpu.memory_space<hbm>> -> memref<1040000x32xf32, #tpu.memory_space<hbm>>
      tpu.enqueue_indirect_dma source(%dma_start3A_654 : memref<1040000x32xf32, #tpu.memory_space<hbm>>) target(%dma_start3A_648 : memref<128x32xf32, #tpu.memory_space<vmem>>) offsets(%dma_start3A_651 : memref<128xi32, #tpu.memory_space<vmem>>) semaphore(%arg13 : memref<!tpu.dma_semaphore, #tpu.memory_space<semaphore_mem>>)
      %gt3A_655 = arith.constant 0 : i32
      %gt3A_656 = arith.cmpi sgt, %scan3A_577, %gt3A_655 : i32
      %convert_element_type3A_657 = arith.extui %gt3A_656 : i1 to i32
      %cond3A_658 = arith.constant 0 : i32
      %cond3A_659 = arith.cmpi ne, %convert_element_type3A_657, %cond3A_658 : i32
      scf.if %cond3A_659 {
        %dma_wait3A_943 = arith.constant 4 : i32
        %dma_wait3A_944 = arith.constant 0 : i32
        %dma_wait3A_945 = arith.constant 0 : i32
        %dma_wait3A_946 = arith.constant 0 : i32
        %dma_wait3A_947 = tpu.memref_slice %arg8[%dma_wait3A_943, %dma_wait3A_945, %dma_wait3A_946] : memref<8x128x32xf32, #tpu.memory_space<vmem>> -> memref<1x128x32xf32, #tpu.memory_space<vmem>>
        %dma_wait3A_948 = tpu.memref_squeeze %dma_wait3A_947 : memref<1x128x32xf32, #tpu.memory_space<vmem>> -> memref<128x32xf32, #tpu.memory_space<vmem>>
        %dma_wait3A_949 = arith.constant 0 : i32
        %dma_wait3A_950 = tpu.memref_slice %arg7[%dma_wait3A_944, %dma_wait3A_949] : memref<104x128xi32, #tpu.memory_space<vmem>> -> memref<1x128xi32, #tpu.memory_space<vmem>>
        %dma_wait3A_951 = tpu.memref_squeeze %dma_wait3A_950 : memref<1x128xi32, #tpu.memory_space<vmem>> -> memref<128xi32, #tpu.memory_space<vmem>>
        %dma_wait3A_952 = arith.constant 0 : i32
        %dma_wait3A_953 = arith.constant 0 : i32
        %dma_wait3A_954 = tpu.memref_slice %arg4[%dma_wait3A_952, %dma_wait3A_953] : memref<425984x32xf32, #tpu.memory_space<hbm>> -> memref<425984x32xf32, #tpu.memory_space<hbm>>
        tpu.wait_indirect_dma semaphore(%arg22 : memref<!tpu.dma_semaphore, #tpu.memory_space<semaphore_mem>>) src(%dma_wait3A_948 : memref<128x32xf32, #tpu.memory_space<vmem>>) dst(%dma_wait3A_954 : memref<425984x32xf32, #tpu.memory_space<hbm>>)
      } else {
      }
      %mul3A_660 = arith.constant 8 : i32
      %mul3A_661 = arith.muli %scan3A_577, %mul3A_660 : i32
      %add3A_662 = arith.constant 4 : i32
      %add3A_663 = arith.addi %mul3A_661, %add3A_662 : i32
      %dma_start3A_664 = arith.constant 4 : i32
      %dma_start3A_665 = arith.constant 0 : i32
      %dma_start3A_666 = arith.constant 0 : i32
      %dma_start3A_667 = tpu.memref_slice %arg8[%dma_start3A_664, %dma_start3A_665, %dma_start3A_666] : memref<8x128x32xf32, #tpu.memory_space<vmem>> -> memref<1x128x32xf32, #tpu.memory_space<vmem>>
      %dma_start3A_668 = tpu.memref_squeeze %dma_start3A_667 : memref<1x128x32xf32, #tpu.memory_space<vmem>> -> memref<128x32xf32, #tpu.memory_space<vmem>>
      %dma_start3A_669 = arith.constant 0 : i32
      %dma_start3A_670 = tpu.memref_slice %arg6[%add3A_663, %dma_start3A_669] : memref<104x128xi32, #tpu.memory_space<vmem>> -> memref<1x128xi32, #tpu.memory_space<vmem>>
      %dma_start3A_671 = tpu.memref_squeeze %dma_start3A_670 : memref<1x128xi32, #tpu.memory_space<vmem>> -> memref<128xi32, #tpu.memory_space<vmem>>
      %dma_start3A_672 = arith.constant 0 : i32
      %dma_start3A_673 = arith.constant 0 : i32
      %dma_start3A_674 = tpu.memref_slice %arg3[%dma_start3A_672, %dma_start3A_673] : memref<1040000x32xf32, #tpu.memory_space<hbm>> -> memref<1040000x32xf32, #tpu.memory_space<hbm>>
      tpu.enqueue_indirect_dma source(%dma_start3A_674 : memref<1040000x32xf32, #tpu.memory_space<hbm>>) target(%dma_start3A_668 : memref<128x32xf32, #tpu.memory_space<vmem>>) offsets(%dma_start3A_671 : memref<128xi32, #tpu.memory_space<vmem>>) semaphore(%arg14 : memref<!tpu.dma_semaphore, #tpu.memory_space<semaphore_mem>>)
      %gt3A_675 = arith.constant 0 : i32
      %gt3A_676 = arith.cmpi sgt, %scan3A_577, %gt3A_675 : i32
      %convert_element_type3A_677 = arith.extui %gt3A_676 : i1 to i32
      %cond3A_678 = arith.constant 0 : i32
      %cond3A_679 = arith.cmpi ne, %convert_element_type3A_677, %cond3A_678 : i32
      scf.if %cond3A_679 {
        %dma_wait3A_943 = arith.constant 5 : i32
        %dma_wait3A_944 = arith.constant 0 : i32
        %dma_wait3A_945 = arith.constant 0 : i32
        %dma_wait3A_946 = arith.constant 0 : i32
        %dma_wait3A_947 = tpu.memref_slice %arg8[%dma_wait3A_943, %dma_wait3A_945, %dma_wait3A_946] : memref<8x128x32xf32, #tpu.memory_space<vmem>> -> memref<1x128x32xf32, #tpu.memory_space<vmem>>
        %dma_wait3A_948 = tpu.memref_squeeze %dma_wait3A_947 : memref<1x128x32xf32, #tpu.memory_space<vmem>> -> memref<128x32xf32, #tpu.memory_space<vmem>>
        %dma_wait3A_949 = arith.constant 0 : i32
        %dma_wait3A_950 = tpu.memref_slice %arg7[%dma_wait3A_944, %dma_wait3A_949] : memref<104x128xi32, #tpu.memory_space<vmem>> -> memref<1x128xi32, #tpu.memory_space<vmem>>
        %dma_wait3A_951 = tpu.memref_squeeze %dma_wait3A_950 : memref<1x128xi32, #tpu.memory_space<vmem>> -> memref<128xi32, #tpu.memory_space<vmem>>
        %dma_wait3A_952 = arith.constant 0 : i32
        %dma_wait3A_953 = arith.constant 0 : i32
        %dma_wait3A_954 = tpu.memref_slice %arg4[%dma_wait3A_952, %dma_wait3A_953] : memref<425984x32xf32, #tpu.memory_space<hbm>> -> memref<425984x32xf32, #tpu.memory_space<hbm>>
        tpu.wait_indirect_dma semaphore(%arg23 : memref<!tpu.dma_semaphore, #tpu.memory_space<semaphore_mem>>) src(%dma_wait3A_948 : memref<128x32xf32, #tpu.memory_space<vmem>>) dst(%dma_wait3A_954 : memref<425984x32xf32, #tpu.memory_space<hbm>>)
      } else {
      }
      %mul3A_680 = arith.constant 8 : i32
      %mul3A_681 = arith.muli %scan3A_577, %mul3A_680 : i32
      %add3A_682 = arith.constant 5 : i32
      %add3A_683 = arith.addi %mul3A_681, %add3A_682 : i32
      %dma_start3A_684 = arith.constant 5 : i32
      %dma_start3A_685 = arith.constant 0 : i32
      %dma_start3A_686 = arith.constant 0 : i32
      %dma_start3A_687 = tpu.memref_slice %arg8[%dma_start3A_684, %dma_start3A_685, %dma_start3A_686] : memref<8x128x32xf32, #tpu.memory_space<vmem>> -> memref<1x128x32xf32, #tpu.memory_space<vmem>>
      %dma_start3A_688 = tpu.memref_squeeze %dma_start3A_687 : memref<1x128x32xf32, #tpu.memory_space<vmem>> -> memref<128x32xf32, #tpu.memory_space<vmem>>
      %dma_start3A_689 = arith.constant 0 : i32
      %dma_start3A_690 = tpu.memref_slice %arg6[%add3A_683, %dma_start3A_689] : memref<104x128xi32, #tpu.memory_space<vmem>> -> memref<1x128xi32, #tpu.memory_space<vmem>>
      %dma_start3A_691 = tpu.memref_squeeze %dma_start3A_690 : memref<1x128xi32, #tpu.memory_space<vmem>> -> memref<128xi32, #tpu.memory_space<vmem>>
      %dma_start3A_692 = arith.constant 0 : i32
      %dma_start3A_693 = arith.constant 0 : i32
      %dma_start3A_694 = tpu.memref_slice %arg3[%dma_start3A_692, %dma_start3A_693] : memref<1040000x32xf32, #tpu.memory_space<hbm>> -> memref<1040000x32xf32, #tpu.memory_space<hbm>>
      tpu.enqueue_indirect_dma source(%dma_start3A_694 : memref<1040000x32xf32, #tpu.memory_space<hbm>>) target(%dma_start3A_688 : memref<128x32xf32, #tpu.memory_space<vmem>>) offsets(%dma_start3A_691 : memref<128xi32, #tpu.memory_space<vmem>>) semaphore(%arg15 : memref<!tpu.dma_semaphore, #tpu.memory_space<semaphore_mem>>)
      %gt3A_695 = arith.constant 0 : i32
      %gt3A_696 = arith.cmpi sgt, %scan3A_577, %gt3A_695 : i32
      %convert_element_type3A_697 = arith.extui %gt3A_696 : i1 to i32
      %cond3A_698 = arith.constant 0 : i32
      %cond3A_699 = arith.cmpi ne, %convert_element_type3A_697, %cond3A_698 : i32
      scf.if %cond3A_699 {
        %dma_wait3A_943 = arith.constant 6 : i32
        %dma_wait3A_944 = arith.constant 0 : i32
        %dma_wait3A_945 = arith.constant 0 : i32
        %dma_wait3A_946 = arith.constant 0 : i32
        %dma_wait3A_947 = tpu.memref_slice %arg8[%dma_wait3A_943, %dma_wait3A_945, %dma_wait3A_946] : memref<8x128x32xf32, #tpu.memory_space<vmem>> -> memref<1x128x32xf32, #tpu.memory_space<vmem>>
        %dma_wait3A_948 = tpu.memref_squeeze %dma_wait3A_947 : memref<1x128x32xf32, #tpu.memory_space<vmem>> -> memref<128x32xf32, #tpu.memory_space<vmem>>
        %dma_wait3A_949 = arith.constant 0 : i32
        %dma_wait3A_950 = tpu.memref_slice %arg7[%dma_wait3A_944, %dma_wait3A_949] : memref<104x128xi32, #tpu.memory_space<vmem>> -> memref<1x128xi32, #tpu.memory_space<vmem>>
        %dma_wait3A_951 = tpu.memref_squeeze %dma_wait3A_950 : memref<1x128xi32, #tpu.memory_space<vmem>> -> memref<128xi32, #tpu.memory_space<vmem>>
        %dma_wait3A_952 = arith.constant 0 : i32
        %dma_wait3A_953 = arith.constant 0 : i32
        %dma_wait3A_954 = tpu.memref_slice %arg4[%dma_wait3A_952, %dma_wait3A_953] : memref<425984x32xf32, #tpu.memory_space<hbm>> -> memref<425984x32xf32, #tpu.memory_space<hbm>>
        tpu.wait_indirect_dma semaphore(%arg24 : memref<!tpu.dma_semaphore, #tpu.memory_space<semaphore_mem>>) src(%dma_wait3A_948 : memref<128x32xf32, #tpu.memory_space<vmem>>) dst(%dma_wait3A_954 : memref<425984x32xf32, #tpu.memory_space<hbm>>)
      } else {
      }
      %mul3A_700 = arith.constant 8 : i32
      %mul3A_701 = arith.muli %scan3A_577, %mul3A_700 : i32
      %add3A_702 = arith.constant 6 : i32
      %add3A_703 = arith.addi %mul3A_701, %add3A_702 : i32
      %dma_start3A_704 = arith.constant 6 : i32
      %dma_start3A_705 = arith.constant 0 : i32
      %dma_start3A_706 = arith.constant 0 : i32
      %dma_start3A_707 = tpu.memref_slice %arg8[%dma_start3A_704, %dma_start3A_705, %dma_start3A_706] : memref<8x128x32xf32, #tpu.memory_space<vmem>> -> memref<1x128x32xf32, #tpu.memory_space<vmem>>
      %dma_start3A_708 = tpu.memref_squeeze %dma_start3A_707 : memref<1x128x32xf32, #tpu.memory_space<vmem>> -> memref<128x32xf32, #tpu.memory_space<vmem>>
      %dma_start3A_709 = arith.constant 0 : i32
      %dma_start3A_710 = tpu.memref_slice %arg6[%add3A_703, %dma_start3A_709] : memref<104x128xi32, #tpu.memory_space<vmem>> -> memref<1x128xi32, #tpu.memory_space<vmem>>
      %dma_start3A_711 = tpu.memref_squeeze %dma_start3A_710 : memref<1x128xi32, #tpu.memory_space<vmem>> -> memref<128xi32, #tpu.memory_space<vmem>>
      %dma_start3A_712 = arith.constant 0 : i32
      %dma_start3A_713 = arith.constant 0 : i32
      %dma_start3A_714 = tpu.memref_slice %arg3[%dma_start3A_712, %dma_start3A_713] : memref<1040000x32xf32, #tpu.memory_space<hbm>> -> memref<1040000x32xf32, #tpu.memory_space<hbm>>
      tpu.enqueue_indirect_dma source(%dma_start3A_714 : memref<1040000x32xf32, #tpu.memory_space<hbm>>) target(%dma_start3A_708 : memref<128x32xf32, #tpu.memory_space<vmem>>) offsets(%dma_start3A_711 : memref<128xi32, #tpu.memory_space<vmem>>) semaphore(%arg16 : memref<!tpu.dma_semaphore, #tpu.memory_space<semaphore_mem>>)
      %gt3A_715 = arith.constant 0 : i32
      %gt3A_716 = arith.cmpi sgt, %scan3A_577, %gt3A_715 : i32
      %convert_element_type3A_717 = arith.extui %gt3A_716 : i1 to i32
      %cond3A_718 = arith.constant 0 : i32
      %cond3A_719 = arith.cmpi ne, %convert_element_type3A_717, %cond3A_718 : i32
      scf.if %cond3A_719 {
        %dma_wait3A_943 = arith.constant 7 : i32
        %dma_wait3A_944 = arith.constant 0 : i32
        %dma_wait3A_945 = arith.constant 0 : i32
        %dma_wait3A_946 = arith.constant 0 : i32
        %dma_wait3A_947 = tpu.memref_slice %arg8[%dma_wait3A_943, %dma_wait3A_945, %dma_wait3A_946] : memref<8x128x32xf32, #tpu.memory_space<vmem>> -> memref<1x128x32xf32, #tpu.memory_space<vmem>>
        %dma_wait3A_948 = tpu.memref_squeeze %dma_wait3A_947 : memref<1x128x32xf32, #tpu.memory_space<vmem>> -> memref<128x32xf32, #tpu.memory_space<vmem>>
        %dma_wait3A_949 = arith.constant 0 : i32
        %dma_wait3A_950 = tpu.memref_slice %arg7[%dma_wait3A_944, %dma_wait3A_949] : memref<104x128xi32, #tpu.memory_space<vmem>> -> memref<1x128xi32, #tpu.memory_space<vmem>>
        %dma_wait3A_951 = tpu.memref_squeeze %dma_wait3A_950 : memref<1x128xi32, #tpu.memory_space<vmem>> -> memref<128xi32, #tpu.memory_space<vmem>>
        %dma_wait3A_952 = arith.constant 0 : i32
        %dma_wait3A_953 = arith.constant 0 : i32
        %dma_wait3A_954 = tpu.memref_slice %arg4[%dma_wait3A_952, %dma_wait3A_953] : memref<425984x32xf32, #tpu.memory_space<hbm>> -> memref<425984x32xf32, #tpu.memory_space<hbm>>
        tpu.wait_indirect_dma semaphore(%arg25 : memref<!tpu.dma_semaphore, #tpu.memory_space<semaphore_mem>>) src(%dma_wait3A_948 : memref<128x32xf32, #tpu.memory_space<vmem>>) dst(%dma_wait3A_954 : memref<425984x32xf32, #tpu.memory_space<hbm>>)
      } else {
      }
      %mul3A_720 = arith.constant 8 : i32
      %mul3A_721 = arith.muli %scan3A_577, %mul3A_720 : i32
      %add3A_722 = arith.constant 7 : i32
      %add3A_723 = arith.addi %mul3A_721, %add3A_722 : i32
      %dma_start3A_724 = arith.constant 7 : i32
      %dma_start3A_725 = arith.constant 0 : i32
      %dma_start3A_726 = arith.constant 0 : i32
      %dma_start3A_727 = tpu.memref_slice %arg8[%dma_start3A_724, %dma_start3A_725, %dma_start3A_726] : memref<8x128x32xf32, #tpu.memory_space<vmem>> -> memref<1x128x32xf32, #tpu.memory_space<vmem>>
      %dma_start3A_728 = tpu.memref_squeeze %dma_start3A_727 : memref<1x128x32xf32, #tpu.memory_space<vmem>> -> memref<128x32xf32, #tpu.memory_space<vmem>>
      %dma_start3A_729 = arith.constant 0 : i32
      %dma_start3A_730 = tpu.memref_slice %arg6[%add3A_723, %dma_start3A_729] : memref<104x128xi32, #tpu.memory_space<vmem>> -> memref<1x128xi32, #tpu.memory_space<vmem>>
      %dma_start3A_731 = tpu.memref_squeeze %dma_start3A_730 : memref<1x128xi32, #tpu.memory_space<vmem>> -> memref<128xi32, #tpu.memory_space<vmem>>
      %dma_start3A_732 = arith.constant 0 : i32
      %dma_start3A_733 = arith.constant 0 : i32
      %dma_start3A_734 = tpu.memref_slice %arg3[%dma_start3A_732, %dma_start3A_733] : memref<1040000x32xf32, #tpu.memory_space<hbm>> -> memref<1040000x32xf32, #tpu.memory_space<hbm>>
      tpu.enqueue_indirect_dma source(%dma_start3A_734 : memref<1040000x32xf32, #tpu.memory_space<hbm>>) target(%dma_start3A_728 : memref<128x32xf32, #tpu.memory_space<vmem>>) offsets(%dma_start3A_731 : memref<128xi32, #tpu.memory_space<vmem>>) semaphore(%arg17 : memref<!tpu.dma_semaphore, #tpu.memory_space<semaphore_mem>>)
      %dma_wait3A_735 = arith.constant 0 : i32
      %dma_wait3A_736 = arith.constant 0 : i32
      %dma_wait3A_737 = arith.constant 0 : i32
      %dma_wait3A_738 = tpu.memref_slice %arg8[%dma_wait3A_735, %dma_wait3A_736, %dma_wait3A_737] : memref<8x128x32xf32, #tpu.memory_space<vmem>> -> memref<1x128x32xf32, #tpu.memory_space<vmem>>
      %dma_wait3A_739 = tpu.memref_squeeze %dma_wait3A_738 : memref<1x128x32xf32, #tpu.memory_space<vmem>> -> memref<128x32xf32, #tpu.memory_space<vmem>>
      %dma_wait3A_740 = arith.constant 0 : i32
      %dma_wait3A_741 = tpu.memref_slice %arg6[%add3A_583, %dma_wait3A_740] : memref<104x128xi32, #tpu.memory_space<vmem>> -> memref<1x128xi32, #tpu.memory_space<vmem>>
      %dma_wait3A_742 = tpu.memref_squeeze %dma_wait3A_741 : memref<1x128xi32, #tpu.memory_space<vmem>> -> memref<128xi32, #tpu.memory_space<vmem>>
      %dma_wait3A_743 = arith.constant 0 : i32
      %dma_wait3A_744 = arith.constant 0 : i32
      %dma_wait3A_745 = tpu.memref_slice %arg3[%dma_wait3A_743, %dma_wait3A_744] : memref<1040000x32xf32, #tpu.memory_space<hbm>> -> memref<1040000x32xf32, #tpu.memory_space<hbm>>
      tpu.wait_indirect_dma semaphore(%arg10 : memref<!tpu.dma_semaphore, #tpu.memory_space<semaphore_mem>>) src(%dma_wait3A_745 : memref<1040000x32xf32, #tpu.memory_space<hbm>>) dst(%dma_wait3A_739 : memref<128x32xf32, #tpu.memory_space<vmem>>)
      %mul3A_746 = arith.constant 8 : i32
      %mul3A_747 = arith.muli %scan3A_577, %mul3A_746 : i32
      %add3A_748 = arith.constant 0 : i32
      %add3A_749 = arith.addi %mul3A_747, %add3A_748 : i32
      %dma_start3A_750 = arith.constant 0 : i32
      %dma_start3A_751 = arith.constant 0 : i32
      %dma_start3A_752 = arith.constant 0 : i32
      %dma_start3A_753 = tpu.memref_slice %arg8[%dma_start3A_750, %dma_start3A_751, %dma_start3A_752] : memref<8x128x32xf32, #tpu.memory_space<vmem>> -> memref<1x128x32xf32, #tpu.memory_space<vmem>>
      %dma_start3A_754 = tpu.memref_squeeze %dma_start3A_753 : memref<1x128x32xf32, #tpu.memory_space<vmem>> -> memref<128x32xf32, #tpu.memory_space<vmem>>
      %dma_start3A_755 = arith.constant 0 : i32
      %dma_start3A_756 = tpu.memref_slice %arg7[%add3A_749, %dma_start3A_755] : memref<104x128xi32, #tpu.memory_space<vmem>> -> memref<1x128xi32, #tpu.memory_space<vmem>>
      %dma_start3A_757 = tpu.memref_squeeze %dma_start3A_756 : memref<1x128xi32, #tpu.memory_space<vmem>> -> memref<128xi32, #tpu.memory_space<vmem>>
      %dma_start3A_758 = arith.constant 0 : i32
      %dma_start3A_759 = arith.constant 0 : i32
      %dma_start3A_760 = tpu.memref_slice %arg4[%dma_start3A_758, %dma_start3A_759] : memref<425984x32xf32, #tpu.memory_space<hbm>> -> memref<425984x32xf32, #tpu.memory_space<hbm>>
      tpu.enqueue_indirect_dma source(%dma_start3A_754 : memref<128x32xf32, #tpu.memory_space<vmem>>) target(%dma_start3A_760 : memref<425984x32xf32, #tpu.memory_space<hbm>>) offsets(%dma_start3A_757 : memref<128xi32, #tpu.memory_space<vmem>>) semaphore(%arg18 : memref<!tpu.dma_semaphore, #tpu.memory_space<semaphore_mem>>)
      %dma_wait3A_761 = arith.constant 1 : i32
      %dma_wait3A_762 = arith.constant 0 : i32
      %dma_wait3A_763 = arith.constant 0 : i32
      %dma_wait3A_764 = tpu.memref_slice %arg8[%dma_wait3A_761, %dma_wait3A_762, %dma_wait3A_763] : memref<8x128x32xf32, #tpu.memory_space<vmem>> -> memref<1x128x32xf32, #tpu.memory_space<vmem>>
      %dma_wait3A_765 = tpu.memref_squeeze %dma_wait3A_764 : memref<1x128x32xf32, #tpu.memory_space<vmem>> -> memref<128x32xf32, #tpu.memory_space<vmem>>
      %dma_wait3A_766 = arith.constant 0 : i32
      %dma_wait3A_767 = tpu.memref_slice %arg6[%add3A_603, %dma_wait3A_766] : memref<104x128xi32, #tpu.memory_space<vmem>> -> memref<1x128xi32, #tpu.memory_space<vmem>>
      %dma_wait3A_768 = tpu.memref_squeeze %dma_wait3A_767 : memref<1x128xi32, #tpu.memory_space<vmem>> -> memref<128xi32, #tpu.memory_space<vmem>>
      %dma_wait3A_769 = arith.constant 0 : i32
      %dma_wait3A_770 = arith.constant 0 : i32
      %dma_wait3A_771 = tpu.memref_slice %arg3[%dma_wait3A_769, %dma_wait3A_770] : memref<1040000x32xf32, #tpu.memory_space<hbm>> -> memref<1040000x32xf32, #tpu.memory_space<hbm>>
      tpu.wait_indirect_dma semaphore(%arg11 : memref<!tpu.dma_semaphore, #tpu.memory_space<semaphore_mem>>) src(%dma_wait3A_771 : memref<1040000x32xf32, #tpu.memory_space<hbm>>) dst(%dma_wait3A_765 : memref<128x32xf32, #tpu.memory_space<vmem>>)
      %mul3A_772 = arith.constant 8 : i32
      %mul3A_773 = arith.muli %scan3A_577, %mul3A_772 : i32
      %add3A_774 = arith.constant 1 : i32
      %add3A_775 = arith.addi %mul3A_773, %add3A_774 : i32
      %dma_start3A_776 = arith.constant 1 : i32
      %dma_start3A_777 = arith.constant 0 : i32
      %dma_start3A_778 = arith.constant 0 : i32
      %dma_start3A_779 = tpu.memref_slice %arg8[%dma_start3A_776, %dma_start3A_777, %dma_start3A_778] : memref<8x128x32xf32, #tpu.memory_space<vmem>> -> memref<1x128x32xf32, #tpu.memory_space<vmem>>
      %dma_start3A_780 = tpu.memref_squeeze %dma_start3A_779 : memref<1x128x32xf32, #tpu.memory_space<vmem>> -> memref<128x32xf32, #tpu.memory_space<vmem>>
      %dma_start3A_781 = arith.constant 0 : i32
      %dma_start3A_782 = tpu.memref_slice %arg7[%add3A_775, %dma_start3A_781] : memref<104x128xi32, #tpu.memory_space<vmem>> -> memref<1x128xi32, #tpu.memory_space<vmem>>
      %dma_start3A_783 = tpu.memref_squeeze %dma_start3A_782 : memref<1x128xi32, #tpu.memory_space<vmem>> -> memref<128xi32, #tpu.memory_space<vmem>>
      %dma_start3A_784 = arith.constant 0 : i32
      %dma_start3A_785 = arith.constant 0 : i32
      %dma_start3A_786 = tpu.memref_slice %arg4[%dma_start3A_784, %dma_start3A_785] : memref<425984x32xf32, #tpu.memory_space<hbm>> -> memref<425984x32xf32, #tpu.memory_space<hbm>>
      tpu.enqueue_indirect_dma source(%dma_start3A_780 : memref<128x32xf32, #tpu.memory_space<vmem>>) target(%dma_start3A_786 : memref<425984x32xf32, #tpu.memory_space<hbm>>) offsets(%dma_start3A_783 : memref<128xi32, #tpu.memory_space<vmem>>) semaphore(%arg19 : memref<!tpu.dma_semaphore, #tpu.memory_space<semaphore_mem>>)
      %dma_wait3A_787 = arith.constant 2 : i32
      %dma_wait3A_788 = arith.constant 0 : i32
      %dma_wait3A_789 = arith.constant 0 : i32
      %dma_wait3A_790 = tpu.memref_slice %arg8[%dma_wait3A_787, %dma_wait3A_788, %dma_wait3A_789] : memref<8x128x32xf32, #tpu.memory_space<vmem>> -> memref<1x128x32xf32, #tpu.memory_space<vmem>>
      %dma_wait3A_791 = tpu.memref_squeeze %dma_wait3A_790 : memref<1x128x32xf32, #tpu.memory_space<vmem>> -> memref<128x32xf32, #tpu.memory_space<vmem>>
      %dma_wait3A_792 = arith.constant 0 : i32
      %dma_wait3A_793 = tpu.memref_slice %arg6[%add3A_623, %dma_wait3A_792] : memref<104x128xi32, #tpu.memory_space<vmem>> -> memref<1x128xi32, #tpu.memory_space<vmem>>
      %dma_wait3A_794 = tpu.memref_squeeze %dma_wait3A_793 : memref<1x128xi32, #tpu.memory_space<vmem>> -> memref<128xi32, #tpu.memory_space<vmem>>
      %dma_wait3A_795 = arith.constant 0 : i32
      %dma_wait3A_796 = arith.constant 0 : i32
      %dma_wait3A_797 = tpu.memref_slice %arg3[%dma_wait3A_795, %dma_wait3A_796] : memref<1040000x32xf32, #tpu.memory_space<hbm>> -> memref<1040000x32xf32, #tpu.memory_space<hbm>>
      tpu.wait_indirect_dma semaphore(%arg12 : memref<!tpu.dma_semaphore, #tpu.memory_space<semaphore_mem>>) src(%dma_wait3A_797 : memref<1040000x32xf32, #tpu.memory_space<hbm>>) dst(%dma_wait3A_791 : memref<128x32xf32, #tpu.memory_space<vmem>>)
      %mul3A_798 = arith.constant 8 : i32
      %mul3A_799 = arith.muli %scan3A_577, %mul3A_798 : i32
      %add3A_800 = arith.constant 2 : i32
      %add3A_801 = arith.addi %mul3A_799, %add3A_800 : i32
      %dma_start3A_802 = arith.constant 2 : i32
      %dma_start3A_803 = arith.constant 0 : i32
      %dma_start3A_804 = arith.constant 0 : i32
      %dma_start3A_805 = tpu.memref_slice %arg8[%dma_start3A_802, %dma_start3A_803, %dma_start3A_804] : memref<8x128x32xf32, #tpu.memory_space<vmem>> -> memref<1x128x32xf32, #tpu.memory_space<vmem>>
      %dma_start3A_806 = tpu.memref_squeeze %dma_start3A_805 : memref<1x128x32xf32, #tpu.memory_space<vmem>> -> memref<128x32xf32, #tpu.memory_space<vmem>>
      %dma_start3A_807 = arith.constant 0 : i32
      %dma_start3A_808 = tpu.memref_slice %arg7[%add3A_801, %dma_start3A_807] : memref<104x128xi32, #tpu.memory_space<vmem>> -> memref<1x128xi32, #tpu.memory_space<vmem>>
      %dma_start3A_809 = tpu.memref_squeeze %dma_start3A_808 : memref<1x128xi32, #tpu.memory_space<vmem>> -> memref<128xi32, #tpu.memory_space<vmem>>
      %dma_start3A_810 = arith.constant 0 : i32
      %dma_start3A_811 = arith.constant 0 : i32
      %dma_start3A_812 = tpu.memref_slice %arg4[%dma_start3A_810, %dma_start3A_811] : memref<425984x32xf32, #tpu.memory_space<hbm>> -> memref<425984x32xf32, #tpu.memory_space<hbm>>
      tpu.enqueue_indirect_dma source(%dma_start3A_806 : memref<128x32xf32, #tpu.memory_space<vmem>>) target(%dma_start3A_812 : memref<425984x32xf32, #tpu.memory_space<hbm>>) offsets(%dma_start3A_809 : memref<128xi32, #tpu.memory_space<vmem>>) semaphore(%arg20 : memref<!tpu.dma_semaphore, #tpu.memory_space<semaphore_mem>>)
      %dma_wait3A_813 = arith.constant 3 : i32
      %dma_wait3A_814 = arith.constant 0 : i32
      %dma_wait3A_815 = arith.constant 0 : i32
      %dma_wait3A_816 = tpu.memref_slice %arg8[%dma_wait3A_813, %dma_wait3A_814, %dma_wait3A_815] : memref<8x128x32xf32, #tpu.memory_space<vmem>> -> memref<1x128x32xf32, #tpu.memory_space<vmem>>
      %dma_wait3A_817 = tpu.memref_squeeze %dma_wait3A_816 : memref<1x128x32xf32, #tpu.memory_space<vmem>> -> memref<128x32xf32, #tpu.memory_space<vmem>>
      %dma_wait3A_818 = arith.constant 0 : i32
      %dma_wait3A_819 = tpu.memref_slice %arg6[%add3A_643, %dma_wait3A_818] : memref<104x128xi32, #tpu.memory_space<vmem>> -> memref<1x128xi32, #tpu.memory_space<vmem>>
      %dma_wait3A_820 = tpu.memref_squeeze %dma_wait3A_819 : memref<1x128xi32, #tpu.memory_space<vmem>> -> memref<128xi32, #tpu.memory_space<vmem>>
      %dma_wait3A_821 = arith.constant 0 : i32
      %dma_wait3A_822 = arith.constant 0 : i32
      %dma_wait3A_823 = tpu.memref_slice %arg3[%dma_wait3A_821, %dma_wait3A_822] : memref<1040000x32xf32, #tpu.memory_space<hbm>> -> memref<1040000x32xf32, #tpu.memory_space<hbm>>
      tpu.wait_indirect_dma semaphore(%arg13 : memref<!tpu.dma_semaphore, #tpu.memory_space<semaphore_mem>>) src(%dma_wait3A_823 : memref<1040000x32xf32, #tpu.memory_space<hbm>>) dst(%dma_wait3A_817 : memref<128x32xf32, #tpu.memory_space<vmem>>)
      %mul3A_824 = arith.constant 8 : i32
      %mul3A_825 = arith.muli %scan3A_577, %mul3A_824 : i32
      %add3A_826 = arith.constant 3 : i32
      %add3A_827 = arith.addi %mul3A_825, %add3A_826 : i32
      %dma_start3A_828 = arith.constant 3 : i32
      %dma_start3A_829 = arith.constant 0 : i32
      %dma_start3A_830 = arith.constant 0 : i32
      %dma_start3A_831 = tpu.memref_slice %arg8[%dma_start3A_828, %dma_start3A_829, %dma_start3A_830] : memref<8x128x32xf32, #tpu.memory_space<vmem>> -> memref<1x128x32xf32, #tpu.memory_space<vmem>>
      %dma_start3A_832 = tpu.memref_squeeze %dma_start3A_831 : memref<1x128x32xf32, #tpu.memory_space<vmem>> -> memref<128x32xf32, #tpu.memory_space<vmem>>
      %dma_start3A_833 = arith.constant 0 : i32
      %dma_start3A_834 = tpu.memref_slice %arg7[%add3A_827, %dma_start3A_833] : memref<104x128xi32, #tpu.memory_space<vmem>> -> memref<1x128xi32, #tpu.memory_space<vmem>>
      %dma_start3A_835 = tpu.memref_squeeze %dma_start3A_834 : memref<1x128xi32, #tpu.memory_space<vmem>> -> memref<128xi32, #tpu.memory_space<vmem>>
      %dma_start3A_836 = arith.constant 0 : i32
      %dma_start3A_837 = arith.constant 0 : i32
      %dma_start3A_838 = tpu.memref_slice %arg4[%dma_start3A_836, %dma_start3A_837] : memref<425984x32xf32, #tpu.memory_space<hbm>> -> memref<425984x32xf32, #tpu.memory_space<hbm>>
      tpu.enqueue_indirect_dma source(%dma_start3A_832 : memref<128x32xf32, #tpu.memory_space<vmem>>) target(%dma_start3A_838 : memref<425984x32xf32, #tpu.memory_space<hbm>>) offsets(%dma_start3A_835 : memref<128xi32, #tpu.memory_space<vmem>>) semaphore(%arg21 : memref<!tpu.dma_semaphore, #tpu.memory_space<semaphore_mem>>)
      %dma_wait3A_839 = arith.constant 4 : i32
      %dma_wait3A_840 = arith.constant 0 : i32
      %dma_wait3A_841 = arith.constant 0 : i32
      %dma_wait3A_842 = tpu.memref_slice %arg8[%dma_wait3A_839, %dma_wait3A_840, %dma_wait3A_841] : memref<8x128x32xf32, #tpu.memory_space<vmem>> -> memref<1x128x32xf32, #tpu.memory_space<vmem>>
      %dma_wait3A_843 = tpu.memref_squeeze %dma_wait3A_842 : memref<1x128x32xf32, #tpu.memory_space<vmem>> -> memref<128x32xf32, #tpu.memory_space<vmem>>
      %dma_wait3A_844 = arith.constant 0 : i32
      %dma_wait3A_845 = tpu.memref_slice %arg6[%add3A_663, %dma_wait3A_844] : memref<104x128xi32, #tpu.memory_space<vmem>> -> memref<1x128xi32, #tpu.memory_space<vmem>>
      %dma_wait3A_846 = tpu.memref_squeeze %dma_wait3A_845 : memref<1x128xi32, #tpu.memory_space<vmem>> -> memref<128xi32, #tpu.memory_space<vmem>>
      %dma_wait3A_847 = arith.constant 0 : i32
      %dma_wait3A_848 = arith.constant 0 : i32
      %dma_wait3A_849 = tpu.memref_slice %arg3[%dma_wait3A_847, %dma_wait3A_848] : memref<1040000x32xf32, #tpu.memory_space<hbm>> -> memref<1040000x32xf32, #tpu.memory_space<hbm>>
      tpu.wait_indirect_dma semaphore(%arg14 : memref<!tpu.dma_semaphore, #tpu.memory_space<semaphore_mem>>) src(%dma_wait3A_849 : memref<1040000x32xf32, #tpu.memory_space<hbm>>) dst(%dma_wait3A_843 : memref<128x32xf32, #tpu.memory_space<vmem>>)
      %mul3A_850 = arith.constant 8 : i32
      %mul3A_851 = arith.muli %scan3A_577, %mul3A_850 : i32
      %add3A_852 = arith.constant 4 : i32
      %add3A_853 = arith.addi %mul3A_851, %add3A_852 : i32
      %dma_start3A_854 = arith.constant 4 : i32
      %dma_start3A_855 = arith.constant 0 : i32
      %dma_start3A_856 = arith.constant 0 : i32
      %dma_start3A_857 = tpu.memref_slice %arg8[%dma_start3A_854, %dma_start3A_855, %dma_start3A_856] : memref<8x128x32xf32, #tpu.memory_space<vmem>> -> memref<1x128x32xf32, #tpu.memory_space<vmem>>
      %dma_start3A_858 = tpu.memref_squeeze %dma_start3A_857 : memref<1x128x32xf32, #tpu.memory_space<vmem>> -> memref<128x32xf32, #tpu.memory_space<vmem>>
      %dma_start3A_859 = arith.constant 0 : i32
      %dma_start3A_860 = tpu.memref_slice %arg7[%add3A_853, %dma_start3A_859] : memref<104x128xi32, #tpu.memory_space<vmem>> -> memref<1x128xi32, #tpu.memory_space<vmem>>
      %dma_start3A_861 = tpu.memref_squeeze %dma_start3A_860 : memref<1x128xi32, #tpu.memory_space<vmem>> -> memref<128xi32, #tpu.memory_space<vmem>>
      %dma_start3A_862 = arith.constant 0 : i32
      %dma_start3A_863 = arith.constant 0 : i32
      %dma_start3A_864 = tpu.memref_slice %arg4[%dma_start3A_862, %dma_start3A_863] : memref<425984x32xf32, #tpu.memory_space<hbm>> -> memref<425984x32xf32, #tpu.memory_space<hbm>>
      tpu.enqueue_indirect_dma source(%dma_start3A_858 : memref<128x32xf32, #tpu.memory_space<vmem>>) target(%dma_start3A_864 : memref<425984x32xf32, #tpu.memory_space<hbm>>) offsets(%dma_start3A_861 : memref<128xi32, #tpu.memory_space<vmem>>) semaphore(%arg22 : memref<!tpu.dma_semaphore, #tpu.memory_space<semaphore_mem>>)
      %dma_wait3A_865 = arith.constant 5 : i32
      %dma_wait3A_866 = arith.constant 0 : i32
      %dma_wait3A_867 = arith.constant 0 : i32
      %dma_wait3A_868 = tpu.memref_slice %arg8[%dma_wait3A_865, %dma_wait3A_866, %dma_wait3A_867] : memref<8x128x32xf32, #tpu.memory_space<vmem>> -> memref<1x128x32xf32, #tpu.memory_space<vmem>>
      %dma_wait3A_869 = tpu.memref_squeeze %dma_wait3A_868 : memref<1x128x32xf32, #tpu.memory_space<vmem>> -> memref<128x32xf32, #tpu.memory_space<vmem>>
      %dma_wait3A_870 = arith.constant 0 : i32
      %dma_wait3A_871 = tpu.memref_slice %arg6[%add3A_683, %dma_wait3A_870] : memref<104x128xi32, #tpu.memory_space<vmem>> -> memref<1x128xi32, #tpu.memory_space<vmem>>
      %dma_wait3A_872 = tpu.memref_squeeze %dma_wait3A_871 : memref<1x128xi32, #tpu.memory_space<vmem>> -> memref<128xi32, #tpu.memory_space<vmem>>
      %dma_wait3A_873 = arith.constant 0 : i32
      %dma_wait3A_874 = arith.constant 0 : i32
      %dma_wait3A_875 = tpu.memref_slice %arg3[%dma_wait3A_873, %dma_wait3A_874] : memref<1040000x32xf32, #tpu.memory_space<hbm>> -> memref<1040000x32xf32, #tpu.memory_space<hbm>>
      tpu.wait_indirect_dma semaphore(%arg15 : memref<!tpu.dma_semaphore, #tpu.memory_space<semaphore_mem>>) src(%dma_wait3A_875 : memref<1040000x32xf32, #tpu.memory_space<hbm>>) dst(%dma_wait3A_869 : memref<128x32xf32, #tpu.memory_space<vmem>>)
      %mul3A_876 = arith.constant 8 : i32
      %mul3A_877 = arith.muli %scan3A_577, %mul3A_876 : i32
      %add3A_878 = arith.constant 5 : i32
      %add3A_879 = arith.addi %mul3A_877, %add3A_878 : i32
      %dma_start3A_880 = arith.constant 5 : i32
      %dma_start3A_881 = arith.constant 0 : i32
      %dma_start3A_882 = arith.constant 0 : i32
      %dma_start3A_883 = tpu.memref_slice %arg8[%dma_start3A_880, %dma_start3A_881, %dma_start3A_882] : memref<8x128x32xf32, #tpu.memory_space<vmem>> -> memref<1x128x32xf32, #tpu.memory_space<vmem>>
      %dma_start3A_884 = tpu.memref_squeeze %dma_start3A_883 : memref<1x128x32xf32, #tpu.memory_space<vmem>> -> memref<128x32xf32, #tpu.memory_space<vmem>>
      %dma_start3A_885 = arith.constant 0 : i32
      %dma_start3A_886 = tpu.memref_slice %arg7[%add3A_879, %dma_start3A_885] : memref<104x128xi32, #tpu.memory_space<vmem>> -> memref<1x128xi32, #tpu.memory_space<vmem>>
      %dma_start3A_887 = tpu.memref_squeeze %dma_start3A_886 : memref<1x128xi32, #tpu.memory_space<vmem>> -> memref<128xi32, #tpu.memory_space<vmem>>
      %dma_start3A_888 = arith.constant 0 : i32
      %dma_start3A_889 = arith.constant 0 : i32
      %dma_start3A_890 = tpu.memref_slice %arg4[%dma_start3A_888, %dma_start3A_889] : memref<425984x32xf32, #tpu.memory_space<hbm>> -> memref<425984x32xf32, #tpu.memory_space<hbm>>
      tpu.enqueue_indirect_dma source(%dma_start3A_884 : memref<128x32xf32, #tpu.memory_space<vmem>>) target(%dma_start3A_890 : memref<425984x32xf32, #tpu.memory_space<hbm>>) offsets(%dma_start3A_887 : memref<128xi32, #tpu.memory_space<vmem>>) semaphore(%arg23 : memref<!tpu.dma_semaphore, #tpu.memory_space<semaphore_mem>>)
      %dma_wait3A_891 = arith.constant 6 : i32
      %dma_wait3A_892 = arith.constant 0 : i32
      %dma_wait3A_893 = arith.constant 0 : i32
      %dma_wait3A_894 = tpu.memref_slice %arg8[%dma_wait3A_891, %dma_wait3A_892, %dma_wait3A_893] : memref<8x128x32xf32, #tpu.memory_space<vmem>> -> memref<1x128x32xf32, #tpu.memory_space<vmem>>
      %dma_wait3A_895 = tpu.memref_squeeze %dma_wait3A_894 : memref<1x128x32xf32, #tpu.memory_space<vmem>> -> memref<128x32xf32, #tpu.memory_space<vmem>>
      %dma_wait3A_896 = arith.constant 0 : i32
      %dma_wait3A_897 = tpu.memref_slice %arg6[%add3A_703, %dma_wait3A_896] : memref<104x128xi32, #tpu.memory_space<vmem>> -> memref<1x128xi32, #tpu.memory_space<vmem>>
      %dma_wait3A_898 = tpu.memref_squeeze %dma_wait3A_897 : memref<1x128xi32, #tpu.memory_space<vmem>> -> memref<128xi32, #tpu.memory_space<vmem>>
      %dma_wait3A_899 = arith.constant 0 : i32
      %dma_wait3A_900 = arith.constant 0 : i32
      %dma_wait3A_901 = tpu.memref_slice %arg3[%dma_wait3A_899, %dma_wait3A_900] : memref<1040000x32xf32, #tpu.memory_space<hbm>> -> memref<1040000x32xf32, #tpu.memory_space<hbm>>
      tpu.wait_indirect_dma semaphore(%arg16 : memref<!tpu.dma_semaphore, #tpu.memory_space<semaphore_mem>>) src(%dma_wait3A_901 : memref<1040000x32xf32, #tpu.memory_space<hbm>>) dst(%dma_wait3A_895 : memref<128x32xf32, #tpu.memory_space<vmem>>)
      %mul3A_902 = arith.constant 8 : i32
      %mul3A_903 = arith.muli %scan3A_577, %mul3A_902 : i32
      %add3A_904 = arith.constant 6 : i32
      %add3A_905 = arith.addi %mul3A_903, %add3A_904 : i32
      %dma_start3A_906 = arith.constant 6 : i32
      %dma_start3A_907 = arith.constant 0 : i32
      %dma_start3A_908 = arith.constant 0 : i32
      %dma_start3A_909 = tpu.memref_slice %arg8[%dma_start3A_906, %dma_start3A_907, %dma_start3A_908] : memref<8x128x32xf32, #tpu.memory_space<vmem>> -> memref<1x128x32xf32, #tpu.memory_space<vmem>>
      %dma_start3A_910 = tpu.memref_squeeze %dma_start3A_909 : memref<1x128x32xf32, #tpu.memory_space<vmem>> -> memref<128x32xf32, #tpu.memory_space<vmem>>
      %dma_start3A_911 = arith.constant 0 : i32
      %dma_start3A_912 = tpu.memref_slice %arg7[%add3A_905, %dma_start3A_911] : memref<104x128xi32, #tpu.memory_space<vmem>> -> memref<1x128xi32, #tpu.memory_space<vmem>>
      %dma_start3A_913 = tpu.memref_squeeze %dma_start3A_912 : memref<1x128xi32, #tpu.memory_space<vmem>> -> memref<128xi32, #tpu.memory_space<vmem>>
      %dma_start3A_914 = arith.constant 0 : i32
      %dma_start3A_915 = arith.constant 0 : i32
      %dma_start3A_916 = tpu.memref_slice %arg4[%dma_start3A_914, %dma_start3A_915] : memref<425984x32xf32, #tpu.memory_space<hbm>> -> memref<425984x32xf32, #tpu.memory_space<hbm>>
      tpu.enqueue_indirect_dma source(%dma_start3A_910 : memref<128x32xf32, #tpu.memory_space<vmem>>) target(%dma_start3A_916 : memref<425984x32xf32, #tpu.memory_space<hbm>>) offsets(%dma_start3A_913 : memref<128xi32, #tpu.memory_space<vmem>>) semaphore(%arg24 : memref<!tpu.dma_semaphore, #tpu.memory_space<semaphore_mem>>)
      %dma_wait3A_917 = arith.constant 7 : i32
      %dma_wait3A_918 = arith.constant 0 : i32
      %dma_wait3A_919 = arith.constant 0 : i32
      %dma_wait3A_920 = tpu.memref_slice %arg8[%dma_wait3A_917, %dma_wait3A_918, %dma_wait3A_919] : memref<8x128x32xf32, #tpu.memory_space<vmem>> -> memref<1x128x32xf32, #tpu.memory_space<vmem>>
      %dma_wait3A_921 = tpu.memref_squeeze %dma_wait3A_920 : memref<1x128x32xf32, #tpu.memory_space<vmem>> -> memref<128x32xf32, #tpu.memory_space<vmem>>
      %dma_wait3A_922 = arith.constant 0 : i32
      %dma_wait3A_923 = tpu.memref_slice %arg6[%add3A_723, %dma_wait3A_922] : memref<104x128xi32, #tpu.memory_space<vmem>> -> memref<1x128xi32, #tpu.memory_space<vmem>>
      %dma_wait3A_924 = tpu.memref_squeeze %dma_wait3A_923 : memref<1x128xi32, #tpu.memory_space<vmem>> -> memref<128xi32, #tpu.memory_space<vmem>>
      %dma_wait3A_925 = arith.constant 0 : i32
      %dma_wait3A_926 = arith.constant 0 : i32
      %dma_wait3A_927 = tpu.memref_slice %arg3[%dma_wait3A_925, %dma_wait3A_926] : memref<1040000x32xf32, #tpu.memory_space<hbm>> -> memref<1040000x32xf32, #tpu.memory_space<hbm>>
      tpu.wait_indirect_dma semaphore(%arg17 : memref<!tpu.dma_semaphore, #tpu.memory_space<semaphore_mem>>) src(%dma_wait3A_927 : memref<1040000x32xf32, #tpu.memory_space<hbm>>) dst(%dma_wait3A_921 : memref<128x32xf32, #tpu.memory_space<vmem>>)
      %mul3A_928 = arith.constant 8 : i32
      %mul3A_929 = arith.muli %scan3A_577, %mul3A_928 : i32
      %add3A_930 = arith.constant 7 : i32
      %add3A_931 = arith.addi %mul3A_929, %add3A_930 : i32
      %dma_start3A_932 = arith.constant 7 : i32
      %dma_start3A_933 = arith.constant 0 : i32
      %dma_start3A_934 = arith.constant 0 : i32
      %dma_start3A_935 = tpu.memref_slice %arg8[%dma_start3A_932, %dma_start3A_933, %dma_start3A_934] : memref<8x128x32xf32, #tpu.memory_space<vmem>> -> memref<1x128x32xf32, #tpu.memory_space<vmem>>
      %dma_start3A_936 = tpu.memref_squeeze %dma_start3A_935 : memref<1x128x32xf32, #tpu.memory_space<vmem>> -> memref<128x32xf32, #tpu.memory_space<vmem>>
      %dma_start3A_937 = arith.constant 0 : i32
      %dma_start3A_938 = tpu.memref_slice %arg7[%add3A_931, %dma_start3A_937] : memref<104x128xi32, #tpu.memory_space<vmem>> -> memref<1x128xi32, #tpu.memory_space<vmem>>
      %dma_start3A_939 = tpu.memref_squeeze %dma_start3A_938 : memref<1x128xi32, #tpu.memory_space<vmem>> -> memref<128xi32, #tpu.memory_space<vmem>>
      %dma_start3A_940 = arith.constant 0 : i32
      %dma_start3A_941 = arith.constant 0 : i32
      %dma_start3A_942 = tpu.memref_slice %arg4[%dma_start3A_940, %dma_start3A_941] : memref<425984x32xf32, #tpu.memory_space<hbm>> -> memref<425984x32xf32, #tpu.memory_space<hbm>>
      tpu.enqueue_indirect_dma source(%dma_start3A_936 : memref<128x32xf32, #tpu.memory_space<vmem>>) target(%dma_start3A_942 : memref<425984x32xf32, #tpu.memory_space<hbm>>) offsets(%dma_start3A_939 : memref<128xi32, #tpu.memory_space<vmem>>) semaphore(%arg25 : memref<!tpu.dma_semaphore, #tpu.memory_space<semaphore_mem>>)
    }
    %scan3A_480 = arith.constant 13 : i32
    %dma_wait3A_481 = arith.constant 0 : i32
    %dma_wait3A_482 = arith.constant 0 : i32
    %dma_wait3A_483 = arith.constant 0 : i32
    %dma_wait3A_484 = arith.constant 0 : i32
    %dma_wait3A_485 = tpu.memref_slice %arg8[%dma_wait3A_481, %dma_wait3A_483, %dma_wait3A_484] : memref<8x128x32xf32, #tpu.memory_space<vmem>> -> memref<1x128x32xf32, #tpu.memory_space<vmem>>
    %dma_wait3A_486 = tpu.memref_squeeze %dma_wait3A_485 : memref<1x128x32xf32, #tpu.memory_space<vmem>> -> memref<128x32xf32, #tpu.memory_space<vmem>>
    %dma_wait3A_487 = arith.constant 0 : i32
    %dma_wait3A_488 = tpu.memref_slice %arg7[%dma_wait3A_482, %dma_wait3A_487] : memref<104x128xi32, #tpu.memory_space<vmem>> -> memref<1x128xi32, #tpu.memory_space<vmem>>
    %dma_wait3A_489 = tpu.memref_squeeze %dma_wait3A_488 : memref<1x128xi32, #tpu.memory_space<vmem>> -> memref<128xi32, #tpu.memory_space<vmem>>
    %dma_wait3A_490 = arith.constant 0 : i32
    %dma_wait3A_491 = arith.constant 0 : i32
    %dma_wait3A_492 = tpu.memref_slice %arg4[%dma_wait3A_490, %dma_wait3A_491] : memref<425984x32xf32, #tpu.memory_space<hbm>> -> memref<425984x32xf32, #tpu.memory_space<hbm>>
    tpu.wait_indirect_dma semaphore(%arg18 : memref<!tpu.dma_semaphore, #tpu.memory_space<semaphore_mem>>) src(%dma_wait3A_486 : memref<128x32xf32, #tpu.memory_space<vmem>>) dst(%dma_wait3A_492 : memref<425984x32xf32, #tpu.memory_space<hbm>>)
    %dma_wait3A_493 = arith.constant 1 : i32
    %dma_wait3A_494 = arith.constant 0 : i32
    %dma_wait3A_495 = arith.constant 0 : i32
    %dma_wait3A_496 = arith.constant 0 : i32
    %dma_wait3A_497 = tpu.memref_slice %arg8[%dma_wait3A_493, %dma_wait3A_495, %dma_wait3A_496] : memref<8x128x32xf32, #tpu.memory_space<vmem>> -> memref<1x128x32xf32, #tpu.memory_space<vmem>>
    %dma_wait3A_498 = tpu.memref_squeeze %dma_wait3A_497 : memref<1x128x32xf32, #tpu.memory_space<vmem>> -> memref<128x32xf32, #tpu.memory_space<vmem>>
    %dma_wait3A_499 = arith.constant 0 : i32
    %dma_wait3A_500 = tpu.memref_slice %arg7[%dma_wait3A_494, %dma_wait3A_499] : memref<104x128xi32, #tpu.memory_space<vmem>> -> memref<1x128xi32, #tpu.memory_space<vmem>>
    %dma_wait3A_501 = tpu.memref_squeeze %dma_wait3A_500 : memref<1x128xi32, #tpu.memory_space<vmem>> -> memref<128xi32, #tpu.memory_space<vmem>>
    %dma_wait3A_502 = arith.constant 0 : i32
    %dma_wait3A_503 = arith.constant 0 : i32
    %dma_wait3A_504 = tpu.memref_slice %arg4[%dma_wait3A_502, %dma_wait3A_503] : memref<425984x32xf32, #tpu.memory_space<hbm>> -> memref<425984x32xf32, #tpu.memory_space<hbm>>
    tpu.wait_indirect_dma semaphore(%arg19 : memref<!tpu.dma_semaphore, #tpu.memory_space<semaphore_mem>>) src(%dma_wait3A_498 : memref<128x32xf32, #tpu.memory_space<vmem>>) dst(%dma_wait3A_504 : memref<425984x32xf32, #tpu.memory_space<hbm>>)
    %dma_wait3A_505 = arith.constant 2 : i32
    %dma_wait3A_506 = arith.constant 0 : i32
    %dma_wait3A_507 = arith.constant 0 : i32
    %dma_wait3A_508 = arith.constant 0 : i32
    %dma_wait3A_509 = tpu.memref_slice %arg8[%dma_wait3A_505, %dma_wait3A_507, %dma_wait3A_508] : memref<8x128x32xf32, #tpu.memory_space<vmem>> -> memref<1x128x32xf32, #tpu.memory_space<vmem>>
    %dma_wait3A_510 = tpu.memref_squeeze %dma_wait3A_509 : memref<1x128x32xf32, #tpu.memory_space<vmem>> -> memref<128x32xf32, #tpu.memory_space<vmem>>
    %dma_wait3A_511 = arith.constant 0 : i32
    %dma_wait3A_512 = tpu.memref_slice %arg7[%dma_wait3A_506, %dma_wait3A_511] : memref<104x128xi32, #tpu.memory_space<vmem>> -> memref<1x128xi32, #tpu.memory_space<vmem>>
    %dma_wait3A_513 = tpu.memref_squeeze %dma_wait3A_512 : memref<1x128xi32, #tpu.memory_space<vmem>> -> memref<128xi32, #tpu.memory_space<vmem>>
    %dma_wait3A_514 = arith.constant 0 : i32
    %dma_wait3A_515 = arith.constant 0 : i32
    %dma_wait3A_516 = tpu.memref_slice %arg4[%dma_wait3A_514, %dma_wait3A_515] : memref<425984x32xf32, #tpu.memory_space<hbm>> -> memref<425984x32xf32, #tpu.memory_space<hbm>>
    tpu.wait_indirect_dma semaphore(%arg20 : memref<!tpu.dma_semaphore, #tpu.memory_space<semaphore_mem>>) src(%dma_wait3A_510 : memref<128x32xf32, #tpu.memory_space<vmem>>) dst(%dma_wait3A_516 : memref<425984x32xf32, #tpu.memory_space<hbm>>)
    %dma_wait3A_517 = arith.constant 3 : i32
    %dma_wait3A_518 = arith.constant 0 : i32
    %dma_wait3A_519 = arith.constant 0 : i32
    %dma_wait3A_520 = arith.constant 0 : i32
    %dma_wait3A_521 = tpu.memref_slice %arg8[%dma_wait3A_517, %dma_wait3A_519, %dma_wait3A_520] : memref<8x128x32xf32, #tpu.memory_space<vmem>> -> memref<1x128x32xf32, #tpu.memory_space<vmem>>
    %dma_wait3A_522 = tpu.memref_squeeze %dma_wait3A_521 : memref<1x128x32xf32, #tpu.memory_space<vmem>> -> memref<128x32xf32, #tpu.memory_space<vmem>>
    %dma_wait3A_523 = arith.constant 0 : i32
    %dma_wait3A_524 = tpu.memref_slice %arg7[%dma_wait3A_518, %dma_wait3A_523] : memref<104x128xi32, #tpu.memory_space<vmem>> -> memref<1x128xi32, #tpu.memory_space<vmem>>
    %dma_wait3A_525 = tpu.memref_squeeze %dma_wait3A_524 : memref<1x128xi32, #tpu.memory_space<vmem>> -> memref<128xi32, #tpu.memory_space<vmem>>
    %dma_wait3A_526 = arith.constant 0 : i32
    %dma_wait3A_527 = arith.constant 0 : i32
    %dma_wait3A_528 = tpu.memref_slice %arg4[%dma_wait3A_526, %dma_wait3A_527] : memref<425984x32xf32, #tpu.memory_space<hbm>> -> memref<425984x32xf32, #tpu.memory_space<hbm>>
    tpu.wait_indirect_dma semaphore(%arg21 : memref<!tpu.dma_semaphore, #tpu.memory_space<semaphore_mem>>) src(%dma_wait3A_522 : memref<128x32xf32, #tpu.memory_space<vmem>>) dst(%dma_wait3A_528 : memref<425984x32xf32, #tpu.memory_space<hbm>>)
    %dma_wait3A_529 = arith.constant 4 : i32
    %dma_wait3A_530 = arith.constant 0 : i32
    %dma_wait3A_531 = arith.constant 0 : i32
    %dma_wait3A_532 = arith.constant 0 : i32
    %dma_wait3A_533 = tpu.memref_slice %arg8[%dma_wait3A_529, %dma_wait3A_531, %dma_wait3A_532] : memref<8x128x32xf32, #tpu.memory_space<vmem>> -> memref<1x128x32xf32, #tpu.memory_space<vmem>>
    %dma_wait3A_534 = tpu.memref_squeeze %dma_wait3A_533 : memref<1x128x32xf32, #tpu.memory_space<vmem>> -> memref<128x32xf32, #tpu.memory_space<vmem>>
    %dma_wait3A_535 = arith.constant 0 : i32
    %dma_wait3A_536 = tpu.memref_slice %arg7[%dma_wait3A_530, %dma_wait3A_535] : memref<104x128xi32, #tpu.memory_space<vmem>> -> memref<1x128xi32, #tpu.memory_space<vmem>>
    %dma_wait3A_537 = tpu.memref_squeeze %dma_wait3A_536 : memref<1x128xi32, #tpu.memory_space<vmem>> -> memref<128xi32, #tpu.memory_space<vmem>>
    %dma_wait3A_538 = arith.constant 0 : i32
    %dma_wait3A_539 = arith.constant 0 : i32
    %dma_wait3A_540 = tpu.memref_slice %arg4[%dma_wait3A_538, %dma_wait3A_539] : memref<425984x32xf32, #tpu.memory_space<hbm>> -> memref<425984x32xf32, #tpu.memory_space<hbm>>
    tpu.wait_indirect_dma semaphore(%arg22 : memref<!tpu.dma_semaphore, #tpu.memory_space<semaphore_mem>>) src(%dma_wait3A_534 : memref<128x32xf32, #tpu.memory_space<vmem>>) dst(%dma_wait3A_540 : memref<425984x32xf32, #tpu.memory_space<hbm>>)
    %dma_wait3A_541 = arith.constant 5 : i32
    %dma_wait3A_542 = arith.constant 0 : i32
    %dma_wait3A_543 = arith.constant 0 : i32
    %dma_wait3A_544 = arith.constant 0 : i32
    %dma_wait3A_545 = tpu.memref_slice %arg8[%dma_wait3A_541, %dma_wait3A_543, %dma_wait3A_544] : memref<8x128x32xf32, #tpu.memory_space<vmem>> -> memref<1x128x32xf32, #tpu.memory_space<vmem>>
    %dma_wait3A_546 = tpu.memref_squeeze %dma_wait3A_545 : memref<1x128x32xf32, #tpu.memory_space<vmem>> -> memref<128x32xf32, #tpu.memory_space<vmem>>
    %dma_wait3A_547 = arith.constant 0 : i32
    %dma_wait3A_548 = tpu.memref_slice %arg7[%dma_wait3A_542, %dma_wait3A_547] : memref<104x128xi32, #tpu.memory_space<vmem>> -> memref<1x128xi32, #tpu.memory_space<vmem>>
    %dma_wait3A_549 = tpu.memref_squeeze %dma_wait3A_548 : memref<1x128xi32, #tpu.memory_space<vmem>> -> memref<128xi32, #tpu.memory_space<vmem>>
    %dma_wait3A_550 = arith.constant 0 : i32
    %dma_wait3A_551 = arith.constant 0 : i32
    %dma_wait3A_552 = tpu.memref_slice %arg4[%dma_wait3A_550, %dma_wait3A_551] : memref<425984x32xf32, #tpu.memory_space<hbm>> -> memref<425984x32xf32, #tpu.memory_space<hbm>>
    tpu.wait_indirect_dma semaphore(%arg23 : memref<!tpu.dma_semaphore, #tpu.memory_space<semaphore_mem>>) src(%dma_wait3A_546 : memref<128x32xf32, #tpu.memory_space<vmem>>) dst(%dma_wait3A_552 : memref<425984x32xf32, #tpu.memory_space<hbm>>)
    %dma_wait3A_553 = arith.constant 6 : i32
    %dma_wait3A_554 = arith.constant 0 : i32
    %dma_wait3A_555 = arith.constant 0 : i32
    %dma_wait3A_556 = arith.constant 0 : i32
    %dma_wait3A_557 = tpu.memref_slice %arg8[%dma_wait3A_553, %dma_wait3A_555, %dma_wait3A_556] : memref<8x128x32xf32, #tpu.memory_space<vmem>> -> memref<1x128x32xf32, #tpu.memory_space<vmem>>
    %dma_wait3A_558 = tpu.memref_squeeze %dma_wait3A_557 : memref<1x128x32xf32, #tpu.memory_space<vmem>> -> memref<128x32xf32, #tpu.memory_space<vmem>>
    %dma_wait3A_559 = arith.constant 0 : i32
    %dma_wait3A_560 = tpu.memref_slice %arg7[%dma_wait3A_554, %dma_wait3A_559] : memref<104x128xi32, #tpu.memory_space<vmem>> -> memref<1x128xi32, #tpu.memory_space<vmem>>
    %dma_wait3A_561 = tpu.memref_squeeze %dma_wait3A_560 : memref<1x128xi32, #tpu.memory_space<vmem>> -> memref<128xi32, #tpu.memory_space<vmem>>
    %dma_wait3A_562 = arith.constant 0 : i32
    %dma_wait3A_563 = arith.constant 0 : i32
    %dma_wait3A_564 = tpu.memref_slice %arg4[%dma_wait3A_562, %dma_wait3A_563] : memref<425984x32xf32, #tpu.memory_space<hbm>> -> memref<425984x32xf32, #tpu.memory_space<hbm>>
    tpu.wait_indirect_dma semaphore(%arg24 : memref<!tpu.dma_semaphore, #tpu.memory_space<semaphore_mem>>) src(%dma_wait3A_558 : memref<128x32xf32, #tpu.memory_space<vmem>>) dst(%dma_wait3A_564 : memref<425984x32xf32, #tpu.memory_space<hbm>>)
    %dma_wait3A_565 = arith.constant 7 : i32
    %dma_wait3A_566 = arith.constant 0 : i32
    %dma_wait3A_567 = arith.constant 0 : i32
    %dma_wait3A_568 = arith.constant 0 : i32
    %dma_wait3A_569 = tpu.memref_slice %arg8[%dma_wait3A_565, %dma_wait3A_567, %dma_wait3A_568] : memref<8x128x32xf32, #tpu.memory_space<vmem>> -> memref<1x128x32xf32, #tpu.memory_space<vmem>>
    %dma_wait3A_570 = tpu.memref_squeeze %dma_wait3A_569 : memref<1x128x32xf32, #tpu.memory_space<vmem>> -> memref<128x32xf32, #tpu.memory_space<vmem>>
    %dma_wait3A_571 = arith.constant 0 : i32
    %dma_wait3A_572 = tpu.memref_slice %arg7[%dma_wait3A_566, %dma_wait3A_571] : memref<104x128xi32, #tpu.memory_space<vmem>> -> memref<1x128xi32, #tpu.memory_space<vmem>>
    %dma_wait3A_573 = tpu.memref_squeeze %dma_wait3A_572 : memref<1x128xi32, #tpu.memory_space<vmem>> -> memref<128xi32, #tpu.memory_space<vmem>>
    %dma_wait3A_574 = arith.constant 0 : i32
    %dma_wait3A_575 = arith.constant 0 : i32
    %dma_wait3A_576 = tpu.memref_slice %arg4[%dma_wait3A_574, %dma_wait3A_575] : memref<425984x32xf32, #tpu.memory_space<hbm>> -> memref<425984x32xf32, #tpu.memory_space<hbm>>
    tpu.wait_indirect_dma semaphore(%arg25 : memref<!tpu.dma_semaphore, #tpu.memory_space<semaphore_mem>>) src(%dma_wait3A_570 : memref<128x32xf32, #tpu.memory_space<vmem>>) dst(%dma_wait3A_576 : memref<425984x32xf32, #tpu.memory_space<hbm>>)
    return
  }
}

</mosaic_0001>

<sc_bundles>
// kernel: kernel.3.cloned.1.call-start
scs
__scs_entry_jumppad:
0x0: {  	(pc) =	sbr.rel $0x88, $3  }
0x1: {  	(tag) =	ssettag $0x0;
	lr =	simm.s32 $0x1  }
0x2: {  	[smem:$0x3F9F] =	sst lr;
	_ =	strace $0xD0000000  }
0x3: {  	_ = 	snop  }
0x4: {  	_ = 	snop  }
0x5: {  	_ = 	snop  }
0x6: {  	_ = 	snop  }
0x7: {  	_ = 	snop  }
__scs_overlays_trampoline_lowered:
0x8: {  	[smem:$0x3FAE] =	sst s0  }
0x9: {  	[smem:$0x3FAF] =	sst s1  }
0xa: {  	[smem:$0x3FB0] =	sst s2  }
0xb: {  	[smem:$0x3FB1] =	sst s3  }
0xc: {  	[smem:$0x3FB2] =	sst s4  }
0xd: {  	[smem:$0x3FB3] =	sst s5  }
0xe: {  	[smem:$0x3FB4] =	sst s6  }
0xf: {  	[smem:$0x3FB5] =	sst s7  }
0x10: {  	[smem:$0x3FB6] =	sst s8  }
0x11: {  	[smem:$0x3FB7] =	sst s9;
	s0 =	simm.s32 @!p0 $0x0  }
0x12: {  	s1 =	sld [smem:$0x3F9D];
	s0 =	simm.s32 @p0 $0x1  }
0x13: {  	[smem:$0x3FB8] =	sst s0;
	s0 =	simm.s32 @!p1 $0x0  }
0x14: {  	s2 =	sld [smem:$0x3F9C];
	s0 =	simm.s32 @p1 $0x1  }
0x15: {  	[smem:$0x3FB9] =	sst s0;
	s0 =	simm.s32 @!p2 $0x0  }
0x16: {  	s3 =	sld [smem:$0x3FDB];
	s0 =	simm.s32 @p2 $0x1  }
0x17: {  	s4 =	simm.s32 $0x1BF5;
	[smem:$0x3FBB] =	sst s0  }
0x18: {  	s0 =	sld [smem:$0x3F9E];
	_ =	swait.ge [sflag:s4], $0x0  }
0x19: {  	s7 =	sld [smem:$0x3F9F]  }
0x1a: {  	s8 =	sadd.s32 $0xFFFFE003, lr  }
0x1b: {  	s9 =	sadd.s32 $0xFFFFFEF7, lr;
	s5 =	simm.s32 $0xFFFFFFFF;
	p2 =	slt.u32 s8, $0xFFFFF086  }
0x1c: {  	p1 =	slt.u32 s9, $0xF7A;
	s5 =	simm.s32 @!p2 $0x0  }
0x1d: {  	s5 =	simm.s32 @p1 $0x1;
	p0 =	seq.s32 s7, s2  }
0x1e: {  	s7 =	smul.u32 @!p0 $0xF7A, s2;
	p2 =	seq.s32 @!p0 s5, $0x0  }
0x1f: {  	s9 =	smul.u32 $0xF7A, s1;
	s8 =	simm.s32 @!p0 $0x1BF5;
	p2 =	por !p2, p0  }
0x20: {  	[sflag:s8] =	ssyncset.s32 @!p0 $0xFFFFF086;
	s6 =	sadd.s32 @!p0 s3, s7;
	s7 =	simm.s32 @!p0 $0x108  }
0x21: {  	s3 =	sadd.s32 s3, s9;
	s6 =	sadd.s32 @!p0 $0x88, s6;
	s7 =	simm.s32 @p2 $0x1082  }
0x22: {  	[simem:s7], [sflag:s8] =	dma.local @!p0 [hbm:s6], $0xF7A  }
0x23: {  	s9 =	sor.u32 $0xD0000000, s2;
	s6 =	simm.s32 $0x108;
	_ =	swait.ge @!p0 [sflag:s8], $0x0  }
0x24: {  	s3 =	sadd.s32 $0x88, s3;
	s6 =	simm.s32 @!p1 $0x1082;
	[sflag:s4] =	ssyncset.s32 $0xFFFFF086  }
0x25: {  	[simem:s6], [sflag:s4] =	dma.local [hbm:s3], $0xF7A  }
0x26: {  	[smem:$0x3F9F] =	sst s1;
	(tag) =	ssettag s2;
	_ =	strace s9  }
0x27: {  	s1 =	sld [smem:$0x3FAF]  }
0x28: {  	s2 =	sld [smem:$0x3FB0]  }
0x29: {  	s4 =	sld [smem:$0x3FB2]  }
0x2a: {  	p0 =	seq.s32 s5, $0x0;
	s5 =	sld [smem:$0x3FB3]  }
0x2b: {  	s6 =	sld [smem:$0x3FB4]  }
0x2c: {  	s7 =	sld [smem:$0x3FB5]  }
0x2d: {  	s3 =	simm.s32 $0x108;
	s8 =	sld [smem:$0x3FB6]  }
0x2e: {  	s3 =	simm.s32 @!p0 $0x1082;
	s9 =	sld [smem:$0x3FB7]  }
0x2f: {  	lr =	sadd.s32 s0, s3;
	s0 =	sld [smem:$0x3FAE]  }
0x30: {  	s3 =	sld [smem:$0x3FB1]  }
0x31: {  	[smem:$0x3FBA] =	sst s10  }
0x32: {  	s10 =	sld [smem:$0x3FB8];
	_ =	sdelay $0x3  }
0x33: {  	p0 =	seq.s32 s10, $0x1;
	s10 =	sld [smem:$0x3FBA];
	_ =	sdelay $0x3  }
0x34: {  	[smem:$0x3FBA] =	sst s10  }
0x35: {  	s10 =	sld [smem:$0x3FB9];
	_ =	sdelay $0x3  }
0x36: {  	p1 =	seq.s32 s10, $0x1;
	s10 =	sld [smem:$0x3FBA];
	_ =	sdelay $0x3  }
0x37: {  	[smem:$0x3FBA] =	sst s10  }
0x38: {  	s10 =	sld [smem:$0x3FBB]  }
0x39: {  	_ = 	snop;
	(pc) =	sbr.ind lr, $3  }
0x3a: {  	_ = 	snop  }
0x3b: {  	_ = 	snop  }
0x3c: {  	p2 =	seq.s32 s10, $0x1;
	s10 =	sld [smem:$0x3FBA]  }
0x3d: {  	_ =	shalt  }
0x3e: {  	_ =	shalt  }
0x3f: {  	_ =	shalt  }
0x40: {  	_ =	shalt  }
0x41: {  	_ =	shalt  }
0x42: {  	_ =	shalt  }
0x43: {  	_ =	shalt  }
0x44: {  	_ =	shalt  }
0x45: {  	_ =	shalt  }
0x46: {  	_ =	shalt  }
0x47: {  	_ =	shalt  }
0x48: {  	_ =	shalt  }
0x49: {  	_ =	shalt  }
0x4a: {  	_ =	shalt  }
0x4b: {  	_ =	shalt  }
0x4c: {  	_ =	shalt  }
0x4d: {  	_ =	shalt  }
0x4e: {  	_ =	shalt  }
0x4f: {  	_ =	shalt  }
0x50: {  	_ =	shalt  }
0x51: {  	_ =	shalt  }
0x52: {  	_ =	shalt  }
0x53: {  	_ =	shalt  }
0x54: {  	_ =	shalt  }
0x55: {  	_ =	shalt  }
0x56: {  	_ =	shalt  }
0x57: {  	_ =	shalt  }
0x58: {  	_ =	shalt  }
0x59: {  	_ =	shalt  }
0x5a: {  	_ =	shalt  }
0x5b: {  	_ =	shalt  }
0x5c: {  	_ =	shalt  }
0x5d: {  	_ =	shalt  }
0x5e: {  	_ =	shalt  }
0x5f: {  	_ =	shalt  }
0x60: {  	_ =	shalt  }
0x61: {  	_ =	shalt  }
0x62: {  	_ =	shalt  }
0x63: {  	_ =	shalt  }
0x64: {  	_ =	shalt  }
0x65: {  	_ =	shalt  }
0x66: {  	_ =	shalt  }
0x67: {  	_ =	shalt  }
0x68: {  	_ =	shalt  }
0x69: {  	_ =	shalt  }
0x6a: {  	_ =	shalt  }
0x6b: {  	_ =	shalt  }
0x6c: {  	_ =	shalt  }
0x6d: {  	_ =	shalt  }
0x6e: {  	_ =	shalt  }
0x6f: {  	_ =	shalt  }
0x70: {  	_ =	shalt  }
0x71: {  	_ =	shalt  }
0x72: {  	_ =	shalt  }
0x73: {  	_ =	shalt  }
0x74: {  	_ =	shalt  }
0x75: {  	_ =	shalt  }
0x76: {  	_ =	shalt  }
0x77: {  	_ =	shalt  }
0x78: {  	_ =	shalt  }
0x79: {  	_ =	shalt  }
0x7a: {  	_ =	shalt  }
0x7b: {  	_ =	shalt  }
0x7c: {  	_ =	shalt  }
0x7d: {  	_ =	shalt  }
0x7e: {  	_ =	shalt  }
0x7f: {  	_ =	shalt  }
0x80: {  	_ =	shalt  }
0x81: {  	_ =	shalt  }
0x82: {  	_ =	shalt  }
0x83: {  	_ =	shalt  }
0x84: {  	_ =	shalt  }
0x85: {  	_ =	shalt  }
0x86: {  	_ =	shalt  }
0x87: {  	_ =	shalt  }
.Lfunc_end0:
.L_simem_size_0:
called_computation.1_lowered:
.L_overlay_start_0:
0x88: {  	s2 =	sld [smem:$0x3FD9]  }
0x89: {  	s3 =	sld [smem:$0x3FFE];
	_ =	sdelay $0x1  }
0x8a: {  	s1 =	srdreg.scid  }
0x8b: {  	s0 =	sand.u32 $0x1, s1  }
0x8c: {  	s17 =	sshll.u32 s0, $0xA;
	s2 =	sadd.s32 s3, s2  }
0x8d: {  	s2 =	sadd.s32 s2, s17  }
0x8e: {  	[smem:$0x3FC6] =	sst s2  }
0x8f: {  	_ = 	snop  }
0x90: {  	s2 =	sld [smem:$0x3FD0];
	(tm) =	ssettm $0x1  }
0x91: {  	s18 =	sld [smem:$0x3FFB];
	_ =	sdelay $0x3  }
0x92: {  	_ =	strace s18  }
0x93: {  	s3 =	sld [smem:$0x3FFC];
	_ =	sdelay $0x3  }
0x94: {  	_ =	strace s3  }
0x95: {  	s3 =	sld [smem:$0x3FFD];
	_ =	sdelay $0x3  }
0x96: {  	_ =	strace s3  }
0x97: {  	_ =	strace $0x8FFFFFFF  }
0x98: {  	s19 =	sld [smem:$0x3FDB];
	_ =	sdelay $0x1  }
0x99: {  	s4 =	simm.s32 $_scs_section_size  }
0x9a: {  	s5 =	simm.s32 $_size__tile_overlayer_lowered;
	s6 =	simm.s32 $_tile_overlayer_lowered  }
0x9b: {  	s22 =	simm.s32 $0x1BFF;
	s21 =	sshll.u32 s6, $0x1;
	s3 =	sadd.s32 s4, s19  }
0x9c: {  	s7 =	simm.s32 $0x0;
	s20 =	sshll.u32 s5, $0x1;
	s5 =	sadd.s32 s21, s3  }
0x9d: {  	[timem:s7], [sflag:s22] =	dma.local [hbm:s5], s20  }
0x9e: {  	_ =	swait.ge [sflag:s22], s20  }
0x9f: {  	s4 =	ssub.s32 $0x0, s20;
	[sflag:s22] =	ssyncset.done $0x0  }
0xa0: {  	[sflag:s22] =	ssyncadd.s32 s4;
	_ =	sdelay $0x1  }
0xa1: {  	s23 =	simm.s32 $0x1B8B  }
0xa2: {  	_ =	swait.ge [sflag:s23], $0x1  }
0xa3: {  	[sflag:s23] =	ssyncset.done $0x0  }
0xa4: {  	s25 =	simm.s32 $0x1B8E;
	s24 =	sld [smem:$0x3FFE];
	[sflag:s23] =	ssyncadd.s32 $0xFFFFFFFF  }
0xa5: {  	s26 =	simm.s32 $execute0_lowered;
	[smem:$0x3FD2] =	sst s25  }
0xa6: {  	s5 =	sshll.u32 s26, $0x1;
	_ =	strace $0x80000046;
	[dreg:$0x1] =	wrdreg $0xFFFFFFFF  }
0xa7: {  	s28 =	simm.s32 $_size_execute0_lowered;
	s3 =	sadd.s32 s3, s5;
	[dreg:$0x0] =	wrdreg $0x0  }
0xa8: {  	s5 =	sshll.u32 s28, $0x1;
	[dreg:$0x2] =	wrdreg s3  }
0xa9: {  	[dreg:$0x3] =	wrdreg s5  }
0xaa: {  	[dreg:$0x4] =	wrdreg $0xC0  }
0xab: {  	_ =	task [dreg:s7], $0x5FFFF  }
0xac: {  	[dreg:$0x1] =	wrdreg $0xFFFFFFFF  }
0xad: {  	[dreg:$0x0] =	wrdreg $0x60  }
0xae: {  	[dreg:$0x2] =	wrdreg s24  }
0xaf: {  	[dreg:$0x3] =	wrdreg s2  }
0xb0: {  	[dreg:$0x4] =	wrdreg $0x9  }
0xb1: {  	_ =	task.clear_ibuf [dreg:s7], $0x5FFFF;
	_ =	strace $0x90000046  }
0xb2: {  	s29 =	simm.s32 $0x9;
	_ =	strace $0x80000048  }
0xb3: {  	_ =	swait.ge [sflag:s29], $0x1  }
0xb4: {  	[sflag:s29] =	ssyncadd.s32 $0xFFFFFFFF  }
0xb5: {  	_ =	strace $0x90000048  }
0xb6: {  	_ =	sfence  }
0xb7: {  	s30 =	sld [smem:$0x0];
	_ =	sdelay $0x2  }
0xb8: {  	s31 =	sshll.u32 s1, $0xD;
	s1 =	sshrl.u32 s1, $0x2  }
0xb9: {  	s3 =	sand.u32 $0x4000, s31;
	s1 =	sadd.s32 s1, s30  }
0xba: {  	s0 =	sor.u32 s3, s0;
	s1 =	sshll.u32 s1, $0x11  }
0xbb: {  	s0 =	sor.u32 s1, s0  }
0xbc: {  	s0 =	sadd.s32 $0x8F2B, s0  }
0xbd: {  	[sflag:s0] =	ssyncadd.remote.s32 $0x1  }
0xbe: {  	_ =	sfence.sel $0xFFFF  }
0xbf: {  	[dreg:$0x0] =	wrdreg $0xFFFFFFFF;
	(pc) =	sbr.abs _section_cstart, $3  }
0xc0: {  	[dreg:$0x1] =	wrdreg $0xFFFFFFFF  }
0xc1: {  	_ =	task.clear_ibuf [dreg:s7], $0x2FFFF;
	_ =	strace $0x9FFFFFFF  }
0xc2: {  	(tm) =	ssettm $0x7FFFFFFF  }
0xc3: {  	_ =	shalt  }
tec
execute0_lowered:
.L_overlay_start_1:
0x0: {  	(tag) =	ssettag $0x1  }
0x1: {  	s0 =	rddreg [dreg:$0x0]  }
0x2: {  	s2 =	rddreg [dreg:$0x1]  }
0x3: {  	s1 =	srdreg.scid;
	s4 =	stileid.u32;
	s3 =	simm.s32 $0x0  }
0x4: {  	s9 =	simm.s32 $0x9C00;
	s10 =	simm.s32 $0xAC00;
	[smem:$0x7FF] =	sst s3  }
0x5: {  	s12 =	simm.s32 $0xBC00;
	_ =	strace $0x80000047;
	[dreg:$0x3] =	wrdreg s9  }
0x6: {  	s14 =	simm.s32 $0xCC00;
	s1 =	sand.u32 $0x1, s1;
	[dreg:$0x4] =	wrdreg s10  }
0x7: {  	s4 =	sshll.u32 s4, $0xA;
	s5 =	sshll.u32 s1, $0x9;
	[dreg:$0x5] =	wrdreg s12  }
0x8: {  	s16 =	simm.s32 $0xDC00;
	[dreg:$0x6] =	wrdreg s14;
	s4 =	sor.u32 s5, s4  }
0x9: {  	s18 =	simm.s32 $0xEC00;
	[dreg:$0x7] =	wrdreg s16;
	s5 =	sshrl.u32 s4, $0x3  }
0xa: {  	s20 =	simm.s32 $0xFC00;
	[dreg:$0x8] =	wrdreg s18;
	s6 =	sadd.s32 s5, s0  }
0xb: {  	[dreg:$0x9] =	wrdreg s20;
	s23 =	sadd.s32 $0xA00, s6  }
0xc: {  	s24 =	sadd.s32 $0x1200, s6;
	[dreg:$0xa] =	wrdreg s23  }
0xd: {  	s25 =	sadd.s32 $0x1A00, s6;
	[dreg:$0xb] =	wrdreg s24  }
0xe: {  	s26 =	sadd.s32 $0x2200, s6;
	[dreg:$0xc] =	wrdreg s25  }
0xf: {  	s28 =	sadd.s32 $0x2A00, s6;
	[dreg:$0xd] =	wrdreg s26  }
0x10: {  	s29 =	sadd.s32 $0x3200, s6;
	[dreg:$0xe] =	wrdreg s28  }
0x11: {  	s30 =	sadd.s32 $0x3A00, s6;
	[dreg:$0xf] =	wrdreg s29  }
0x12: {  	s31 =	sadd.s32 $0x4200, s6;
	[dreg:$0x10] =	wrdreg s30  }
0x13: {  	s7 =	sadd.s32 $0x4A00, s6;
	[dreg:$0x11] =	wrdreg s31  }
0x14: {  	s8 =	sadd.s32 $0x5200, s6;
	[dreg:$0x12] =	wrdreg s7  }
0x15: {  	s11 =	sadd.s32 $0x6200, s6;
	[dreg:$0x13] =	wrdreg s8  }
0x16: {  	s13 =	sadd.s32 $0x6A00, s6;
	[dreg:$0x15] =	wrdreg s11  }
0x17: {  	s15 =	sadd.s32 $0x7200, s6;
	[dreg:$0x16] =	wrdreg s13  }
0x18: {  	s1 =	ssub.s32 $0x2, s1;
	s17 =	sadd.s32 $0x7A00, s6;
	[dreg:$0x17] =	wrdreg s15  }
0x19: {  	s22 =	sshrl.u32 s1, $0x1;
	s19 =	sadd.s32 $0x8200, s6;
	[dreg:$0x18] =	wrdreg s17  }
0x1a: {  	s5 =	sadd.s32 $0xFDF200, s0;
	s21 =	sadd.s32 $0x8A00, s6;
	[dreg:$0x19] =	wrdreg s19  }
0x1b: {  	s0 =	ssub.s32 s1, s22;
	s22 =	sadd.s32 $0x9200, s6;
	[dreg:$0x1a] =	wrdreg s21  }
0x1c: {  	s9 =	simm.s32 $0x2;
	s0 =	smax.u32 s0, $0x1;
	[dreg:$0x1b] =	wrdreg s22  }
0x1d: {  	s10 =	simm.s32 $0x3;
	s7 =	sadd.s32 $0x5A00, s6;
	[smem:$0x7FD] =	sst s0  }
0x1e: {  	s12 =	simm.s32 $0x5;
	s23 =	sadd.s32 $0x9A00, s6;
	[dreg:$0x14] =	wrdreg s7  }
0x1f: {  	s14 =	simm.s32 $0x7;
	s24 =	sadd.s32 $0xA200, s6;
	[dreg:$0x1c] =	wrdreg s23  }
0x20: {  	s16 =	simm.s32 $0x9;
	s25 =	sadd.s32 $0xAA00, s6;
	[dreg:$0x1d] =	wrdreg s24  }
0x21: {  	s26 =	sadd.s32 $0xB200, s6;
	s28 =	sadd.s32 $0xBA00, s6;
	[dreg:$0x1e] =	wrdreg s25  }
0x22: {  	s29 =	sadd.s32 $0xC200, s6;
	s30 =	sadd.s32 $0xCA00, s6;
	[dreg:$0x1f] =	wrdreg s26  }
0x23: {  	s31 =	sadd.s32 $0xD200, s6;
	s6 =	simm.s32 $0x1;
	[smem:$0x7F9] =	sst s28  }
0x24: {  	s8 =	simm.s32 $0x10C00;
	s11 =	simm.s32 $0x4;
	[smem:$0x7FA] =	sst s29  }
0x25: {  	v0 =	vlaneseq.u32;
	s13 =	simm.s32 $0x6;
	s15 =	simm.s32 $0x8;
	[smem:$0x7FB] =	sst s30  }
0x26: {  	v0 =	vmul.u32 $0x1A, v0;
	s17 =	simm.s32 $0x0;
	[smem:$0x7FC] =	sst s31;
	s7 =	simm.s32 $0x80  }
.LBB2_1:
0x27: {  	[smem:$0x7F8] =	sst s17  }
0x28: {  	s0 =	rddreg [dreg:$0xa]  }
0x29: {  	s20 =	rddreg [dreg:$0xb]  }
0x2a: {  	[tilespmem:s3], [sflag:$0x1] =	stream.linear.gather [hbm4b:s0+s3], $0x200, $0x38;
	[tilespmem:$0x11C00] =	vst v63  }
0x2b: {  	s1 =	simm.s32 $0x200;
	s21 =	rddreg [dreg:$0xc]  }
0x2c: {  	[tilespmem:s1], [sflag:$0x1] =	stream.linear.gather [hbm4b:s20+s3], $0x200, $0x38;
	[tilespmem:$0x11C00] =	vst v63  }
0x2d: {  	s22 =	simm.s32 $0x400;
	s23 =	rddreg [dreg:$0xd]  }
0x2e: {  	[tilespmem:s22], [sflag:$0x1] =	stream.linear.gather [hbm4b:s21+s3], $0x200, $0x38;
	[tilespmem:$0x11C00] =	vst v63  }
0x2f: {  	s24 =	simm.s32 $0x600;
	s25 =	rddreg [dreg:$0xe]  }
0x30: {  	[tilespmem:s24], [sflag:$0x1] =	stream.linear.gather [hbm4b:s23+s3], $0x200, $0x38;
	[tilespmem:$0x11C00] =	vst v63  }
0x31: {  	s26 =	simm.s32 $0x800;
	s30 =	rddreg [dreg:$0xf]  }
0x32: {  	[tilespmem:s26], [sflag:$0x1] =	stream.linear.gather [hbm4b:s25+s3], $0x200, $0x38;
	[tilespmem:$0x11C00] =	vst v63  }
0x33: {  	s31 =	simm.s32 $0xA00;
	s17 =	rddreg [dreg:$0x10]  }
0x34: {  	[tilespmem:s31], [sflag:$0x1] =	stream.linear.gather [hbm4b:s30+s3], $0x200, $0x38;
	[tilespmem:$0x11C00] =	vst v63  }
0x35: {  	s18 =	simm.s32 $0xC00;
	s19 =	rddreg [dreg:$0x11]  }
0x36: {  	[tilespmem:s18], [sflag:$0x1] =	stream.linear.gather [hbm4b:s17+s3], $0x200, $0x38;
	[tilespmem:$0x11C00] =	vst v63  }
0x37: {  	s20 =	simm.s32 $0xE00;
	s21 =	rddreg [dreg:$0x12]  }
0x38: {  	[tilespmem:s20], [sflag:$0x1] =	stream.linear.gather [hbm4b:s19+s3], $0x200, $0x38;
	[tilespmem:$0x11C00] =	vst v63  }
0x39: {  	s22 =	simm.s32 $0x1000;
	s23 =	rddreg [dreg:$0x13]  }
0x3a: {  	[tilespmem:s22], [sflag:$0x1] =	stream.linear.gather [hbm4b:s21+s3], $0x200, $0x38;
	[tilespmem:$0x11C00] =	vst v63  }
0x3b: {  	s24 =	simm.s32 $0x1200;
	s25 =	rddreg [dreg:$0x14]  }
0x3c: {  	[tilespmem:s24], [sflag:$0x1] =	stream.linear.gather [hbm4b:s23+s3], $0x200, $0x38;
	[tilespmem:$0x11C00] =	vst v63  }
0x3d: {  	s26 =	simm.s32 $0x1400;
	s30 =	rddreg [dreg:$0x15]  }
0x3e: {  	[tilespmem:s26], [sflag:$0x1] =	stream.linear.gather [hbm4b:s25+s3], $0x200, $0x38;
	[tilespmem:$0x11C00] =	vst v63  }
0x3f: {  	s31 =	simm.s32 $0x1600;
	s17 =	rddreg [dreg:$0x16]  }
0x40: {  	[tilespmem:s31], [sflag:$0x1] =	stream.linear.gather [hbm4b:s30+s3], $0x200, $0x38;
	[tilespmem:$0x11C00] =	vst v63  }
0x41: {  	s18 =	simm.s32 $0x1800;
	s19 =	rddreg [dreg:$0x17]  }
0x42: {  	[tilespmem:s18], [sflag:$0x1] =	stream.linear.gather [hbm4b:s17+s3], $0x200, $0x38;
	[tilespmem:$0x11C00] =	vst v63  }
0x43: {  	s20 =	simm.s32 $0x1A00;
	s21 =	rddreg [dreg:$0x18]  }
0x44: {  	[tilespmem:s20], [sflag:$0x1] =	stream.linear.gather [hbm4b:s19+s3], $0x200, $0x38;
	[tilespmem:$0x11C00] =	vst v63  }
0x45: {  	s22 =	simm.s32 $0x1C00;
	s23 =	rddreg [dreg:$0x19]  }
0x46: {  	[tilespmem:s22], [sflag:$0x1] =	stream.linear.gather [hbm4b:s21+s3], $0x200, $0x38;
	[tilespmem:$0x11C00] =	vst v63  }
0x47: {  	s24 =	simm.s32 $0x1E00;
	s25 =	rddreg [dreg:$0x1a]  }
0x48: {  	[tilespmem:s24], [sflag:$0x1] =	stream.linear.gather [hbm4b:s23+s3], $0x200, $0x38;
	[tilespmem:$0x11C00] =	vst v63  }
0x49: {  	s26 =	simm.s32 $0x2000;
	s30 =	rddreg [dreg:$0x1b]  }
0x4a: {  	[tilespmem:s26], [sflag:$0x1] =	stream.linear.gather [hbm4b:s25+s3], $0x200, $0x38;
	[tilespmem:$0x11C00] =	vst v63  }
0x4b: {  	s31 =	simm.s32 $0x2200;
	s17 =	rddreg [dreg:$0x1c]  }
0x4c: {  	[tilespmem:s31], [sflag:$0x1] =	stream.linear.gather [hbm4b:s30+s3], $0x200, $0x38;
	[tilespmem:$0x11C00] =	vst v63  }
0x4d: {  	s18 =	simm.s32 $0x2400;
	s19 =	rddreg [dreg:$0x1d]  }
0x4e: {  	[tilespmem:s18], [sflag:$0x1] =	stream.linear.gather [hbm4b:s17+s3], $0x200, $0x38;
	[tilespmem:$0x11C00] =	vst v63  }
0x4f: {  	s20 =	simm.s32 $0x2600;
	s21 =	rddreg [dreg:$0x1e]  }
0x50: {  	[tilespmem:s20], [sflag:$0x1] =	stream.linear.gather [hbm4b:s19+s3], $0x200, $0x38;
	[tilespmem:$0x11C00] =	vst v63  }
0x51: {  	s22 =	simm.s32 $0x2800;
	s23 =	rddreg [dreg:$0x1f]  }
0x52: {  	[tilespmem:s22], [sflag:$0x1] =	stream.linear.gather [hbm4b:s21+s3], $0x200, $0x38;
	[tilespmem:$0x11C00] =	vst v63  }
0x53: {  	s24 =	simm.s32 $0x2A00;
	s25 =	sld [smem:$0x7F9]  }
0x54: {  	[tilespmem:s24], [sflag:$0x1] =	stream.linear.gather [hbm4b:s23+s3], $0x200, $0x38;
	[tilespmem:$0x11C00] =	vst v63  }
0x55: {  	s26 =	simm.s32 $0x2C00;
	s30 =	sld [smem:$0x7FA]  }
0x56: {  	[tilespmem:s26], [sflag:$0x1] =	stream.linear.gather [hbm4b:s25+s3], $0x200, $0x38;
	[tilespmem:$0x11C00] =	vst v63  }
0x57: {  	s1 =	sld [smem:$0x7FB];
	s31 =	simm.s32 $0x2E00  }
0x58: {  	[tilespmem:s31], [sflag:$0x1] =	stream.linear.gather [hbm4b:s30+s3], $0x200, $0x38;
	[tilespmem:$0x11C00] =	vst v63  }
0x59: {  	s17 =	simm.s32 $0x3000;
	s18 =	sld [smem:$0x7FC]  }
0x5a: {  	[tilespmem:s17], [sflag:$0x1] =	stream.linear.gather [hbm4b:s1+s3], $0x200, $0x38;
	[tilespmem:$0x11C00] =	vst v63  }
0x5b: {  	s19 =	simm.s32 $0x3200  }
0x5c: {  	[tilespmem:s19], [sflag:$0x1] =	stream.linear.gather [hbm4b:s18+s3], $0x200, $0x38;
	[tilespmem:$0x11C00] =	vst v63  }
0x5d: {  	_ =	swait.ge [sflag:s6], $0x200  }
0x5e: {  	[sflag:s6] =	ssyncset.done $0x0  }
0x5f: {  	[sflag:s6] =	ssyncadd.s32 $0xFFFFFE00  }
0x60: {  	_ =	swait.ge [sflag:s6], $0x200  }
0x61: {  	[sflag:s6] =	ssyncset.done $0x0  }
0x62: {  	[sflag:s6] =	ssyncadd.s32 $0xFFFFFE00  }
0x63: {  	_ =	swait.ge [sflag:s6], $0x200  }
0x64: {  	[sflag:s6] =	ssyncset.done $0x0  }
0x65: {  	[sflag:s6] =	ssyncadd.s32 $0xFFFFFE00  }
0x66: {  	_ =	swait.ge [sflag:s6], $0x200  }
0x67: {  	[sflag:s6] =	ssyncset.done $0x0  }
0x68: {  	[sflag:s6] =	ssyncadd.s32 $0xFFFFFE00  }
0x69: {  	_ =	swait.ge [sflag:s6], $0x200  }
0x6a: {  	[sflag:s6] =	ssyncset.done $0x0  }
0x6b: {  	[sflag:s6] =	ssyncadd.s32 $0xFFFFFE00  }
0x6c: {  	_ =	swait.ge [sflag:s6], $0x200  }
0x6d: {  	[sflag:s6] =	ssyncset.done $0x0  }
0x6e: {  	[sflag:s6] =	ssyncadd.s32 $0xFFFFFE00  }
0x6f: {  	_ =	swait.ge [sflag:s6], $0x200  }
0x70: {  	[sflag:s6] =	ssyncset.done $0x0  }
0x71: {  	[sflag:s6] =	ssyncadd.s32 $0xFFFFFE00  }
0x72: {  	_ =	swait.ge [sflag:s6], $0x200  }
0x73: {  	[sflag:s6] =	ssyncset.done $0x0  }
0x74: {  	[sflag:s6] =	ssyncadd.s32 $0xFFFFFE00  }
0x75: {  	_ =	swait.ge [sflag:s6], $0x200  }
0x76: {  	[sflag:s6] =	ssyncset.done $0x0  }
0x77: {  	[sflag:s6] =	ssyncadd.s32 $0xFFFFFE00  }
0x78: {  	_ =	swait.ge [sflag:s6], $0x200  }
0x79: {  	[sflag:s6] =	ssyncset.done $0x0  }
0x7a: {  	[sflag:s6] =	ssyncadd.s32 $0xFFFFFE00  }
0x7b: {  	_ =	swait.ge [sflag:s6], $0x200  }
0x7c: {  	[sflag:s6] =	ssyncset.done $0x0  }
0x7d: {  	[sflag:s6] =	ssyncadd.s32 $0xFFFFFE00  }
0x7e: {  	_ =	swait.ge [sflag:s6], $0x200  }
0x7f: {  	[sflag:s6] =	ssyncset.done $0x0  }
0x80: {  	[sflag:s6] =	ssyncadd.s32 $0xFFFFFE00  }
0x81: {  	_ =	swait.ge [sflag:s6], $0x200  }
0x82: {  	[sflag:s6] =	ssyncset.done $0x0  }
0x83: {  	[sflag:s6] =	ssyncadd.s32 $0xFFFFFE00  }
0x84: {  	_ =	swait.ge [sflag:s6], $0x200  }
0x85: {  	[sflag:s6] =	ssyncset.done $0x0  }
0x86: {  	[sflag:s6] =	ssyncadd.s32 $0xFFFFFE00  }
0x87: {  	_ =	swait.ge [sflag:s6], $0x200  }
0x88: {  	[sflag:s6] =	ssyncset.done $0x0  }
0x89: {  	[sflag:s6] =	ssyncadd.s32 $0xFFFFFE00  }
0x8a: {  	_ =	swait.ge [sflag:s6], $0x200  }
0x8b: {  	[sflag:s6] =	ssyncset.done $0x0  }
0x8c: {  	[sflag:s6] =	ssyncadd.s32 $0xFFFFFE00  }
0x8d: {  	_ =	swait.ge [sflag:s6], $0x200  }
0x8e: {  	[sflag:s6] =	ssyncset.done $0x0  }
0x8f: {  	[sflag:s6] =	ssyncadd.s32 $0xFFFFFE00  }
0x90: {  	_ =	swait.ge [sflag:s6], $0x200  }
0x91: {  	[sflag:s6] =	ssyncset.done $0x0  }
0x92: {  	[sflag:s6] =	ssyncadd.s32 $0xFFFFFE00  }
0x93: {  	_ =	swait.ge [sflag:s6], $0x200  }
0x94: {  	[sflag:s6] =	ssyncset.done $0x0  }
0x95: {  	[sflag:s6] =	ssyncadd.s32 $0xFFFFFE00  }
0x96: {  	_ =	swait.ge [sflag:s6], $0x200  }
0x97: {  	[sflag:s6] =	ssyncset.done $0x0  }
0x98: {  	[sflag:s6] =	ssyncadd.s32 $0xFFFFFE00  }
0x99: {  	_ =	swait.ge [sflag:s6], $0x200  }
0x9a: {  	[sflag:s6] =	ssyncset.done $0x0  }
0x9b: {  	[sflag:s6] =	ssyncadd.s32 $0xFFFFFE00  }
0x9c: {  	_ =	swait.ge [sflag:s6], $0x200  }
0x9d: {  	[sflag:s6] =	ssyncset.done $0x0  }
0x9e: {  	[sflag:s6] =	ssyncadd.s32 $0xFFFFFE00  }
0x9f: {  	_ =	swait.ge [sflag:s6], $0x200  }
0xa0: {  	[sflag:s6] =	ssyncset.done $0x0  }
0xa1: {  	[sflag:s6] =	ssyncadd.s32 $0xFFFFFE00  }
0xa2: {  	_ =	swait.ge [sflag:s6], $0x200  }
0xa3: {  	[sflag:s6] =	ssyncset.done $0x0  }
0xa4: {  	[sflag:s6] =	ssyncadd.s32 $0xFFFFFE00  }
0xa5: {  	_ =	swait.ge [sflag:s6], $0x200  }
0xa6: {  	[sflag:s6] =	ssyncset.done $0x0  }
0xa7: {  	[sflag:s6] =	ssyncadd.s32 $0xFFFFFE00  }
0xa8: {  	s20 =	simm.s32 $0x0;
	_ =	swait.ge [sflag:s6], $0x200  }
0xa9: {  	s0 =	sand.u32 $0x3FFFFE00, s20;
	s21 =	sand.u32 $0x180, s3;
	[sflag:s6] =	ssyncset.done $0x0  }
0xaa: {  	s0 =	sor.u32 s21, s0;
	[sflag:s6] =	ssyncadd.s32 $0xFFFFFE00  }
0xab: {  	v1 =	vld [tilespmem:s0+$0x0]  }
0xac: {  	s22 =	simm.s32 $0x0  }
0xad: {  	s1 =	sor.u32 s4, s21;
	s17 =	smul.u32 $0x9C40, s22  }
0xae: {  	s1 =	smul.u32 $0x1A, s1;
	_ =	sdelay $0x1  }
0xaf: {  	s29 =	simm.s32 $0x3440;
	s18 =	sadd.s32 $0x0, s1;
	v1 =	vadd.s32 s17, v1  }
0xb0: {  	s26 =	simm.s32 $0x6840;
	v2 =	vadd.s32 s18, v0;
	[tilespmem:s29+$0xFFFFFFC0] =	vst v1  }
0xb1: {  	[tilespmem:s26+$0xFFFFFFC0] =	vst v2  }
0xb2: {  	v1 =	vld [tilespmem:s0+$0x10];
	_ =	sdelay $0x4  }
0xb3: {  	s1 =	sadd.s32 $0x1A0, s18;
	v1 =	vadd.s32 s17, v1  }
0xb4: {  	v2 =	vadd.s32 s1, v0;
	[tilespmem:s29+$0xFFFFFFD0] =	vst v1  }
0xb5: {  	[tilespmem:s26+$0xFFFFFFD0] =	vst v2  }
0xb6: {  	v1 =	vld [tilespmem:s0+$0x20];
	_ =	sdelay $0x4  }
0xb7: {  	s23 =	sadd.s32 $0x340, s18;
	v1 =	vadd.s32 s17, v1  }
0xb8: {  	v2 =	vadd.s32 s23, v0;
	[tilespmem:s29+$0xFFFFFFE0] =	vst v1  }
0xb9: {  	[tilespmem:s26+$0xFFFFFFE0] =	vst v2  }
0xba: {  	v1 =	vld [tilespmem:s0+$0x30];
	_ =	sdelay $0x4  }
0xbb: {  	s24 =	sadd.s32 $0x4E0, s18;
	v1 =	vadd.s32 s17, v1  }
0xbc: {  	v2 =	vadd.s32 s24, v0;
	[tilespmem:s29+$0xFFFFFFF0] =	vst v1  }
0xbd: {  	[tilespmem:s26+$0xFFFFFFF0] =	vst v2  }
0xbe: {  	v1 =	vld [tilespmem:s0+$0x40];
	_ =	sdelay $0x4  }
0xbf: {  	s25 =	sadd.s32 $0x680, s18;
	v1 =	vadd.s32 s17, v1  }
0xc0: {  	v2 =	vadd.s32 s25, v0;
	[tilespmem:s29+$0x0] =	vst v1  }
0xc1: {  	[tilespmem:s26+$0x0] =	vst v2  }
0xc2: {  	v1 =	vld [tilespmem:s0+$0x50];
	_ =	sdelay $0x4  }
0xc3: {  	s30 =	sadd.s32 $0x820, s18;
	v1 =	vadd.s32 s17, v1  }
0xc4: {  	v2 =	vadd.s32 s30, v0;
	[tilespmem:s29+$0x10] =	vst v1  }
0xc5: {  	[tilespmem:s26+$0x10] =	vst v2  }
0xc6: {  	v1 =	vld [tilespmem:s0+$0x60];
	_ =	sdelay $0x4  }
0xc7: {  	s31 =	sadd.s32 $0x9C0, s18;
	v1 =	vadd.s32 s17, v1  }
0xc8: {  	v2 =	vadd.s32 s31, v0;
	[tilespmem:s29+$0x20] =	vst v1  }
0xc9: {  	[tilespmem:s26+$0x20] =	vst v2  }
0xca: {  	v1 =	vld [tilespmem:s0+$0x70];
	_ =	sdelay $0x2  }
0xcb: {  	s28 =	simm.s32 $0x34C0;
	s21 =	simm.s32 $0x2;
	s19 =	simm.s32 $0x80  }
0xcc: {  	s19 =	sand.u32 $0x3FFFFE00, s19;
	s18 =	sadd.s32 $0xB60, s18;
	s1 =	simm.s32 $0x80  }
0xcd: {  	s20 =	sand.u32 $0x180, s1;
	s0 =	simm.s32 $0x1;
	v2 =	vadd.s32 s17, v1;
	v1 =	vadd.s32 s18, v0;
	s17 =	simm.s32 $0x6840  }
.LBB2_2:
0xce: {  	s19 =	sor.u32 s20, s19;
	s26 =	sadd.s32 $0x80, s26  }
0xcf: {  	[tilespmem:s29+$0x30] =	vst v2;
	s30 =	smov.u32 s21;
	s18 =	sadd.s32 $0x1, s21;
	s29 =	smov.u32 s28  }
0xd0: {  	p0 =	sne.s32 s21, $0x67;
	[tilespmem:s17+$0x30] =	vst v1;
	s17 =	smov.u32 s26  }
0xd1: {  	v1 =	vld [tilespmem:s19+$0x0]  }
0xd2: {  	s21 =	sshrl.u32 s0, $0x2;
	s20 =	sor.u32 s4, s20;
	s0 =	smov.u32 s30  }
0xd3: {  	s20 =	smul.u32 $0x1A, s20  }
0xd4: {  	s30 =	smul.u32 $0x9C40, s21  }
0xd5: {  	s22 =	sadd.s32 s21, s20  }
0xd6: {  	v2 =	vadd.s32 s22, v0;
	s23 =	sadd.s32 $0x4E0, s22;
	s24 =	sadd.s32 $0x680, s22;
	s21 =	sadd.s32 $0x820, s22;
	v1 =	vadd.s32 s30, v1  }
0xd7: {  	s20 =	sadd.s32 $0x9C0, s22;
	s31 =	sadd.s32 $0xB60, s22;
	[tilespmem:s28+$0xFFFFFFC0] =	vst v1  }
0xd8: {  	[tilespmem:s26+$0xFFFFFFC0] =	vst v2  }
0xd9: {  	v1 =	vld [tilespmem:s19+$0x10];
	_ =	sdelay $0x3  }
0xda: {  	s25 =	sadd.s32 $0x1A0, s22  }
0xdb: {  	v2 =	vadd.s32 s25, v0;
	v1 =	vadd.s32 s30, v1  }
0xdc: {  	[tilespmem:s28+$0xFFFFFFD0] =	vst v1  }
0xdd: {  	[tilespmem:s26+$0xFFFFFFD0] =	vst v2  }
0xde: {  	v1 =	vld [tilespmem:s19+$0x20];
	_ =	sdelay $0x3  }
0xdf: {  	s22 =	sadd.s32 $0x340, s22  }
0xe0: {  	v2 =	vadd.s32 s22, v0;
	v1 =	vadd.s32 s30, v1  }
0xe1: {  	[tilespmem:s28+$0xFFFFFFE0] =	vst v1  }
0xe2: {  	[tilespmem:s26+$0xFFFFFFE0] =	vst v2  }
0xe3: {  	v1 =	vld [tilespmem:s19+$0x30];
	_ =	sdelay $0x4  }
0xe4: {  	v2 =	vadd.s32 s23, v0;
	v1 =	vadd.s32 s30, v1  }
0xe5: {  	[tilespmem:s28+$0xFFFFFFF0] =	vst v1  }
0xe6: {  	[tilespmem:s26+$0xFFFFFFF0] =	vst v2  }
0xe7: {  	v1 =	vld [tilespmem:s19+$0x40];
	_ =	sdelay $0x4  }
0xe8: {  	v2 =	vadd.s32 s24, v0;
	v1 =	vadd.s32 s30, v1  }
0xe9: {  	[tilespmem:s28+$0x0] =	vst v1  }
0xea: {  	[tilespmem:s26+$0x0] =	vst v2  }
0xeb: {  	v1 =	vld [tilespmem:s19+$0x50];
	_ =	sdelay $0x4  }
0xec: {  	v2 =	vadd.s32 s21, v0;
	v1 =	vadd.s32 s30, v1  }
0xed: {  	[tilespmem:s28+$0x10] =	vst v1  }
0xee: {  	[tilespmem:s26+$0x10] =	vst v2  }
0xef: {  	v1 =	vld [tilespmem:s19+$0x60];
	_ =	sdelay $0x4  }
0xf0: {  	v2 =	vadd.s32 s20, v0;
	v1 =	vadd.s32 s30, v1  }
0xf1: {  	[tilespmem:s28+$0x20] =	vst v1  }
0xf2: {  	[tilespmem:s26+$0x20] =	vst v2  }
0xf3: {  	v1 =	vld [tilespmem:s19+$0x70]  }
.Ltmp0:
0xf4: {  	(pc) =	sbr.rel @p0 .LBB2_2-.Ltmp0, $3  }
0xf5: {  	_ =	sdelay $0x1  }
0xf6: {  	s1 =	sadd.s32 $0x80, s1;
	s21 =	smov.u32 s18;
	s19 =	sshll.u32 s0, $0x7  }
0xf7: {  	s20 =	sand.u32 $0x180, s1;
	s28 =	sadd.s32 $0x80, s28;
	s19 =	sand.u32 $0x3FFFFE00, s19;
	v2 =	vadd.s32 s30, v1;
	v1 =	vadd.s32 s31, v0  }
0xf8: {  	[tilespmem:s29+$0x30] =	vst v2  }
0xf9: {  	s1 =	sor.u32 s20, s19;
	[tilespmem:s17+$0x30] =	vst v1  }
0xfa: {  	v1 =	vld [tilespmem:s1+$0x0]  }
0xfb: {  	s21 =	sor.u32 s4, s20  }
0xfc: {  	s0 =	sshrl.u32 s0, $0x2;
	s17 =	smul.u32 $0x1A, s21  }
0xfd: {  	s18 =	smul.u32 $0x9C40, s0;
	_ =	sdelay $0x1  }
0xfe: {  	s0 =	sadd.s32 s0, s17;
	v1 =	vadd.s32 s18, v1  }
0xff: {  	s22 =	sadd.s32 $0x80, s26;
	v2 =	vadd.s32 s0, v0;
	[tilespmem:s28+$0xFFFFFFC0] =	vst v1  }
0x100: {  	[tilespmem:s22+$0xFFFFFFC0] =	vst v2  }
0x101: {  	v1 =	vld [tilespmem:s1+$0x10];
	_ =	sdelay $0x4  }
0x102: {  	s23 =	sadd.s32 $0x1A0, s0;
	v1 =	vadd.s32 s18, v1  }
0x103: {  	v2 =	vadd.s32 s23, v0;
	[tilespmem:s28+$0xFFFFFFD0] =	vst v1  }
0x104: {  	[tilespmem:s22+$0xFFFFFFD0] =	vst v2  }
0x105: {  	v1 =	vld [tilespmem:s1+$0x20];
	_ =	sdelay $0x4  }
0x106: {  	s24 =	sadd.s32 $0x340, s0;
	v1 =	vadd.s32 s18, v1  }
0x107: {  	v2 =	vadd.s32 s24, v0;
	[tilespmem:s28+$0xFFFFFFE0] =	vst v1  }
0x108: {  	[tilespmem:s22+$0xFFFFFFE0] =	vst v2  }
0x109: {  	v1 =	vld [tilespmem:s1+$0x30];
	_ =	sdelay $0x4  }
0x10a: {  	s25 =	sadd.s32 $0x4E0, s0;
	v1 =	vadd.s32 s18, v1  }
0x10b: {  	v2 =	vadd.s32 s25, v0;
	[tilespmem:s28+$0xFFFFFFF0] =	vst v1  }
0x10c: {  	[tilespmem:s22+$0xFFFFFFF0] =	vst v2  }
0x10d: {  	v1 =	vld [tilespmem:s1+$0x40];
	_ =	sdelay $0x4  }
0x10e: {  	s26 =	sadd.s32 $0x680, s0;
	v1 =	vadd.s32 s18, v1  }
0x10f: {  	v2 =	vadd.s32 s26, v0;
	[tilespmem:s28+$0x0] =	vst v1  }
0x110: {  	[tilespmem:s22+$0x0] =	vst v2  }
0x111: {  	v1 =	vld [tilespmem:s1+$0x50];
	_ =	sdelay $0x4  }
0x112: {  	s30 =	sadd.s32 $0x820, s0;
	v1 =	vadd.s32 s18, v1  }
0x113: {  	v2 =	vadd.s32 s30, v0;
	[tilespmem:s28+$0x10] =	vst v1  }
0x114: {  	[tilespmem:s22+$0x10] =	vst v2  }
0x115: {  	v1 =	vld [tilespmem:s1+$0x60];
	_ =	sdelay $0x4  }
0x116: {  	s31 =	sadd.s32 $0x9C0, s0;
	v1 =	vadd.s32 s18, v1  }
0x117: {  	v2 =	vadd.s32 s31, v0;
	[tilespmem:s28+$0x20] =	vst v1  }
0x118: {  	[tilespmem:s22+$0x20] =	vst v2  }
0x119: {  	v1 =	vld [tilespmem:s1+$0x70];
	_ =	sdelay $0x4  }
0x11a: {  	s0 =	sadd.s32 $0xB60, s0;
	v1 =	vadd.s32 s18, v1  }
0x11b: {  	p0 =	por $0x0, $0x0;
	v2 =	vadd.s32 s0, v0;
	[tilespmem:s28+$0x30] =	vst v1  }
0x11c: {  	s0 =	simm.s32 @p0 $0xA;
	[tilespmem:s22+$0x30] =	vst v2  }
0x11d: {  	_ =	swait.ge @p0 [sflag:s0], $0x1000  }
0x11e: {  	s17 =	simm.s32 @p0 $0x80;
	s1 =	simm.s32 @p0 $0x3400;
	[sflag:s0] =	ssyncset.done @p0 $0x0  }
0x11f: {  	s18 =	simm.s32 @p0 $0xB;
	[sflag:s0] =	ssyncadd.s32 @p0 $0xFFFFF000;
	s0 =	simm.s32 @p0 $0x9C00  }
0x120: {  	[tilespmem:s0], [sflag:$0x2] =	stream.indirect.gather @p0 [hbm4b:s5+s17], $0x20, s1, s17, $0xb8;
	[tilespmem:$0x11C00] =	vst v63  }
0x121: {  	_ =	swait.ge @p0 [sflag:s18], $0x1000  }
0x122: {  	s0 =	simm.s32 @p0 $0x3480;
	[sflag:s18] =	ssyncset.done @p0 $0x0  }
0x123: {  	s1 =	simm.s32 @p0 $0xAC00;
	[sflag:s18] =	ssyncadd.s32 @p0 $0xFFFFF000;
	s18 =	simm.s32 @p0 $0xC  }
0x124: {  	[tilespmem:s1], [sflag:$0x3] =	stream.indirect.gather @p0 [hbm4b:s5+s17], $0x20, s0, s17, $0xb8;
	[tilespmem:$0x11C00] =	vst v63  }
0x125: {  	_ =	swait.ge @p0 [sflag:s18], $0x1000  }
0x126: {  	s0 =	simm.s32 @p0 $0x3500;
	[sflag:s18] =	ssyncset.done @p0 $0x0  }
0x127: {  	s1 =	simm.s32 @p0 $0xBC00;
	[sflag:s18] =	ssyncadd.s32 @p0 $0xFFFFF000;
	s18 =	simm.s32 @p0 $0xD  }
0x128: {  	[tilespmem:s1], [sflag:$0x4] =	stream.indirect.gather @p0 [hbm4b:s5+s17], $0x20, s0, s17, $0xb8;
	[tilespmem:$0x11C00] =	vst v63  }
0x129: {  	_ =	swait.ge @p0 [sflag:s18], $0x1000  }
0x12a: {  	s0 =	simm.s32 @p0 $0x3580;
	[sflag:s18] =	ssyncset.done @p0 $0x0  }
0x12b: {  	s1 =	simm.s32 @p0 $0xCC00;
	[sflag:s18] =	ssyncadd.s32 @p0 $0xFFFFF000;
	s18 =	simm.s32 @p0 $0xE  }
0x12c: {  	[tilespmem:s1], [sflag:$0x5] =	stream.indirect.gather @p0 [hbm4b:s5+s17], $0x20, s0, s17, $0xb8;
	[tilespmem:$0x11C00] =	vst v63  }
0x12d: {  	_ =	swait.ge @p0 [sflag:s18], $0x1000  }
0x12e: {  	s0 =	simm.s32 @p0 $0x3600;
	[sflag:s18] =	ssyncset.done @p0 $0x0  }
0x12f: {  	s1 =	simm.s32 @p0 $0xDC00;
	[sflag:s18] =	ssyncadd.s32 @p0 $0xFFFFF000;
	s18 =	simm.s32 @p0 $0xF  }
0x130: {  	[tilespmem:s1], [sflag:$0x6] =	stream.indirect.gather @p0 [hbm4b:s5+s17], $0x20, s0, s17, $0xb8;
	[tilespmem:$0x11C00] =	vst v63  }
0x131: {  	_ =	swait.ge @p0 [sflag:s18], $0x1000  }
0x132: {  	s0 =	simm.s32 @p0 $0x3680;
	[sflag:s18] =	ssyncset.done @p0 $0x0  }
0x133: {  	s1 =	simm.s32 @p0 $0xEC00;
	[sflag:s18] =	ssyncadd.s32 @p0 $0xFFFFF000;
	s18 =	simm.s32 @p0 $0x10  }
0x134: {  	[tilespmem:s1], [sflag:$0x7] =	stream.indirect.gather @p0 [hbm4b:s5+s17], $0x20, s0, s17, $0xb8;
	[tilespmem:$0x11C00] =	vst v63  }
0x135: {  	_ =	swait.ge @p0 [sflag:s18], $0x1000  }
0x136: {  	s19 =	simm.s32 @p0 $0x11;
	[sflag:s18] =	ssyncset.done @p0 $0x0  }
0x137: {  	s0 =	simm.s32 $0x3700;
	s1 =	simm.s32 @p0 $0xFC00;
	[sflag:s18] =	ssyncadd.s32 @p0 $0xFFFFF000  }
0x138: {  	[tilespmem:s1], [sflag:$0x8] =	stream.indirect.gather @p0 [hbm4b:s5+s17], $0x20, s0, s17, $0xb8;
	[tilespmem:$0x11C00] =	vst v63  }
0x139: {  	_ =	swait.ge @p0 [sflag:s19], $0x1000  }
0x13a: {  	s1 =	simm.s32 @!p0 $0x80;
	[sflag:s19] =	ssyncset.done @p0 $0x0  }
0x13b: {  	s0 =	simm.s32 @!p0 $0x3400;
	s17 =	simm.s32 @!p0 $0x9C00;
	[sflag:s19] =	ssyncadd.s32 @p0 $0xFFFFF000  }
0x13c: {  	[tilespmem:s17], [sflag:$0x2] =	stream.indirect.gather @!p0 [hbm4b:s5+s1], $0x20, s0, s1, $0xb8;
	[tilespmem:$0x11C00] =	vst v63  }
0x13d: {  	s0 =	simm.s32 @!p0 $0x3480;
	s17 =	simm.s32 @!p0 $0xAC00  }
0x13e: {  	[tilespmem:s17], [sflag:$0x3] =	stream.indirect.gather @!p0 [hbm4b:s5+s1], $0x20, s0, s1, $0xb8;
	[tilespmem:$0x11C00] =	vst v63  }
0x13f: {  	s0 =	simm.s32 @!p0 $0x3500;
	s17 =	simm.s32 @!p0 $0xBC00  }
0x140: {  	[tilespmem:s17], [sflag:$0x4] =	stream.indirect.gather @!p0 [hbm4b:s5+s1], $0x20, s0, s1, $0xb8;
	[tilespmem:$0x11C00] =	vst v63  }
0x141: {  	s0 =	simm.s32 @!p0 $0x3580;
	s17 =	simm.s32 @!p0 $0xCC00  }
0x142: {  	[tilespmem:s17], [sflag:$0x5] =	stream.indirect.gather @!p0 [hbm4b:s5+s1], $0x20, s0, s1, $0xb8;
	[tilespmem:$0x11C00] =	vst v63  }
0x143: {  	s0 =	simm.s32 @!p0 $0x3600;
	s17 =	simm.s32 @!p0 $0xDC00  }
0x144: {  	[tilespmem:s17], [sflag:$0x6] =	stream.indirect.gather @!p0 [hbm4b:s5+s1], $0x20, s0, s1, $0xb8;
	[tilespmem:$0x11C00] =	vst v63  }
0x145: {  	s18 =	simm.s32 @!p0 $0xEC00;
	s0 =	simm.s32 @p0 $0x0;
	s17 =	simm.s32 @!p0 $0x3680  }
0x146: {  	[tilespmem:s18], [sflag:$0x7] =	stream.indirect.gather @!p0 [hbm4b:s5+s1], $0x20, s17, s1, $0xb8;
	[tilespmem:$0x11C00] =	vst v63  }
0x147: {  	s0 =	simm.s32 @!p0 $0x0;
	s17 =	simm.s32 @!p0 $0xFC00;
	s18 =	simm.s32 @!p0 $0x3700  }
0x148: {  	[tilespmem:s17], [sflag:$0x8] =	stream.indirect.gather @!p0 [hbm4b:s5+s1], $0x20, s18, s1, $0xb8;
	[tilespmem:$0x11C00] =	vst v63  }
0x149: {  	s20 =	sadd.s32 $0x3780, s0  }
0x14a: {  	[tilespmem:s8], [sflag:$0x9] =	stream.indirect.gather [hbm4b:s5+s7], $0x20, s20, s7, $0xb8;
	[tilespmem:$0x11C00] =	vst v63  }
0x14b: {  	_ =	swait.ge [sflag:s9], $0x1000  }
0x14c: {  	[sflag:s9] =	ssyncset.done $0x0  }
0x14d: {  	s22 =	sadd.s32 $0x6800, s0;
	s21 =	rddreg [dreg:$0x3];
	[sflag:s9] =	ssyncadd.s32 $0xFFFFF000  }
0x14e: {  	[hbm4b:s2+s7] =	stream.indirect.scatter [tilespmem:s21], [sflag:$0xA], $0x20, s22, s7, $0xb8;
	[tilespmem:$0x11C00] =	vst v63  }
0x14f: {  	s1 =	simm.s32 @p0 $0x80;
	_ =	swait.ge [sflag:s10], $0x1000  }
0x150: {  	s1 =	simm.s32 @!p0 $0x80;
	[sflag:s10] =	ssyncset.done $0x0  }
0x151: {  	s1 =	sadd.s32 $0x6800, s1;
	s23 =	rddreg [dreg:$0x4];
	[sflag:s10] =	ssyncadd.s32 $0xFFFFF000  }
0x152: {  	[hbm4b:s2+s7] =	stream.indirect.scatter [tilespmem:s23], [sflag:$0xB], $0x20, s1, s7, $0xb8;
	[tilespmem:$0x11C00] =	vst v63  }
0x153: {  	s1 =	simm.s32 @p0 $0x100;
	_ =	swait.ge [sflag:s11], $0x1000  }
0x154: {  	s1 =	simm.s32 @!p0 $0x100;
	[sflag:s11] =	ssyncset.done $0x0  }
0x155: {  	s24 =	rddreg [dreg:$0x5];
	s1 =	sadd.s32 $0x6800, s1;
	[sflag:s11] =	ssyncadd.s32 $0xFFFFF000  }
0x156: {  	[hbm4b:s2+s7] =	stream.indirect.scatter [tilespmem:s24], [sflag:$0xC], $0x20, s1, s7, $0xb8;
	[tilespmem:$0x11C00] =	vst v63  }
0x157: {  	s1 =	simm.s32 @p0 $0x180;
	_ =	swait.ge [sflag:s12], $0x1000  }
0x158: {  	s1 =	simm.s32 @!p0 $0x180;
	[sflag:s12] =	ssyncset.done $0x0  }
0x159: {  	s25 =	rddreg [dreg:$0x6];
	s1 =	sadd.s32 $0x6800, s1;
	[sflag:s12] =	ssyncadd.s32 $0xFFFFF000  }
0x15a: {  	[hbm4b:s2+s7] =	stream.indirect.scatter [tilespmem:s25], [sflag:$0xD], $0x20, s1, s7, $0xb8;
	[tilespmem:$0x11C00] =	vst v63  }
0x15b: {  	s1 =	simm.s32 @p0 $0x200;
	_ =	swait.ge [sflag:s13], $0x1000  }
0x15c: {  	s1 =	simm.s32 @!p0 $0x200;
	[sflag:s13] =	ssyncset.done $0x0  }
0x15d: {  	s26 =	rddreg [dreg:$0x7];
	s1 =	sadd.s32 $0x6800, s1;
	[sflag:s13] =	ssyncadd.s32 $0xFFFFF000  }
0x15e: {  	[hbm4b:s2+s7] =	stream.indirect.scatter [tilespmem:s26], [sflag:$0xE], $0x20, s1, s7, $0xb8;
	[tilespmem:$0x11C00] =	vst v63  }
0x15f: {  	s1 =	simm.s32 @p0 $0x280;
	_ =	swait.ge [sflag:s14], $0x1000  }
0x160: {  	s1 =	simm.s32 @!p0 $0x280;
	[sflag:s14] =	ssyncset.done $0x0  }
0x161: {  	s30 =	rddreg [dreg:$0x8];
	s1 =	sadd.s32 $0x6800, s1;
	[sflag:s14] =	ssyncadd.s32 $0xFFFFF000  }
0x162: {  	[hbm4b:s2+s7] =	stream.indirect.scatter [tilespmem:s30], [sflag:$0xF], $0x20, s1, s7, $0xb8;
	[tilespmem:$0x11C00] =	vst v63  }
0x163: {  	s29 =	simm.s32 $0xB00;
	s1 =	simm.s32 $0x300;
	_ =	swait.ge [sflag:s15], $0x1000  }
0x164: {  	s28 =	simm.s32 $0x3B00;
	s1 =	simm.s32 @!p0 $0x300;
	[sflag:s15] =	ssyncset.done $0x0  }
0x165: {  	s31 =	rddreg [dreg:$0x9];
	s1 =	sadd.s32 $0x6800, s1;
	[sflag:s15] =	ssyncadd.s32 $0xFFFFF000  }
0x166: {  	[hbm4b:s2+s7] =	stream.indirect.scatter [tilespmem:s31], [sflag:$0x10], $0x20, s1, s7, $0xb8;
	[tilespmem:$0x11C00] =	vst v63  }
0x167: {  	s26 =	simm.s32 $0x700;
	p0 =	por $0x1, $0x1;
	s1 =	sadd.s32 $0x6B80, s0  }
.LBB2_4:
0x168: {  	_ =	swait.ge [sflag:s16], $0x1000  }
0x169: {  	[sflag:s16] =	ssyncset.done $0x0  }
0x16a: {  	s17 =	simm.s32 @p0 $0xA;
	[sflag:s16] =	ssyncadd.s32 $0xFFFFF000  }
0x16b: {  	[hbm4b:s2+s7] =	stream.indirect.scatter [tilespmem:s8], [sflag:$0x11], $0x20, s1, s7, $0xb8;
	[tilespmem:$0x11C00] =	vst v63  }
0x16c: {  	_ =	swait.ge @p0 [sflag:s17], $0x1000  }
0x16d: {  	s18 =	sadd.s32 @p0 $0xFFFFFD00, s28;
	s20 =	simm.s32 @p0 $0x80;
	[sflag:s17] =	ssyncset.done @p0 $0x0  }
0x16e: {  	s21 =	simm.s32 @p0 $0xB;
	[sflag:s17] =	ssyncadd.s32 @p0 $0xFFFFF000;
	s17 =	simm.s32 @p0 $0x9C00  }
0x16f: {  	[tilespmem:s17], [sflag:$0x2] =	stream.indirect.gather @p0 [hbm4b:s5+s20], $0x20, s18, s20, $0xb8;
	[tilespmem:$0x11C00] =	vst v63  }
0x170: {  	_ =	swait.ge @p0 [sflag:s21], $0x1000  }
0x171: {  	s22 =	simm.s32 @p0 $0xAC00;
	[sflag:s21] =	ssyncset.done @p0 $0x0  }
0x172: {  	s18 =	sadd.s32 @p0 $0xFFFFFD80, s28;
	[sflag:s21] =	ssyncadd.s32 @p0 $0xFFFFF000;
	s21 =	simm.s32 @p0 $0xC  }
0x173: {  	[tilespmem:s22], [sflag:$0x3] =	stream.indirect.gather @p0 [hbm4b:s5+s20], $0x20, s18, s20, $0xb8;
	[tilespmem:$0x11C00] =	vst v63  }
0x174: {  	_ =	swait.ge @p0 [sflag:s21], $0x1000  }
0x175: {  	s23 =	simm.s32 @p0 $0xBC00;
	[sflag:s21] =	ssyncset.done @p0 $0x0  }
0x176: {  	s22 =	sadd.s32 @p0 $0xFFFFFE00, s28;
	[sflag:s21] =	ssyncadd.s32 @p0 $0xFFFFF000;
	s21 =	simm.s32 @p0 $0xD  }
0x177: {  	[tilespmem:s23], [sflag:$0x4] =	stream.indirect.gather @p0 [hbm4b:s5+s20], $0x20, s22, s20, $0xb8;
	[tilespmem:$0x11C00] =	vst v63  }
0x178: {  	_ =	swait.ge @p0 [sflag:s21], $0x1000  }
0x179: {  	s22 =	sadd.s32 @p0 $0xFFFFFE80, s28;
	[sflag:s21] =	ssyncset.done @p0 $0x0  }
0x17a: {  	s23 =	simm.s32 @p0 $0xCC00;
	[sflag:s21] =	ssyncadd.s32 @p0 $0xFFFFF000;
	s21 =	simm.s32 @p0 $0xE  }
0x17b: {  	[tilespmem:s23], [sflag:$0x5] =	stream.indirect.gather @p0 [hbm4b:s5+s20], $0x20, s22, s20, $0xb8;
	[tilespmem:$0x11C00] =	vst v63  }
0x17c: {  	_ =	swait.ge @p0 [sflag:s21], $0x1000  }
0x17d: {  	s22 =	sadd.s32 @p0 $0xFFFFFF00, s28;
	[sflag:s21] =	ssyncset.done @p0 $0x0  }
0x17e: {  	s23 =	simm.s32 @p0 $0xDC00;
	[sflag:s21] =	ssyncadd.s32 @p0 $0xFFFFF000;
	s21 =	simm.s32 @p0 $0xF  }
0x17f: {  	[tilespmem:s23], [sflag:$0x6] =	stream.indirect.gather @p0 [hbm4b:s5+s20], $0x20, s22, s20, $0xb8;
	[tilespmem:$0x11C00] =	vst v63  }
0x180: {  	_ =	swait.ge @p0 [sflag:s21], $0x1000  }
0x181: {  	s22 =	sadd.s32 @p0 $0xFFFFFF80, s28;
	[sflag:s21] =	ssyncset.done @p0 $0x0  }
0x182: {  	s23 =	simm.s32 @p0 $0xEC00;
	[sflag:s21] =	ssyncadd.s32 @p0 $0xFFFFF000;
	s21 =	simm.s32 @p0 $0x10  }
0x183: {  	[tilespmem:s23], [sflag:$0x7] =	stream.indirect.gather @p0 [hbm4b:s5+s20], $0x20, s22, s20, $0xb8;
	[tilespmem:$0x11C00] =	vst v63  }
0x184: {  	_ =	swait.ge @p0 [sflag:s21], $0x1000  }
0x185: {  	[sflag:s21] =	ssyncset.done @p0 $0x0  }
0x186: {  	s22 =	simm.s32 @p0 $0xFC00;
	s23 =	simm.s32 @p0 $0x11;
	[sflag:s21] =	ssyncadd.s32 @p0 $0xFFFFF000  }
0x187: {  	[tilespmem:s22], [sflag:$0x8] =	stream.indirect.gather @p0 [hbm4b:s5+s20], $0x20, s28, s20, $0xb8;
	[tilespmem:$0x11C00] =	vst v63  }
0x188: {  	_ =	swait.ge @p0 [sflag:s23], $0x1000  }
0x189: {  	s21 =	simm.s32 @!p0 $0x3400;
	[sflag:s23] =	ssyncset.done @p0 $0x0  }
0x18a: {  	s20 =	simm.s32 @!p0 $0x80;
	s22 =	simm.s32 @!p0 $0x9C00;
	[sflag:s23] =	ssyncadd.s32 @p0 $0xFFFFF000  }
0x18b: {  	[tilespmem:s22], [sflag:$0x2] =	stream.indirect.gather @!p0 [hbm4b:s5+s20], $0x20, s21, s20, $0xb8;
	[tilespmem:$0x11C00] =	vst v63  }
0x18c: {  	s21 =	simm.s32 @!p0 $0x3480;
	s22 =	simm.s32 @!p0 $0xAC00  }
0x18d: {  	[tilespmem:s22], [sflag:$0x3] =	stream.indirect.gather @!p0 [hbm4b:s5+s20], $0x20, s21, s20, $0xb8;
	[tilespmem:$0x11C00] =	vst v63  }
0x18e: {  	s21 =	simm.s32 @!p0 $0x3500;
	s22 =	simm.s32 @!p0 $0xBC00  }
0x18f: {  	[tilespmem:s22], [sflag:$0x4] =	stream.indirect.gather @!p0 [hbm4b:s5+s20], $0x20, s21, s20, $0xb8;
	[tilespmem:$0x11C00] =	vst v63  }
0x190: {  	s21 =	simm.s32 @!p0 $0x3580;
	s22 =	simm.s32 @!p0 $0xCC00  }
0x191: {  	[tilespmem:s22], [sflag:$0x5] =	stream.indirect.gather @!p0 [hbm4b:s5+s20], $0x20, s21, s20, $0xb8;
	[tilespmem:$0x11C00] =	vst v63  }
0x192: {  	s21 =	simm.s32 @!p0 $0x3600;
	s22 =	simm.s32 @!p0 $0xDC00  }
0x193: {  	[tilespmem:s22], [sflag:$0x6] =	stream.indirect.gather @!p0 [hbm4b:s5+s20], $0x20, s21, s20, $0xb8;
	[tilespmem:$0x11C00] =	vst v63  }
0x194: {  	s30 =	sadd.s32 @p0 $0xFFFFFD00, s26;
	s21 =	simm.s32 @!p0 $0x3680;
	s22 =	simm.s32 @!p0 $0xEC00  }
0x195: {  	[tilespmem:s22], [sflag:$0x7] =	stream.indirect.gather @!p0 [hbm4b:s5+s20], $0x20, s21, s20, $0xb8;
	[tilespmem:$0x11C00] =	vst v63  }
0x196: {  	s30 =	simm.s32 @!p0 $0x0;
	s23 =	simm.s32 @!p0 $0xFC00;
	s21 =	simm.s32 @!p0 $0x3700  }
0x197: {  	[tilespmem:s23], [sflag:$0x8] =	stream.indirect.gather @!p0 [hbm4b:s5+s20], $0x20, s21, s20, $0xb8;
	[tilespmem:$0x11C00] =	vst v63  }
0x198: {  	s21 =	sadd.s32 $0x3780, s30  }
0x199: {  	[tilespmem:s8], [sflag:$0x9] =	stream.indirect.gather [hbm4b:s5+s7], $0x20, s21, s7, $0xb8;
	[tilespmem:$0x11C00] =	vst v63  }
0x19a: {  	_ =	swait.ge [sflag:s9], $0x1000  }
0x19b: {  	[sflag:s9] =	ssyncset.done $0x0  }
0x19c: {  	s23 =	sadd.s32 $0x6800, s30;
	s22 =	rddreg [dreg:$0x3];
	[sflag:s9] =	ssyncadd.s32 $0xFFFFF000  }
0x19d: {  	[hbm4b:s2+s7] =	stream.indirect.scatter [tilespmem:s22], [sflag:$0xA], $0x20, s23, s7, $0xb8;
	[tilespmem:$0x11C00] =	vst v63  }
0x19e: {  	s19 =	sadd.s32 @p0 $0xFFFFFD80, s26;
	_ =	swait.ge [sflag:s10], $0x1000  }
0x19f: {  	s19 =	simm.s32 @!p0 $0x80;
	[sflag:s10] =	ssyncset.done $0x0  }
0x1a0: {  	s19 =	sadd.s32 $0x6800, s19;
	s24 =	rddreg [dreg:$0x4];
	[sflag:s10] =	ssyncadd.s32 $0xFFFFF000  }
0x1a1: {  	[hbm4b:s2+s7] =	stream.indirect.scatter [tilespmem:s24], [sflag:$0xB], $0x20, s19, s7, $0xb8;
	[tilespmem:$0x11C00] =	vst v63  }
0x1a2: {  	s0 =	sadd.s32 @p0 $0xFFFFFE00, s26;
	_ =	swait.ge [sflag:s11], $0x1000  }
0x1a3: {  	s0 =	simm.s32 @!p0 $0x100;
	[sflag:s11] =	ssyncset.done $0x0  }
0x1a4: {  	s0 =	sadd.s32 $0x6800, s0;
	s25 =	rddreg [dreg:$0x5];
	[sflag:s11] =	ssyncadd.s32 $0xFFFFF000  }
0x1a5: {  	[hbm4b:s2+s7] =	stream.indirect.scatter [tilespmem:s25], [sflag:$0xC], $0x20, s0, s7, $0xb8;
	[tilespmem:$0x11C00] =	vst v63  }
0x1a6: {  	s1 =	sadd.s32 @p0 $0xFFFFFE80, s26;
	_ =	swait.ge [sflag:s12], $0x1000  }
0x1a7: {  	s1 =	simm.s32 @!p0 $0x180;
	[sflag:s12] =	ssyncset.done $0x0  }
0x1a8: {  	s1 =	sadd.s32 $0x6800, s1;
	s20 =	rddreg [dreg:$0x6];
	[sflag:s12] =	ssyncadd.s32 $0xFFFFF000  }
0x1a9: {  	[hbm4b:s2+s7] =	stream.indirect.scatter [tilespmem:s20], [sflag:$0xD], $0x20, s1, s7, $0xb8;
	[tilespmem:$0x11C00] =	vst v63  }
0x1aa: {  	s31 =	smov.u32 s26;
	s17 =	sadd.s32 @p0 $0xFFFFFF00, s26;
	_ =	swait.ge [sflag:s13], $0x1000  }
0x1ab: {  	s17 =	simm.s32 @!p0 $0x200;
	s18 =	sadd.s32 @p0 $0xFFFFFF80, s26;
	[sflag:s13] =	ssyncset.done $0x0  }
0x1ac: {  	s22 =	sadd.s32 $0x6800, s17;
	s21 =	rddreg [dreg:$0x7];
	[sflag:s13] =	ssyncadd.s32 $0xFFFFF000  }
0x1ad: {  	[hbm4b:s2+s7] =	stream.indirect.scatter [tilespmem:s21], [sflag:$0xE], $0x20, s22, s7, $0xb8;
	[tilespmem:$0x11C00] =	vst v63  }
0x1ae: {  	s26 =	smov.u32 s29;
	s29 =	sadd.s32 $0x400, s29;
	_ =	swait.ge [sflag:s14], $0x1000  }
0x1af: {  	s18 =	simm.s32 @!p0 $0x280;
	p1 =	sne.s32 s29, $0x3700;
	[sflag:s14] =	ssyncset.done $0x0  }
0x1b0: {  	s24 =	sadd.s32 $0x6800, s18;
	s23 =	rddreg [dreg:$0x8];
	[sflag:s14] =	ssyncadd.s32 $0xFFFFF000  }
0x1b1: {  	[hbm4b:s2+s7] =	stream.indirect.scatter [tilespmem:s23], [sflag:$0xF], $0x20, s24, s7, $0xb8;
	[tilespmem:$0x11C00] =	vst v63  }
.Ltmp1:
0x1b2: {  	s31 =	simm.s32 @!p0 $0x300;
	(pc) =	sbr.rel @p1 .LBB2_4-.Ltmp1, $4  }
0x1b3: {  	s31 =	sadd.s32 $0x6800, s31;
	_ =	swait.ge [sflag:s15], $0x1000  }
0x1b4: {  	s28 =	sadd.s32 $0x400, s28;
	p0 =	sne.s32 s26, $0x300;
	[sflag:s15] =	ssyncset.done $0x0  }
0x1b5: {  	s1 =	sadd.s32 $0x6B80, s30;
	s25 =	rddreg [dreg:$0x9];
	[sflag:s15] =	ssyncadd.s32 $0xFFFFF000  }
0x1b6: {  	[hbm4b:s2+s7] =	stream.indirect.scatter [tilespmem:s25], [sflag:$0x10], $0x20, s31, s7, $0xb8;
	[tilespmem:$0x11C00] =	vst v63  }
0x1b7: {  	_ =	swait.ge [sflag:s16], $0x1000  }
0x1b8: {  	[sflag:s16] =	ssyncset.done $0x0  }
0x1b9: {  	s0 =	simm.s32 @p0 $0xA;
	[sflag:s16] =	ssyncadd.s32 $0xFFFFF000  }
0x1ba: {  	[hbm4b:s2+s7] =	stream.indirect.scatter [tilespmem:s8], [sflag:$0x11], $0x20, s1, s7, $0xb8;
	[tilespmem:$0x11C00] =	vst v63  }
0x1bb: {  	_ =	swait.ge @p0 [sflag:s0], $0x1000  }
0x1bc: {  	s17 =	simm.s32 @p0 $0x80;
	[sflag:s0] =	ssyncset.done @p0 $0x0  }
0x1bd: {  	s1 =	sadd.s32 @p0 $0xFFFFFD00, s28;
	[sflag:s0] =	ssyncadd.s32 @p0 $0xFFFFF000;
	s0 =	simm.s32 @p0 $0x9C00  }
0x1be: {  	[tilespmem:s0], [sflag:$0x2] =	stream.indirect.gather @p0 [hbm4b:s5+s17], $0x20, s1, s17, $0xb8;
	[tilespmem:$0x11C00] =	vst v63  }
0x1bf: {  	s0 =	simm.s32 @p0 $0xB  }
0x1c0: {  	_ =	swait.ge @p0 [sflag:s0], $0x1000  }
0x1c1: {  	[sflag:s0] =	ssyncset.done @p0 $0x0  }
0x1c2: {  	s1 =	sadd.s32 @p0 $0xFFFFFD80, s28;
	[sflag:s0] =	ssyncadd.s32 @p0 $0xFFFFF000;
	s0 =	simm.s32 @p0 $0xAC00  }
0x1c3: {  	[tilespmem:s0], [sflag:$0x3] =	stream.indirect.gather @p0 [hbm4b:s5+s17], $0x20, s1, s17, $0xb8;
	[tilespmem:$0x11C00] =	vst v63  }
0x1c4: {  	s0 =	simm.s32 @p0 $0xC  }
0x1c5: {  	_ =	swait.ge @p0 [sflag:s0], $0x1000  }
0x1c6: {  	[sflag:s0] =	ssyncset.done @p0 $0x0  }
0x1c7: {  	s1 =	sadd.s32 @p0 $0xFFFFFE00, s28;
	[sflag:s0] =	ssyncadd.s32 @p0 $0xFFFFF000;
	s0 =	simm.s32 @p0 $0xBC00  }
0x1c8: {  	[tilespmem:s0], [sflag:$0x4] =	stream.indirect.gather @p0 [hbm4b:s5+s17], $0x20, s1, s17, $0xb8;
	[tilespmem:$0x11C00] =	vst v63  }
0x1c9: {  	s0 =	simm.s32 @p0 $0xD  }
0x1ca: {  	_ =	swait.ge @p0 [sflag:s0], $0x1000  }
0x1cb: {  	[sflag:s0] =	ssyncset.done @p0 $0x0  }
0x1cc: {  	s1 =	sadd.s32 @p0 $0xFFFFFE80, s28;
	[sflag:s0] =	ssyncadd.s32 @p0 $0xFFFFF000;
	s0 =	simm.s32 @p0 $0xCC00  }
0x1cd: {  	[tilespmem:s0], [sflag:$0x5] =	stream.indirect.gather @p0 [hbm4b:s5+s17], $0x20, s1, s17, $0xb8;
	[tilespmem:$0x11C00] =	vst v63  }
0x1ce: {  	s0 =	simm.s32 @p0 $0xE  }
0x1cf: {  	_ =	swait.ge @p0 [sflag:s0], $0x1000  }
0x1d0: {  	[sflag:s0] =	ssyncset.done @p0 $0x0  }
0x1d1: {  	s1 =	sadd.s32 @p0 $0xFFFFFF00, s28;
	[sflag:s0] =	ssyncadd.s32 @p0 $0xFFFFF000;
	s0 =	simm.s32 @p0 $0xDC00  }
0x1d2: {  	[tilespmem:s0], [sflag:$0x6] =	stream.indirect.gather @p0 [hbm4b:s5+s17], $0x20, s1, s17, $0xb8;
	[tilespmem:$0x11C00] =	vst v63  }
0x1d3: {  	s0 =	simm.s32 @p0 $0xF  }
0x1d4: {  	_ =	swait.ge @p0 [sflag:s0], $0x1000  }
0x1d5: {  	[sflag:s0] =	ssyncset.done @p0 $0x0  }
0x1d6: {  	s1 =	sadd.s32 @p0 $0xFFFFFF80, s28;
	[sflag:s0] =	ssyncadd.s32 @p0 $0xFFFFF000;
	s0 =	simm.s32 @p0 $0xEC00  }
0x1d7: {  	[tilespmem:s0], [sflag:$0x7] =	stream.indirect.gather @p0 [hbm4b:s5+s17], $0x20, s1, s17, $0xb8;
	[tilespmem:$0x11C00] =	vst v63  }
0x1d8: {  	s0 =	simm.s32 @p0 $0x10  }
0x1d9: {  	_ =	swait.ge @p0 [sflag:s0], $0x1000  }
0x1da: {  	[sflag:s0] =	ssyncset.done @p0 $0x0  }
0x1db: {  	[sflag:s0] =	ssyncadd.s32 @p0 $0xFFFFF000;
	s0 =	simm.s32 @p0 $0xFC00  }
0x1dc: {  	[tilespmem:s0], [sflag:$0x8] =	stream.indirect.gather @p0 [hbm4b:s5+s17], $0x20, s28, s17, $0xb8;
	[tilespmem:$0x11C00] =	vst v63  }
0x1dd: {  	s0 =	simm.s32 @p0 $0x11  }
0x1de: {  	_ =	swait.ge @p0 [sflag:s0], $0x1000  }
0x1df: {  	s1 =	simm.s32 @!p0 $0x80;
	[sflag:s0] =	ssyncset.done @p0 $0x0  }
0x1e0: {  	s17 =	simm.s32 @!p0 $0x3400;
	[sflag:s0] =	ssyncadd.s32 @p0 $0xFFFFF000;
	s0 =	simm.s32 @!p0 $0x9C00  }
0x1e1: {  	[tilespmem:s0], [sflag:$0x2] =	stream.indirect.gather @!p0 [hbm4b:s5+s1], $0x20, s17, s1, $0xb8;
	[tilespmem:$0x11C00] =	vst v63  }
0x1e2: {  	s0 =	simm.s32 @!p0 $0x3480;
	s17 =	simm.s32 @!p0 $0xAC00  }
0x1e3: {  	[tilespmem:s17], [sflag:$0x3] =	stream.indirect.gather @!p0 [hbm4b:s5+s1], $0x20, s0, s1, $0xb8;
	[tilespmem:$0x11C00] =	vst v63  }
0x1e4: {  	s0 =	simm.s32 @!p0 $0x3500;
	s17 =	simm.s32 @!p0 $0xBC00  }
0x1e5: {  	[tilespmem:s17], [sflag:$0x4] =	stream.indirect.gather @!p0 [hbm4b:s5+s1], $0x20, s0, s1, $0xb8;
	[tilespmem:$0x11C00] =	vst v63  }
0x1e6: {  	s0 =	simm.s32 @!p0 $0x3580;
	s17 =	simm.s32 @!p0 $0xCC00  }
0x1e7: {  	[tilespmem:s17], [sflag:$0x5] =	stream.indirect.gather @!p0 [hbm4b:s5+s1], $0x20, s0, s1, $0xb8;
	[tilespmem:$0x11C00] =	vst v63  }
0x1e8: {  	s0 =	simm.s32 @!p0 $0x3600;
	s17 =	simm.s32 @!p0 $0xDC00  }
0x1e9: {  	[tilespmem:s17], [sflag:$0x6] =	stream.indirect.gather @!p0 [hbm4b:s5+s1], $0x20, s0, s1, $0xb8;
	[tilespmem:$0x11C00] =	vst v63  }
0x1ea: {  	s0 =	simm.s32 @!p0 $0x3680;
	s17 =	simm.s32 @!p0 $0xEC00  }
0x1eb: {  	[tilespmem:s17], [sflag:$0x7] =	stream.indirect.gather @!p0 [hbm4b:s5+s1], $0x20, s0, s1, $0xb8;
	[tilespmem:$0x11C00] =	vst v63  }
0x1ec: {  	s0 =	simm.s32 @!p0 $0xFC00;
	s17 =	simm.s32 @!p0 $0x3700  }
0x1ed: {  	[tilespmem:s0], [sflag:$0x8] =	stream.indirect.gather @!p0 [hbm4b:s5+s1], $0x20, s17, s1, $0xb8;
	[tilespmem:$0x11C00] =	vst v63  }
0x1ee: {  	s0 =	sadd.s32 @p0 $0xFFFFFD00, s26  }
0x1ef: {  	s0 =	simm.s32 @!p0 $0x0  }
0x1f0: {  	s23 =	sadd.s32 $0x3780, s0  }
0x1f1: {  	[tilespmem:s8], [sflag:$0x9] =	stream.indirect.gather [hbm4b:s5+s7], $0x20, s23, s7, $0xb8;
	[tilespmem:$0x11C00] =	vst v63  }
0x1f2: {  	_ =	swait.ge [sflag:s9], $0x1000  }
0x1f3: {  	[sflag:s9] =	ssyncset.done $0x0  }
0x1f4: {  	s25 =	sadd.s32 $0x6800, s0;
	s24 =	rddreg [dreg:$0x3];
	[sflag:s9] =	ssyncadd.s32 $0xFFFFF000  }
0x1f5: {  	[hbm4b:s2+s7] =	stream.indirect.scatter [tilespmem:s24], [sflag:$0xA], $0x20, s25, s7, $0xb8;
	[tilespmem:$0x11C00] =	vst v63  }
0x1f6: {  	s1 =	sadd.s32 @p0 $0xFFFFFD80, s26;
	_ =	swait.ge [sflag:s10], $0x1000  }
0x1f7: {  	s1 =	simm.s32 @!p0 $0x80;
	[sflag:s10] =	ssyncset.done $0x0  }
0x1f8: {  	s1 =	sadd.s32 $0x6800, s1;
	s28 =	rddreg [dreg:$0x4];
	[sflag:s10] =	ssyncadd.s32 $0xFFFFF000  }
0x1f9: {  	[hbm4b:s2+s7] =	stream.indirect.scatter [tilespmem:s28], [sflag:$0xB], $0x20, s1, s7, $0xb8;
	[tilespmem:$0x11C00] =	vst v63  }
0x1fa: {  	s1 =	sadd.s32 @p0 $0xFFFFFE00, s26;
	_ =	swait.ge [sflag:s11], $0x1000  }
0x1fb: {  	s1 =	simm.s32 @!p0 $0x100;
	[sflag:s11] =	ssyncset.done $0x0  }
0x1fc: {  	s29 =	rddreg [dreg:$0x5];
	s1 =	sadd.s32 $0x6800, s1;
	[sflag:s11] =	ssyncadd.s32 $0xFFFFF000  }
0x1fd: {  	[hbm4b:s2+s7] =	stream.indirect.scatter [tilespmem:s29], [sflag:$0xC], $0x20, s1, s7, $0xb8;
	[tilespmem:$0x11C00] =	vst v63  }
0x1fe: {  	s1 =	sadd.s32 @p0 $0xFFFFFE80, s26;
	_ =	swait.ge [sflag:s12], $0x1000  }
0x1ff: {  	s1 =	simm.s32 @!p0 $0x180;
	[sflag:s12] =	ssyncset.done $0x0  }
0x200: {  	s30 =	rddreg [dreg:$0x6];
	s1 =	sadd.s32 $0x6800, s1;
	[sflag:s12] =	ssyncadd.s32 $0xFFFFF000  }
0x201: {  	[hbm4b:s2+s7] =	stream.indirect.scatter [tilespmem:s30], [sflag:$0xD], $0x20, s1, s7, $0xb8;
	[tilespmem:$0x11C00] =	vst v63  }
0x202: {  	s1 =	sadd.s32 @p0 $0xFFFFFF00, s26;
	_ =	swait.ge [sflag:s13], $0x1000  }
0x203: {  	s1 =	simm.s32 @!p0 $0x200;
	[sflag:s13] =	ssyncset.done $0x0  }
0x204: {  	s31 =	rddreg [dreg:$0x7];
	s1 =	sadd.s32 $0x6800, s1;
	[sflag:s13] =	ssyncadd.s32 $0xFFFFF000  }
0x205: {  	[hbm4b:s2+s7] =	stream.indirect.scatter [tilespmem:s31], [sflag:$0xE], $0x20, s1, s7, $0xb8;
	[tilespmem:$0x11C00] =	vst v63  }
0x206: {  	s1 =	sadd.s32 @p0 $0xFFFFFF80, s26;
	_ =	swait.ge [sflag:s14], $0x1000  }
0x207: {  	s1 =	simm.s32 @!p0 $0x280;
	[sflag:s14] =	ssyncset.done $0x0  }
0x208: {  	s18 =	rddreg [dreg:$0x8];
	s1 =	sadd.s32 $0x6800, s1;
	[sflag:s14] =	ssyncadd.s32 $0xFFFFF000  }
0x209: {  	[hbm4b:s2+s7] =	stream.indirect.scatter [tilespmem:s18], [sflag:$0xF], $0x20, s1, s7, $0xb8;
	[tilespmem:$0x11C00] =	vst v63  }
0x20a: {  	_ =	swait.ge [sflag:s15], $0x1000  }
0x20b: {  	s26 =	simm.s32 @!p0 $0x300;
	[sflag:s15] =	ssyncset.done $0x0  }
0x20c: {  	s20 =	sadd.s32 $0x6800, s26;
	s19 =	rddreg [dreg:$0x9];
	[sflag:s15] =	ssyncadd.s32 $0xFFFFF000  }
0x20d: {  	[hbm4b:s2+s7] =	stream.indirect.scatter [tilespmem:s19], [sflag:$0x10], $0x20, s20, s7, $0xb8;
	[tilespmem:$0x11C00] =	vst v63  }
0x20e: {  	_ =	swait.ge [sflag:s16], $0x1000  }
0x20f: {  	[sflag:s16] =	ssyncset.done $0x0  }
0x210: {  	s21 =	simm.s32 $0xA;
	s0 =	sadd.s32 $0x6B80, s0;
	[sflag:s16] =	ssyncadd.s32 $0xFFFFF000  }
0x211: {  	[hbm4b:s2+s7] =	stream.indirect.scatter [tilespmem:s8], [sflag:$0x11], $0x20, s0, s7, $0xb8;
	[tilespmem:$0x11C00] =	vst v63  }
0x212: {  	_ =	swait.ge [sflag:s21], $0x1000  }
0x213: {  	[sflag:s21] =	ssyncset.done $0x0  }
0x214: {  	s22 =	simm.s32 $0xB;
	[sflag:s21] =	ssyncadd.s32 $0xFFFFF000  }
0x215: {  	_ =	swait.ge [sflag:s22], $0x1000  }
0x216: {  	[sflag:s22] =	ssyncset.done $0x0  }
0x217: {  	s23 =	simm.s32 $0xC;
	[sflag:s22] =	ssyncadd.s32 $0xFFFFF000  }
0x218: {  	_ =	swait.ge [sflag:s23], $0x1000  }
0x219: {  	[sflag:s23] =	ssyncset.done $0x0  }
0x21a: {  	s24 =	simm.s32 $0xD;
	[sflag:s23] =	ssyncadd.s32 $0xFFFFF000  }
0x21b: {  	_ =	swait.ge [sflag:s24], $0x1000  }
0x21c: {  	[sflag:s24] =	ssyncset.done $0x0  }
0x21d: {  	s25 =	simm.s32 $0xE;
	[sflag:s24] =	ssyncadd.s32 $0xFFFFF000  }
0x21e: {  	_ =	swait.ge [sflag:s25], $0x1000  }
0x21f: {  	[sflag:s25] =	ssyncset.done $0x0  }
0x220: {  	s26 =	simm.s32 $0xF;
	[sflag:s25] =	ssyncadd.s32 $0xFFFFF000  }
0x221: {  	_ =	swait.ge [sflag:s26], $0x1000  }
0x222: {  	[sflag:s26] =	ssyncset.done $0x0  }
0x223: {  	s28 =	simm.s32 $0x10;
	[sflag:s26] =	ssyncadd.s32 $0xFFFFF000  }
0x224: {  	_ =	swait.ge [sflag:s28], $0x1000  }
0x225: {  	[sflag:s28] =	ssyncset.done $0x0  }
0x226: {  	s29 =	simm.s32 $0x11;
	[sflag:s28] =	ssyncadd.s32 $0xFFFFF000  }
0x227: {  	_ =	swait.ge [sflag:s29], $0x1000  }
0x228: {  	s30 =	sld [smem:$0x7F8]  }
0x229: {  	s31 =	sld [smem:$0x7FD];
	_ =	sdelay $0x1  }
0x22a: {  	s17 =	sadd.s32 $0x1, s30  }
0x22b: {  	p0 =	sne.s32 s17, s31  }
.Ltmp2:
0x22c: {  	_ = 	snop;
	(pc) =	sbr.rel @p0 .LBB2_1-.Ltmp2, $3  }
0x22d: {  	_ =	sdelay $0x1  }
0x22e: {  	[sflag:s29] =	ssyncset.done $0x0  }
0x22f: {  	[sflag:s29] =	ssyncadd.s32 $0xFFFFF000  }
0x230: {  	_ =	sfence.sel $0x180000  }
0x231: {  	[bflag:$0x0] =	sbarrier.arrive $0xFFFF  }
0x232: {  	_ =	strace $0x90000047  }
0x233: {  	s0 =	stileid.u32;
	[bflag:$0x2] =	sbarrier.arrive $0xFFFF  }
0x234: {  	p0 =	sne.s32 s0, $0x0;
	s0 =	rddreg [dreg:$0x2]  }
0x235: {  	s0 =	sadd.s32 @!p0 $0x100000, s0  }
0x236: {  	[sflag:s0] =	ssyncadd.tile.s32 @!p0 $0x1;
	_ =	shalt  }
.Lfunc_end2:
_tile_overlayer_lowered:
.L_overlay_start_2:
0x237: {  	(tag) =	ssettag $0x2  }
0x238: {  	s0 =	rddreg [dreg:$0x0];
	s2 =	stileid.u32  }
0x239: {  	s1 =	rddreg [dreg:$0x1];
	p0 =	sne.s32 s2, $0x0  }
0x23a: {  	s3 =	rddreg [dreg:$0x2];
	[bflag:$0x3] =	sbarrier.arrive $0xFFFF;
	s2 =	simm.s32 @!p0 $0x1C12  }
0x23b: {  	[timem:s3], [sflag:s2] =	dma.local @!p0 [hbm:s0], s1  }
0x23c: {  	s0 =	simm.s32 @!p0 $0x12  }
0x23d: {  	_ =	swait.ge @!p0 [sflag:s0], s1  }
0x23e: {  	s1 =	ssub.s32 @!p0 $0x0, s1;
	[sflag:s0] =	ssyncset.done @!p0 $0x0  }
0x23f: {  	[sflag:s0] =	ssyncadd.s32 @!p0 s1  }
0x240: {  	[bflag:$0x3] =	sbarrier.arrive $0xFFFF  }
0x241: {  	_ =	shalt  }

// kernel: sparse-core-data-format-call.cloned.1.call-start
scs
called_computation_lowered:
.L_overlay_start_0:
0x0: {  	s2 =	sld [smem:$0x3FD9]  }
0x1: {  	s3 =	sld [smem:$0x3FFE];
	_ =	sdelay $0x1  }
0x2: {  	s1 =	srdreg.scid  }
0x3: {  	s0 =	sand.u32 $0x1, s1  }
0x4: {  	s18 =	sshll.u32 s0, $0xA;
	s2 =	sadd.s32 s3, s2  }
0x5: {  	s2 =	sadd.s32 s2, s18  }
0x6: {  	[smem:$0x3FC6] =	sst s2  }
0x7: {  	_ = 	snop  }
0x8: {  	s2 =	sld [smem:$0x3FD0];
	(tm) =	ssettm $0x1  }
0x9: {  	s19 =	sld [smem:$0x3FFB];
	_ =	sdelay $0x3  }
0xa: {  	_ =	strace s19  }
0xb: {  	s3 =	sld [smem:$0x3FFC];
	_ =	sdelay $0x3  }
0xc: {  	_ =	strace s3  }
0xd: {  	s3 =	sld [smem:$0x3FFD];
	_ =	sdelay $0x3  }
0xe: {  	_ =	strace s3  }
0xf: {  	_ =	strace $0x8FFFFFFF  }
0x10: {  	s20 =	sld [smem:$0x3FDB];
	_ =	sdelay $0x1  }
0x11: {  	s4 =	simm.s32 $_scs_section_size  }
0x12: {  	s5 =	simm.s32 $_size__tile_overlayer_lowered;
	s6 =	simm.s32 $_tile_overlayer_lowered  }
0x13: {  	s23 =	simm.s32 $0x1BFF;
	s22 =	sshll.u32 s6, $0x1;
	s3 =	sadd.s32 s4, s20  }
0x14: {  	s7 =	simm.s32 $0x0;
	s21 =	sshll.u32 s5, $0x1;
	s5 =	sadd.s32 s22, s3  }
0x15: {  	[timem:s7], [sflag:s23] =	dma.local [hbm:s5], s21  }
0x16: {  	_ =	swait.ge [sflag:s23], s21  }
0x17: {  	s4 =	ssub.s32 $0x0, s21;
	[sflag:s23] =	ssyncset.done $0x0  }
0x18: {  	[sflag:s23] =	ssyncadd.s32 s4;
	_ =	sdelay $0x1  }
0x19: {  	s24 =	simm.s32 $0x1B8B  }
0x1a: {  	_ =	swait.ge [sflag:s24], $0x1  }
0x1b: {  	[sflag:s24] =	ssyncset.done $0x0  }
0x1c: {  	s26 =	simm.s32 $0x1B8E;
	s25 =	sld [smem:$0x3FFE];
	[sflag:s24] =	ssyncadd.s32 $0xFFFFFFFF  }
0x1d: {  	s27 =	simm.s32 $execute0_lowered;
	[smem:$0x3FD2] =	sst s26  }
0x1e: {  	s5 =	sshll.u32 s27, $0x1;
	_ =	strace $0x80000049;
	[dreg:$0x1] =	wrdreg $0xFFFFFFFF  }
0x1f: {  	s28 =	simm.s32 $_size_execute0_lowered;
	s3 =	sadd.s32 s3, s5;
	[dreg:$0x0] =	wrdreg $0x0  }
0x20: {  	s5 =	sshll.u32 s28, $0x1;
	[dreg:$0x2] =	wrdreg s3  }
0x21: {  	[dreg:$0x3] =	wrdreg s5  }
0x22: {  	[dreg:$0x4] =	wrdreg $0xC0  }
0x23: {  	_ =	task [dreg:s7], $0x5FFFF  }
0x24: {  	[dreg:$0x1] =	wrdreg $0xFFFFFFFF  }
0x25: {  	[dreg:$0x0] =	wrdreg $0x60  }
0x26: {  	[dreg:$0x2] =	wrdreg s25  }
0x27: {  	[dreg:$0x3] =	wrdreg s2  }
0x28: {  	[dreg:$0x4] =	wrdreg $0x9  }
0x29: {  	_ =	task.clear_ibuf [dreg:s7], $0x5FFFF;
	_ =	strace $0x90000049  }
0x2a: {  	s29 =	simm.s32 $0x9;
	_ =	strace $0x8000004B  }
0x2b: {  	_ =	swait.ge [sflag:s29], $0x1  }
0x2c: {  	[sflag:s29] =	ssyncadd.s32 $0xFFFFFFFF  }
0x2d: {  	_ =	strace $0x9000004B  }
0x2e: {  	_ =	sfence  }
0x2f: {  	s30 =	sld [smem:$0x0];
	_ =	sdelay $0x2  }
0x30: {  	s31 =	sshll.u32 s1, $0xD;
	s1 =	sshrl.u32 s1, $0x2  }
0x31: {  	s3 =	sand.u32 $0x4000, s31;
	s1 =	sadd.s32 s1, s30  }
0x32: {  	s0 =	sor.u32 s3, s0;
	s1 =	sshll.u32 s1, $0x11  }
0x33: {  	s0 =	sor.u32 s1, s0  }
0x34: {  	s0 =	sadd.s32 $0x8F2B, s0  }
0x35: {  	[sflag:s0] =	ssyncadd.remote.s32 $0x1  }
0x36: {  	_ =	sfence.sel $0xFFFF  }
0x37: {  	[dreg:$0x0] =	wrdreg $0xFFFFFFFF;
	(pc) =	sbr.abs _section_cstart, $3  }
0x38: {  	[dreg:$0x1] =	wrdreg $0xFFFFFFFF  }
0x39: {  	_ =	task.clear_ibuf [dreg:s7], $0x2FFFF;
	_ =	strace $0x9FFFFFFF  }
0x3a: {  	(tm) =	ssettm $0x7FFFFFFF  }
0x3b: {  	_ =	shalt  }
tec
execute0_lowered:
.L_overlay_start_1:
0x0: {  	(tag) =	ssettag $0x1  }
0x1: {  	s0 =	srdreg.scid  }
0x2: {  	s1 =	sshll.u32 s0, $0x4  }
0x3: {  	s0 =	stileid.u32;
	s1 =	sand.u32 $0x10, s1  }
0x4: {  	s1 =	sor.u32 s0, s1  }
0x5: {  	s6 =	rddreg [dreg:$0x0];
	s4 =	simm.s32 $0x1;
	s2 =	sshll.u32 s1, $0x7  }
0x6: {  	s7 =	simm.s32 $0x2;
	s12 =	simm.s32 $0x0;
	s1 =	ssub.s32 $0x4000, s2  }
0x7: {  	s8 =	simm.s32 $0x20000;
	s13 =	simm.s32 $0x0;
	s3 =	sand.u32 $0xF80, s1  }
0x8: {  	s9 =	simm.s32 $0x0;
	s5 =	sshrl.u32 s1, $0xC;
	p0 =	sne.s32 s3, $0x0  }
.Ltmp0:
0x9: {  	s1 =	rddreg [dreg:$0x2];
	s4 =	simm.s32 @!p0 $0x0;
	(pc) =	sbr.rel .LBB1_1-.Ltmp0, $4  }
0xa: {  	s11 =	simm.s32 $0x0;
	s3 =	rddreg [dreg:$0x1];
	s5 =	sadd.s32 s4, s5  }
0xb: {  	_ =	strace $0x8000004A;
	s4 =	simm.s32 $0x1;
	s5 =	smul.u32 $0x1A, s5  }
0xc: {  	s6 =	sadd.s32 $0xA00, s6;
	s10 =	smov.u32 s2;
	[sflag:s4] =	ssyncpa.u1 $0x0  }
0xd: {  	p0 =	por $0x0, $0x0;
	[sflag:s7] =	ssyncpa.u1 $0x0;
	s7 =	sor.u32 $0x1, s5  }
.LBB1_4:
0xe: {  	s16 =	sshll.u32 s13, $0x3;
	s17 =	sand.u32 $0x78, s13  }
0xf: {  	s30 =	sand.u32 $0xF800, s13;
	s12 =	sshll.u32 s12, $0x10;
	s16 =	sand.u32 $0x3C00, s16  }
0x10: {  	s31 =	sand.u32 $0x7, s13;
	s16 =	sor.u32 s17, s16;
	s17 =	sadd.s32 s3, s30  }
0x11: {  	s13 =	sshll.u32 s31, $0x12;
	s16 =	sshrl.u32 s16, $0x3;
	s12 =	sadd.s32 s12, s17  }
0x12: {  	[tilespmem:s15+$0x0 ss:$0x81] =	vst.msk $0xffff, v0;
	s13 =	sor.u32 $0x400, s13;
	s12 =	sadd.s32 s16, s12  }
0x13: {  	[hbm4b:s12+s13] =	stream.strided.scatter [tilespmem:s14], [sflag:$0x2], $0x1000, s8, s13, $0x20;
	[tilespmem:$0x4040] =	vst v63  }
.LBB1_5:
0x14: {  	s14 =	sadd.s32 $0x1, s9  }
0x15: {  	s12 =	sadd.s32 $0x1000, s10;
	s16 =	smov.u32 s10;
	p2 =	sgt.s32 s14, $0x19  }
0x16: {  	s16 =	smov.u32 @p2 s12  }
0x17: {  	s14 =	simm.s32 @p2 $0x0;
	p2 =	sgt.s32 s16, $0x3FFF  }
0x18: {  	s16 =	smov.u32 @p2 s2;
	p2 =	sne.s32 s11, s7  }
.Ltmp1:
0x19: {  	p1 =	slt.u32 s11, $0x2;
	(pc) =	sbr.rel @!p2 .LBB1_6-.Ltmp1, $4  }
0x1a: {  	s15 =	simm.s32 @!p1 $0x2  }
0x1b: {  	s13 =	smov.u32 s10;
	p0 =	por !p0, !p0;
	_ =	swait.ge @!p1 [sflag:s15], $0x1000  }
0x1c: {  	s12 =	smov.u32 s9;
	[sflag:s15] =	ssyncset.done @!p1 $0x0;
	s9 =	smov.u32 s14  }
0x1d: {  	s11 =	sadd.s32 $0x1, s11;
	[sflag:s15] =	ssyncadd.s32 @!p1 $0xFFFFF000;
	s10 =	smov.u32 s16  }
.LBB1_1:
0x1e: {  	p1 =	sge.u32 s11, s5  }
0x1f: {  	s31 =	sadd.s32 $0xFFFFFFFF, s11;
	s14 =	sxor.u32 @!p1 $0xFFFFFFFF, s11  }
0x20: {  	s15 =	sshll.u32 @!p1 s10, $0x9;
	s16 =	sshll.u32 @!p1 s9, $0x4;
	s17 =	simm.s32 @!p1 $0x1000  }
0x21: {  	s14 =	sshll.u32 @!p1 s14, $0xC;
	s16 =	sand.u32 @!p1 $0x1F0, s16;
	s15 =	sadd.s32 @!p1 s6, s15  }
0x22: {  	s14 =	sand.u32 @!p1 $0x1000, s14;
	s15 =	sadd.s32 @!p1 s16, s15;
	s16 =	simm.s32 @!p1 $0x20  }
0x23: {  	[tilespmem:s14], [sflag:$0x1] =	stream.strided.gather @!p1 [hbm4b:s15+s16], $0x1000, s17, s16, $0x38;
	[tilespmem:$0x4040] =	vst v63  }
0x24: {  	p1 =	sge.u32 s31, s5  }
.Ltmp2:
0x25: {  	_ = 	snop;
	(pc) =	sbr.rel @p1 .LBB1_5-.Ltmp2, $1  }
0x26: {  	_ =	sdelay $0x3  }
0x27: {  	s14 =	simm.s32 $0x1  }
0x28: {  	_ =	swait.ge [sflag:s4], $0x1000;
	s14 =	simm.s32 @!p0 $0x0  }
0x29: {  	[sflag:s4] =	ssyncset.done $0x0;
	s15 =	sshll.u32 s14, $0xC  }
0x2a: {  	[sflag:s4] =	ssyncadd.s32 $0xFFFFF000;
	s18 =	sor.u32 $0x10, s15  }
0x2b: {  	s14 =	smul.u32 $0x4080, s14;
	v1 =	vld [tilespmem:s18+$0x0]  }
0x2c: {  	s30 =	sand.u32 $0x1, s11;
	v0 =	vld [tilespmem:s18+$0xFFFFFFF0]  }
0x2d: {  	s15 =	smul.u32 $0x4080, s30;
	s14 =	sshrl.u32 s14, $0x2  }
0x2e: {  	s16 =	sor.u32 $0x2000, s14  }
0x2f: {  	s31 =	sshrl.u32 s15, $0x2;
	s15 =	sadd.s32 $0x0, s16  }
0x30: {  	s17 =	simm.s32 $0x4;
	s18 =	sadd.s32 $0x20, s18;
	s14 =	sor.u32 $0x2000, s31;
	[tilespmem:s15+$0x810 ss:$0x81] =	vst.msk $0xffff, v1  }
.LBB1_3:
0x31: {  	v1 =	vld [tilespmem:s18+$0x0];
	p1 =	sne.s32 s17, $0x1FC;
	[tilespmem:s15+$0x0 ss:$0x81] =	vst.msk $0xffff, v0;
	s15 =	smov.u32 s17;
	s17 =	sadd.s32 $0x4, s17  }
.Ltmp3:
0x32: {  	v0 =	vld [tilespmem:s18+$0xFFFFFFF0];
	(pc) =	sbr.rel @p1 .LBB1_3-.Ltmp3, $4  }
0x33: {  	_ = 	snop  }
0x34: {  	s15 =	sshra.s32 s15, $0x2  }
0x35: {  	s15 =	sadd.s32 s15, s16  }
0x36: {  	s18 =	sadd.s32 $0x20, s18;
	[tilespmem:s15+$0x810 ss:$0x81] =	vst.msk $0xffff, v1  }
.Ltmp4:
0x37: {  	_ = 	snop;
	(pc) =	sbr.rel .LBB1_4-.Ltmp4, $1  }
0x38: {  	_ =	sdelay $0x3  }
.LBB1_6:
0x39: {  	_ =	sfence.sel $0x180000  }
0x3a: {  	s2 =	simm.s32 $0x1;
	[bflag:$0x0] =	sbarrier.arrive $0xFFFF  }
0x3b: {  	s31 =	simm.s32 $0x2;
	[sflag:s2] =	ssyncpa.u1 $0x1  }
0x3c: {  	[sflag:s31] =	ssyncpa.u1 $0x1  }
0x3d: {  	p0 =	sne.s32 s0, $0x0;
	_ =	strace $0x9000004A  }
0x3e: {  	s0 =	sadd.s32 @!p0 $0x100000, s1;
	[bflag:$0x2] =	sbarrier.arrive $0xFFFF  }
0x3f: {  	[sflag:s0] =	ssyncadd.tile.s32 @!p0 $0x1;
	_ =	shalt  }
.Lfunc_end1:
_tile_overlayer_lowered:
.L_overlay_start_2:
0x40: {  	(tag) =	ssettag $0x2  }
0x41: {  	s0 =	rddreg [dreg:$0x0];
	s2 =	stileid.u32  }
0x42: {  	s1 =	rddreg [dreg:$0x1];
	p0 =	sne.s32 s2, $0x0  }
0x43: {  	s3 =	rddreg [dreg:$0x2];
	[bflag:$0x3] =	sbarrier.arrive $0xFFFF;
	s2 =	simm.s32 @!p0 $0x1C01  }
0x44: {  	[timem:s3], [sflag:s2] =	dma.local @!p0 [hbm:s0], s1  }
0x45: {  	s0 =	simm.s32 @!p0 $0x1  }
0x46: {  	_ =	swait.ge @!p0 [sflag:s0], s1  }
0x47: {  	s1 =	ssub.s32 @!p0 $0x0, s1;
	[sflag:s0] =	ssyncset.done @!p0 $0x0  }
0x48: {  	[sflag:s0] =	ssyncadd.s32 @!p0 s1  }
0x49: {  	[bflag:$0x3] =	sbarrier.arrive $0xFFFF  }
0x4a: {  	_ =	shalt  }

</sc_bundles>
